<compile_context>
chip_gen: v7x
topology: tpu7x:2x2x1
jax: 0.10.2.dev20260603
libtpu: 0.0.44.dev20260713+nightly
codegen_flags: <defaults>
</compile_context>

<pallas_src>
import jax
import jax.numpy as jnp
import numpy as np
from jax import lax
from jax.experimental import pallas as pl
from jax.experimental.pallas import tpu as pltpu
from jax.experimental.pallas import tpu_sc as plsc

_BN_INV = float(1.0 / np.sqrt(1.0 + 1e-5))

N = 50000
D_IN = 39
EMB = 64
ROW = 128
E_LINK = 800000
E_INT = 400000
E_A2B = 400000
B_ALL = 2 * (E_LINK + E_INT + E_A2B)

NW = 32
CE = 200

BN = 2000
BE = 2000


_PCOL0, _SCOL, _VCOL0 = EMB, EMB + 3, EMB + 4


def _dot(a, b):
    return jnp.dot(a, b, preferred_element_type=jnp.float32,
                   precision=jax.lax.Precision.HIGHEST)


def _split(x):
    xh = x.astype(jnp.bfloat16)
    xl = (x - xh.astype(jnp.float32)).astype(jnp.bfloat16)
    return xh, xl


def _dot3(xh, xl, wh, wl):
    f = jnp.float32
    return (jnp.dot(xh, wh, preferred_element_type=f)
            + jnp.dot(xh, wl, preferred_element_type=f)
            + jnp.dot(xl, wh, preferred_element_type=f))


def _dot4(xh, xl, wh, wl):
    f = jnp.float32
    return (jnp.dot(xh, wh, preferred_element_type=f)
            + jnp.dot(xh, wl, preferred_element_type=f)
            + jnp.dot(xl, wh, preferred_element_type=f)
            + jnp.dot(xl, wl, preferred_element_type=f))


def _split_w(w):
    wh = w.astype(jnp.bfloat16)
    wl = (w - wh.astype(jnp.float32)).astype(jnp.bfloat16)
    return wh, wl


def _node_kernel(x_ref, xyz_ref, vec_ref,
                 w1_ref, b1_ref, g_ref, bt_ref, w2_ref, b2_ref,
                 nw1_ref, nb1_ref, ng_ref, nbt_ref, nw2_ref, nb2_ref,
                 tab_ref, node_ref):
    xb = x_ref[...]
    h = jnp.maximum(_dot(xb, w1_ref[...]) + b1_ref[...], 0.0)
    h = g_ref[...] * (h * _BN_INV) + bt_ref[...]
    e = jnp.maximum(_dot(h, w2_ref[...]) + b2_ref[...], 0.0)
    hn = jnp.maximum(_dot(e, nw1_ref[...]) + nb1_ref[...], 0.0)
    hn = ng_ref[...] * (hn * _BN_INV) + nbt_ref[...]
    node_ref[...] = _dot(hn, nw2_ref[...]) + nb2_ref[...]
    p = xyz_ref[...]
    v = vec_ref[...]
    s = jnp.sum(p * p, axis=1, keepdims=True)
    nrm = jnp.sqrt(jnp.sum(v * v, axis=1, keepdims=True))
    vh = v / jnp.maximum(nrm, 1e-8)
    tab_ref[...] = jnp.concatenate(
        [e, p, s, vh, jnp.zeros((p.shape[0], ROW - EMB - 7), jnp.float32)],
        axis=1)


def _full(shape):
    return pl.BlockSpec(shape, lambda i: tuple(0 for _ in shape))


def _node_stage(x, xyz, vec, fh_W1, fh_b1, fh_g, fh_bt, fh_W2, fh_b2,
                nd_W1, nd_b1, nd_g, nd_bt, nd_W2, nd_b2):
    grid = (N // BN,)
    return pl.pallas_call(
        _node_kernel,
        grid=grid,
        in_specs=[
            pl.BlockSpec((BN, D_IN), lambda i: (i, 0)),
            pl.BlockSpec((BN, 3), lambda i: (i, 0)),
            pl.BlockSpec((BN, 3), lambda i: (i, 0)),
            _full((D_IN, 256)), _full((256,)), _full((256,)), _full((256,)),
            _full((256, EMB)), _full((EMB,)),
            _full((EMB, 128)), _full((128,)), _full((128,)), _full((128,)),
            _full((128, 16)), _full((16,)),
        ],
        out_specs=[
            pl.BlockSpec((BN, ROW), lambda i: (i, 0)),
            pl.BlockSpec((BN, 16), lambda i: (i, 0)),
        ],
        out_shape=[
            jax.ShapeDtypeStruct((N, ROW), jnp.float32),
            jax.ShapeDtypeStruct((N, 16), jnp.float32),
        ],
    )(x, xyz, vec, fh_W1, fh_b1, fh_g, fh_bt, fh_W2, fh_b2,
      nd_W1, nd_b1, nd_g, nd_bt, nd_W2, nd_b2)


def _gather_call(tab, idx_all, row_off, n_rows):
    NB = 4
    rpw = n_rows // NW
    ngrp = rpw // (NB * CE)
    tail = (rpw - ngrp * NB * CE) // CE

    def body(tab_hbm, idx_hbm, out_hbm, *refs):
        idx_v = refs[0:NB]
        rows_v = refs[NB:2 * NB]
        gsem = refs[2 * NB:3 * NB]
        ssem = refs[3 * NB:4 * NB]
        wid = lax.axis_index("s") * 2 + lax.axis_index("c")
        base = wid * rpw

        def grp(i, carry):
            off = base + i * (NB * CE)
            gs = []
            for b in range(NB):
                pltpu.sync_copy(
                    idx_hbm.at[pl.ds(row_off + off + b * CE, CE)], idx_v[b])
                gs.append(pltpu.async_copy(tab_hbm.at[idx_v[b]], rows_v[b],
                                           gsem[b]))
            ss = []
            for b in range(NB):
                gs[b].wait()
                ss.append(pltpu.async_copy(
                    rows_v[b], out_hbm.at[pl.ds(off + b * CE, CE)], ssem[b]))
            for b in range(NB):
                ss[b].wait()
            return carry

        lax.fori_loop(0, ngrp, grp, 0)
        for b in range(tail):
            off = base + ngrp * NB * CE + b * CE
            pltpu.sync_copy(idx_hbm.at[pl.ds(row_off + off, CE)], idx_v[b])
            pltpu.async_copy(tab_hbm.at[idx_v[b]], rows_v[b], gsem[b]).wait()
            pltpu.sync_copy(rows_v[b], out_hbm.at[pl.ds(off, CE)])

    mesh = plsc.VectorSubcoreMesh(core_axis_name="c", subcore_axis_name="s")
    k = pl.kernel(
        body,
        out_type=jax.ShapeDtypeStruct((n_rows, ROW), jnp.float32),
        mesh=mesh,
        scratch_types=(
            [pltpu.VMEM((CE,), jnp.int32) for _ in range(NB)]
            + [pltpu.VMEM((CE, ROW), jnp.float32) for _ in range(NB)]
            + [pltpu.SemaphoreType.DMA for _ in range(2 * NB)]
        ),
    )
    return k(tab, idx_all)


def _pair_head_kernel(b0_ref, b1_ref, w1ah_ref, w1al_ref, w1bh_ref,
                      w1bl_ref, wgh_ref, wgl_ref, bias1_ref,
                      g_ref, bt_ref, w2h_ref, w2l_ref, b2_ref, out_ref):
    b0 = b0_ref[...]
    b1 = b1_ref[...]
    m = b0 * b1
    b0h, b0l = _split(b0)
    b1h, b1l = _split(b1)
    mh, ml = _split(m)
    pre = (_dot3(b0h, b0l, w1ah_ref[...], w1al_ref[...])
           + _dot3(b1h, b1l, w1bh_ref[...], w1bl_ref[...])
           + _dot3(mh, ml, wgh_ref[...], wgl_ref[...])
           + bias1_ref[...])
    h = jnp.maximum(pre, 0.0)
    h = g_ref[...] * (h * _BN_INV) + bt_ref[...]
    hh, hl = _split(h)
    out_ref[...] = (_dot4(hh, hl, w2h_ref[...], w2l_ref[...])
                    + b2_ref[...])


def _pair_weights(W1):
    hid = W1.shape[1]
    wd = W1[2 * EMB]
    wa = W1[2 * EMB + 1]
    w1a = jnp.zeros((ROW, hid), jnp.float32).at[:EMB].set(W1[:EMB])
    w1a = w1a.at[_SCOL].set(wd)
    w1b = jnp.zeros((ROW, hid), jnp.float32).at[:EMB].set(W1[EMB:2 * EMB])
    w1b = w1b.at[_SCOL].set(wd)
    wgeo = jnp.zeros((ROW, hid), jnp.float32)
    wgeo = wgeo.at[_PCOL0:_PCOL0 + 3].set(jnp.tile(-2.0 * wd, (3, 1)))
    wgeo = wgeo.at[_VCOL0:_VCOL0 + 3].set(jnp.tile(wa, (3, 1)))
    return w1a, w1b, wgeo


def _pair_head(T, n_edges, src_off, dst_off, W1, b1, g, bt, W2, b2,
               out_dim):
    w1a, w1b, wgeo = _pair_weights(W1)
    w1ah, w1al = _split_w(w1a)
    w1bh, w1bl = _split_w(w1b)
    wgh, wgl = _split_w(wgeo)
    w2h, w2l = _split_w(W2)
    hid = W1.shape[1]
    grid = (n_edges // BE,)
    return pl.pallas_call(
        _pair_head_kernel,
        grid=grid,
        in_specs=[
            pl.BlockSpec((BE, ROW), lambda i: (i + src_off, 0)),
            pl.BlockSpec((BE, ROW), lambda i: (i + dst_off, 0)),
            _full((ROW, hid)), _full((ROW, hid)),
            _full((ROW, hid)), _full((ROW, hid)),
            _full((ROW, hid)), _full((ROW, hid)),
            _full((hid,)), _full((hid,)), _full((hid,)),
            _full((hid, out_dim)), _full((hid, out_dim)),
            _full((out_dim,)),
        ],
        out_specs=pl.BlockSpec((BE, out_dim), lambda i: (i, 0)),
        out_shape=jax.ShapeDtypeStruct((n_edges, out_dim), jnp.float32),
    )(T, T, w1ah, w1al, w1bh, w1bl, wgh, wgl, b1, g, bt, w2h, w2l, b2)


def _a2b_head_kernel(b0_ref, b1_ref, w1ah_ref, w1al_ref, w1bh_ref,
                     w1bl_ref, bias1_ref, g_ref, bt_ref, w2h_ref, w2l_ref,
                     b2_ref, out_ref):
    b0h, b0l = _split(b0_ref[...])
    b1h, b1l = _split(b1_ref[...])
    pre = (_dot3(b0h, b0l, w1ah_ref[...], w1al_ref[...])
           + _dot3(b1h, b1l, w1bh_ref[...], w1bl_ref[...])
           + bias1_ref[...])
    h = jnp.maximum(pre, 0.0)
    h = g_ref[...] * (h * _BN_INV) + bt_ref[...]
    hh, hl = _split(h)
    out_ref[...] = (_dot4(hh, hl, w2h_ref[...], w2l_ref[...])
                    + b2_ref[...])


def _a2b_head(T, W1, b1, g, bt, W2, b2):
    hid = W1.shape[1]
    w1a = jnp.zeros((ROW, hid), jnp.float32).at[:EMB].set(W1[:EMB])
    w1b = jnp.zeros((ROW, hid), jnp.float32).at[:EMB].set(W1[EMB:])
    w1ah, w1al = _split_w(w1a)
    w1bh, w1bl = _split_w(w1b)
    w2h, w2l = _split_w(W2)
    out_dim = W2.shape[1]
    dst_off = E_A2B // BE
    grid = (E_A2B // BE,)
    return pl.pallas_call(
        _a2b_head_kernel,
        grid=grid,
        in_specs=[
            pl.BlockSpec((BE, ROW), lambda i: (i, 0)),
            pl.BlockSpec((BE, ROW), lambda i: (i + dst_off, 0)),
            _full((ROW, hid)), _full((ROW, hid)),
            _full((ROW, hid)), _full((ROW, hid)),
            _full((hid,)), _full((hid,)), _full((hid,)),
            _full((hid, out_dim)), _full((hid, out_dim)),
            _full((out_dim,)),
        ],
        out_specs=pl.BlockSpec((BE, out_dim), lambda i: (i, 0)),
        out_shape=jax.ShapeDtypeStruct((E_A2B, out_dim), jnp.float32),
    )(T, T, w1ah, w1al, w1bh, w1bl, b1, g, bt, w2h, w2l, b2)


def kernel(x, edge_index, edge_attr, interaction_edge_index_pos,
           interaction_edge_index, xyz_data, vector_data, a2b_index, mask,
           fh_W1, fh_b1, fh_g, fh_bt, fh_W2, fh_b2,
           lc_W1, lc_b1, lc_g, lc_bt, lc_W2, lc_b2,
           ab_W1, ab_b1, ab_g, ab_bt, ab_W2, ab_b2,
           nd_W1, nd_b1, nd_g, nd_bt, nd_W2, nd_b2,
           it_W1, it_b1, it_g, it_bt, it_W2, it_b2):
    tab, node_preds = _node_stage(
        x, xyz_data, vector_data, fh_W1, fh_b1, fh_g, fh_bt, fh_W2, fh_b2,
        nd_W1, nd_b1, nd_g, nd_bt, nd_W2, nd_b2)

    idx_all = jnp.concatenate([
        interaction_edge_index[0], interaction_edge_index[1],
        interaction_edge_index_pos[0], interaction_edge_index_pos[1],
        a2b_index[0], a2b_index[1],
    ]).astype(jnp.int32)

    T_link = _gather_call(tab, idx_all, 0, 2 * E_LINK)
    T_int = _gather_call(tab, idx_all, 2 * E_LINK, 2 * E_INT)
    T_a2b = _gather_call(tab, idx_all, 2 * (E_LINK + E_INT), 2 * E_A2B)

    link_preds = _pair_head(T_link, E_LINK, 0, E_LINK // BE,
                            lc_W1, lc_b1, lc_g, lc_bt, lc_W2, lc_b2, 1)
    int_preds = _pair_head(T_int, E_INT, 0, E_INT // BE,
                           it_W1, it_b1, it_g, it_bt, it_W2, it_b2, 3)
    a2b_preds = _a2b_head(T_a2b, ab_W1, ab_b1, ab_g, ab_bt, ab_W2, ab_b2)

    return (link_preds, a2b_preds, node_preds, int_preds)

# --- scband reference (transcript-rebuilt; emitter-appended) ---
"""Pipeline reference for scband-gnnmodel-40372692582493 (READ-ONLY COPY).

The authoritative reference and input builder live on the scoring server;
editing this copy changes nothing except your own understanding.
"""

import jax, jax.numpy as jnp
import numpy as np

_BN_DEN = float(np.sqrt(1.0 + 1e-5))

def _mlp_head(h, W1, b1, g, bt, W2, b2):
    a = jnp.maximum(h @ W1 + b1, 0.0)
    a = g * (a / _BN_DEN) + bt
    return a @ W2 + b2

def _cos(v0, v1):
    dot = jnp.sum(v0 * v1, axis=1)
    n0 = jnp.sqrt(jnp.sum(v0 * v0, axis=1))
    n1 = jnp.sqrt(jnp.sum(v1 * v1, axis=1))
    return dot / (jnp.maximum(n0, 1e-8) * jnp.maximum(n1, 1e-8))

def setup_inputs(seed: int = 0):
    key = jax.random.key(seed)
    ks = jax.random.split(key, 48)
    N = 50000; E = 800000; Ei = 800000; Ep = 400000; Ea = 400000
    D_IN = 39; EMB = 64; FCN = 256; CLF = 128
    def w(i, shape):
        return jax.random.normal(ks[i], shape, dtype=jnp.float32) * 0.05
    inp = {}
    inp['x'] = jax.random.normal(ks[0], (N, D_IN), dtype=jnp.float32)
    inp['edge_index'] = jax.random.randint(ks[1], (2, E), 0, N)
    inp['edge_attr'] = jax.random.normal(ks[2], (E, 27), dtype=jnp.float32)
    inp['interaction_edge_index_pos'] = jax.random.randint(ks[3], (2, Ep), 0, N)
    inp['interaction_edge_index'] = jax.random.randint(ks[4], (2, Ei), 0, N)
    inp['xyz_data'] = jax.random.normal(ks[5], (N, 3), dtype=jnp.float32)
    inp['vector_data'] = jax.random.normal(ks[6], (N, 3), dtype=jnp.float32)
    inp['a2b_index'] = jax.random.randint(ks[7], (2, Ea), 0, N)
    inp['mask'] = jnp.ones((1,), dtype=jnp.float32)
    # fcn_head: Linear(39,256) ReLU BN Linear(256,64) ReLU
    inp['fh_W1'] = w(8, (D_IN, FCN)); inp['fh_b1'] = w(9, (FCN,))
    inp['fh_g'] = w(10, (FCN,)) + 1.0; inp['fh_bt'] = w(11, (FCN,))
    inp['fh_W2'] = w(12, (FCN, EMB)); inp['fh_b2'] = w(13, (EMB,))
    # link_clf: Linear(2*EMB+2,128) ReLU BN Linear(128,1)
    inp['lc_W1'] = w(14, (2 * EMB + 2, CLF)); inp['lc_b1'] = w(15, (CLF,))
    inp['lc_g'] = w(16, (CLF,)) + 1.0; inp['lc_bt'] = w(17, (CLF,))
    inp['lc_W2'] = w(18, (CLF, 1)); inp['lc_b2'] = w(19, (1,))
    # fcn_head_a2b: Linear(2*EMB,128) ReLU BN Linear(128,6)
    inp['ab_W1'] = w(20, (2 * EMB, CLF)); inp['ab_b1'] = w(21, (CLF,))
    inp['ab_g'] = w(22, (CLF,)) + 1.0; inp['ab_bt'] = w(23, (CLF,))
    inp['ab_W2'] = w(24, (CLF, 6)); inp['ab_b2'] = w(25, (6,))
    # fcn_head_node: Linear(EMB,128) ReLU BN Linear(128,16)
    inp['nd_W1'] = w(26, (EMB, CLF)); inp['nd_b1'] = w(27, (CLF,))
    inp['nd_g'] = w(28, (CLF,)) + 1.0; inp['nd_bt'] = w(29, (CLF,))
    inp['nd_W2'] = w(30, (CLF, 16)); inp['nd_b2'] = w(31, (16,))
    # fcn_int_node: Linear(2*EMB+2,128) ReLU BN Linear(128,3)
    inp['it_W1'] = w(32, (2 * EMB + 2, CLF)); inp['it_b1'] = w(33, (CLF,))
    inp['it_g'] = w(34, (CLF,)) + 1.0; inp['it_bt'] = w(35, (CLF,))
    inp['it_W2'] = w(36, (CLF, 3)); inp['it_b2'] = w(37, (3,))
    return inp

def reference(x, edge_index, edge_attr, interaction_edge_index_pos, interaction_edge_index, xyz_data, vector_data, a2b_index, mask, fh_W1, fh_b1, fh_g, fh_bt, fh_W2, fh_b2, lc_W1, lc_b1, lc_g, lc_bt, lc_W2, lc_b2, ab_W1, ab_b1, ab_g, ab_bt, ab_W2, ab_b2, nd_W1, nd_b1, nd_g, nd_bt, nd_W2, nd_b2, it_W1, it_b1, it_g, it_bt, it_W2, it_b2):
    # use_gnn=False, use_evolver=False: embedding = fcn_head(x)
    emb = jnp.maximum(_mlp_head(x, fh_W1, fh_b1, fh_g, fh_bt, fh_W2, fh_b2), 0.0)
    def pair(idx):
        e = jnp.concatenate([emb[idx[0]], emb[idx[1]]], axis=1)
        p0 = xyz_data[idx[0]]; p1 = xyz_data[idx[1]]
        d = jnp.sum((p0 - p1) ** 2, axis=1)
        a = _cos(vector_data[idx[0]], vector_data[idx[1]])
        return jnp.concatenate([e, d[:, None], a[:, None]], axis=1)
    link_preds = _mlp_head(pair(interaction_edge_index), lc_W1, lc_b1, lc_g, lc_bt, lc_W2, lc_b2)
    a2b_in = jnp.concatenate([emb[a2b_index[0]], emb[a2b_index[1]]], axis=1)
    a2b_preds = _mlp_head(a2b_in, ab_W1, ab_b1, ab_g, ab_bt, ab_W2, ab_b2)
    node_preds = _mlp_head(emb, nd_W1, nd_b1, nd_g, nd_bt, nd_W2, nd_b2)
    int_preds = _mlp_head(pair(interaction_edge_index_pos), it_W1, it_b1, it_g, it_bt, it_W2, it_b2)
    return (link_preds, a2b_preds, node_preds, int_preds)

if __name__ == "__main__":
    import jax
    _d = setup_inputs()
    print(jax.jit(kernel)(*tuple(_d.values())))

</pallas_src>

<mosaic_0001>
#map = affine_map<(d0, d1) -> (0, 0)>
#map1 = affine_map<(d0, d1) -> (0)>
module attributes {stable_mosaic.version = 14 : i64} {
  func.func @body(%arg0: i32, %arg1: i32, %arg2: memref<50000x128xf32, #tpu.memory_space<hbm>>, %arg3: memref<3200000xi32, #tpu.memory_space<hbm>>, %arg4: memref<800000x128xf32, #tpu.memory_space<hbm>>, %arg5: memref<200xi32, #tpu.memory_space<vmem>>, %arg6: memref<200xi32, #tpu.memory_space<vmem>>, %arg7: memref<200xi32, #tpu.memory_space<vmem>>, %arg8: memref<200xi32, #tpu.memory_space<vmem>>, %arg9: memref<200x128xf32, #tpu.memory_space<vmem>>, %arg10: memref<200x128xf32, #tpu.memory_space<vmem>>, %arg11: memref<200x128xf32, #tpu.memory_space<vmem>>, %arg12: memref<200x128xf32, #tpu.memory_space<vmem>>, %arg13: memref<!tpu.dma_semaphore, #tpu.memory_space<semaphore_mem>>, %arg14: memref<!tpu.dma_semaphore, #tpu.memory_space<semaphore_mem>>, %arg15: memref<!tpu.dma_semaphore, #tpu.memory_space<semaphore_mem>>, %arg16: memref<!tpu.dma_semaphore, #tpu.memory_space<semaphore_mem>>, %arg17: memref<!tpu.dma_semaphore, #tpu.memory_space<semaphore_mem>>, %arg18: memref<!tpu.dma_semaphore, #tpu.memory_space<semaphore_mem>>, %arg19: memref<!tpu.dma_semaphore, #tpu.memory_space<semaphore_mem>>, %arg20: memref<!tpu.dma_semaphore, #tpu.memory_space<semaphore_mem>>) attributes {dimension_semantics = [#tpu.dimension_semantics<core_parallel>, #tpu.dimension_semantics<subcore_parallel>], iteration_bounds = array<i64: 2, 16>, scalar_prefetch = 0 : i64, scratch_operands = 16 : i64, tpu.core_type = #tpu.core_type<sc_vector_subcore>, window_params = [{transform_indices = #map}, {transform_indices = #map1}, {transform_indices = #map}]} {
    %mul3A = arith.constant 2 : i32
    %mul3A_0 = arith.muli %arg1, %mul3A : i32
    %add3A = arith.addi %mul3A_0, %arg0 : i32
    %mul3A_1 = arith.constant 25000 : i32
    %mul3A_2 = arith.muli %add3A, %mul3A_1 : i32
    %scan3A = arith.constant 0 : i32
    %scan3A_3 = arith.constant 0 : i32
    %scan3A_4 = arith.constant 31 : i32
    %scan3A_5 = arith.addi %scan3A_3, %scan3A_4 : i32
    %scan3A_6 = arith.constant 1 : i32
    scf.for %scan3A_18 = %scan3A_3 to %scan3A_5 step %scan3A_6  : i32 {
      %mul3A_19 = arith.constant 800 : i32
      %mul3A_20 = arith.muli %scan3A_18, %mul3A_19 : i32
      %add3A_21 = arith.addi %mul3A_2, %mul3A_20 : i32
      %add3A_22 = arith.constant 2400000 : i32
      %add3A_23 = arith.addi %add3A_22, %add3A_21 : i32
      %add3A_24 = arith.constant 0 : i32
      %add3A_25 = arith.addi %add3A_23, %add3A_24 : i32
      "tpu.region"() ({
        %run_scoped3A = tpu.sem_alloc : memref<!tpu.dma_semaphore, #tpu.memory_space<semaphore_mem>>
        %dma_start3A_102 = tpu.memref_slice %arg3[%add3A_25] : memref<3200000xi32, #tpu.memory_space<hbm>> -> memref<200xi32, #tpu.memory_space<hbm>>
        %dma_start3A_103 = tpu.memref_slice %arg3[%add3A_25] : memref<3200000xi32, #tpu.memory_space<hbm>> -> memref<200xi32, #tpu.memory_space<hbm>>
        tpu.enqueue_dma source(%dma_start3A_103 : memref<200xi32, #tpu.memory_space<hbm>>) target(%arg5 : memref<200xi32, #tpu.memory_space<vmem>>) target_semaphore(%run_scoped3A : memref<!tpu.dma_semaphore, #tpu.memory_space<semaphore_mem>>)
        %dma_wait3A_104 = tpu.memref_slice %arg3[%add3A_25] : memref<3200000xi32, #tpu.memory_space<hbm>> -> memref<200xi32, #tpu.memory_space<hbm>>
        %dma_wait3A_105 = tpu.memref_slice %arg3[%add3A_25] : memref<3200000xi32, #tpu.memory_space<hbm>> -> memref<200xi32, #tpu.memory_space<hbm>>
        tpu.wait_dma2 semaphore(%run_scoped3A : memref<!tpu.dma_semaphore, #tpu.memory_space<semaphore_mem>>) src(%dma_wait3A_105 : memref<200xi32, #tpu.memory_space<hbm>>) dst(%arg5 : memref<200xi32, #tpu.memory_space<vmem>>)
        tpu.yield
      }) : () -> ()
      %dma_start3A_26 = arith.constant 0 : i32
      %dma_start3A_27 = arith.constant 0 : i32
      %dma_start3A_28 = tpu.memref_slice %arg2[%dma_start3A_26, %dma_start3A_27] : memref<50000x128xf32, #tpu.memory_space<hbm>> -> memref<50000x128xf32, #tpu.memory_space<hbm>>
      tpu.enqueue_indirect_dma source(%dma_start3A_28 : memref<50000x128xf32, #tpu.memory_space<hbm>>) target(%arg9 : memref<200x128xf32, #tpu.memory_space<vmem>>) offsets(%arg5 : memref<200xi32, #tpu.memory_space<vmem>>) semaphore(%arg13 : memref<!tpu.dma_semaphore, #tpu.memory_space<semaphore_mem>>)
      %add3A_29 = arith.constant 2400000 : i32
      %add3A_30 = arith.addi %add3A_29, %add3A_21 : i32
      %add3A_31 = arith.constant 200 : i32
      %add3A_32 = arith.addi %add3A_30, %add3A_31 : i32
      "tpu.region"() ({
        %run_scoped3A = tpu.sem_alloc : memref<!tpu.dma_semaphore, #tpu.memory_space<semaphore_mem>>
        %dma_start3A_102 = tpu.memref_slice %arg3[%add3A_32] : memref<3200000xi32, #tpu.memory_space<hbm>> -> memref<200xi32, #tpu.memory_space<hbm>>
        %dma_start3A_103 = tpu.memref_slice %arg3[%add3A_32] : memref<3200000xi32, #tpu.memory_space<hbm>> -> memref<200xi32, #tpu.memory_space<hbm>>
        tpu.enqueue_dma source(%dma_start3A_103 : memref<200xi32, #tpu.memory_space<hbm>>) target(%arg6 : memref<200xi32, #tpu.memory_space<vmem>>) target_semaphore(%run_scoped3A : memref<!tpu.dma_semaphore, #tpu.memory_space<semaphore_mem>>)
        %dma_wait3A_104 = tpu.memref_slice %arg3[%add3A_32] : memref<3200000xi32, #tpu.memory_space<hbm>> -> memref<200xi32, #tpu.memory_space<hbm>>
        %dma_wait3A_105 = tpu.memref_slice %arg3[%add3A_32] : memref<3200000xi32, #tpu.memory_space<hbm>> -> memref<200xi32, #tpu.memory_space<hbm>>
        tpu.wait_dma2 semaphore(%run_scoped3A : memref<!tpu.dma_semaphore, #tpu.memory_space<semaphore_mem>>) src(%dma_wait3A_105 : memref<200xi32, #tpu.memory_space<hbm>>) dst(%arg6 : memref<200xi32, #tpu.memory_space<vmem>>)
        tpu.yield
      }) : () -> ()
      %dma_start3A_33 = arith.constant 0 : i32
      %dma_start3A_34 = arith.constant 0 : i32
      %dma_start3A_35 = tpu.memref_slice %arg2[%dma_start3A_33, %dma_start3A_34] : memref<50000x128xf32, #tpu.memory_space<hbm>> -> memref<50000x128xf32, #tpu.memory_space<hbm>>
      tpu.enqueue_indirect_dma source(%dma_start3A_35 : memref<50000x128xf32, #tpu.memory_space<hbm>>) target(%arg10 : memref<200x128xf32, #tpu.memory_space<vmem>>) offsets(%arg6 : memref<200xi32, #tpu.memory_space<vmem>>) semaphore(%arg14 : memref<!tpu.dma_semaphore, #tpu.memory_space<semaphore_mem>>)
      %add3A_36 = arith.constant 2400000 : i32
      %add3A_37 = arith.addi %add3A_36, %add3A_21 : i32
      %add3A_38 = arith.constant 400 : i32
      %add3A_39 = arith.addi %add3A_37, %add3A_38 : i32
      "tpu.region"() ({
        %run_scoped3A = tpu.sem_alloc : memref<!tpu.dma_semaphore, #tpu.memory_space<semaphore_mem>>
        %dma_start3A_102 = tpu.memref_slice %arg3[%add3A_39] : memref<3200000xi32, #tpu.memory_space<hbm>> -> memref<200xi32, #tpu.memory_space<hbm>>
        %dma_start3A_103 = tpu.memref_slice %arg3[%add3A_39] : memref<3200000xi32, #tpu.memory_space<hbm>> -> memref<200xi32, #tpu.memory_space<hbm>>
        tpu.enqueue_dma source(%dma_start3A_103 : memref<200xi32, #tpu.memory_space<hbm>>) target(%arg7 : memref<200xi32, #tpu.memory_space<vmem>>) target_semaphore(%run_scoped3A : memref<!tpu.dma_semaphore, #tpu.memory_space<semaphore_mem>>)
        %dma_wait3A_104 = tpu.memref_slice %arg3[%add3A_39] : memref<3200000xi32, #tpu.memory_space<hbm>> -> memref<200xi32, #tpu.memory_space<hbm>>
        %dma_wait3A_105 = tpu.memref_slice %arg3[%add3A_39] : memref<3200000xi32, #tpu.memory_space<hbm>> -> memref<200xi32, #tpu.memory_space<hbm>>
        tpu.wait_dma2 semaphore(%run_scoped3A : memref<!tpu.dma_semaphore, #tpu.memory_space<semaphore_mem>>) src(%dma_wait3A_105 : memref<200xi32, #tpu.memory_space<hbm>>) dst(%arg7 : memref<200xi32, #tpu.memory_space<vmem>>)
        tpu.yield
      }) : () -> ()
      %dma_start3A_40 = arith.constant 0 : i32
      %dma_start3A_41 = arith.constant 0 : i32
      %dma_start3A_42 = tpu.memref_slice %arg2[%dma_start3A_40, %dma_start3A_41] : memref<50000x128xf32, #tpu.memory_space<hbm>> -> memref<50000x128xf32, #tpu.memory_space<hbm>>
      tpu.enqueue_indirect_dma source(%dma_start3A_42 : memref<50000x128xf32, #tpu.memory_space<hbm>>) target(%arg11 : memref<200x128xf32, #tpu.memory_space<vmem>>) offsets(%arg7 : memref<200xi32, #tpu.memory_space<vmem>>) semaphore(%arg15 : memref<!tpu.dma_semaphore, #tpu.memory_space<semaphore_mem>>)
      %add3A_43 = arith.constant 2400000 : i32
      %add3A_44 = arith.addi %add3A_43, %add3A_21 : i32
      %add3A_45 = arith.constant 600 : i32
      %add3A_46 = arith.addi %add3A_44, %add3A_45 : i32
      "tpu.region"() ({
        %run_scoped3A = tpu.sem_alloc : memref<!tpu.dma_semaphore, #tpu.memory_space<semaphore_mem>>
        %dma_start3A_102 = tpu.memref_slice %arg3[%add3A_46] : memref<3200000xi32, #tpu.memory_space<hbm>> -> memref<200xi32, #tpu.memory_space<hbm>>
        %dma_start3A_103 = tpu.memref_slice %arg3[%add3A_46] : memref<3200000xi32, #tpu.memory_space<hbm>> -> memref<200xi32, #tpu.memory_space<hbm>>
        tpu.enqueue_dma source(%dma_start3A_103 : memref<200xi32, #tpu.memory_space<hbm>>) target(%arg8 : memref<200xi32, #tpu.memory_space<vmem>>) target_semaphore(%run_scoped3A : memref<!tpu.dma_semaphore, #tpu.memory_space<semaphore_mem>>)
        %dma_wait3A_104 = tpu.memref_slice %arg3[%add3A_46] : memref<3200000xi32, #tpu.memory_space<hbm>> -> memref<200xi32, #tpu.memory_space<hbm>>
        %dma_wait3A_105 = tpu.memref_slice %arg3[%add3A_46] : memref<3200000xi32, #tpu.memory_space<hbm>> -> memref<200xi32, #tpu.memory_space<hbm>>
        tpu.wait_dma2 semaphore(%run_scoped3A : memref<!tpu.dma_semaphore, #tpu.memory_space<semaphore_mem>>) src(%dma_wait3A_105 : memref<200xi32, #tpu.memory_space<hbm>>) dst(%arg8 : memref<200xi32, #tpu.memory_space<vmem>>)
        tpu.yield
      }) : () -> ()
      %dma_start3A_47 = arith.constant 0 : i32
      %dma_start3A_48 = arith.constant 0 : i32
      %dma_start3A_49 = tpu.memref_slice %arg2[%dma_start3A_47, %dma_start3A_48] : memref<50000x128xf32, #tpu.memory_space<hbm>> -> memref<50000x128xf32, #tpu.memory_space<hbm>>
      tpu.enqueue_indirect_dma source(%dma_start3A_49 : memref<50000x128xf32, #tpu.memory_space<hbm>>) target(%arg12 : memref<200x128xf32, #tpu.memory_space<vmem>>) offsets(%arg8 : memref<200xi32, #tpu.memory_space<vmem>>) semaphore(%arg16 : memref<!tpu.dma_semaphore, #tpu.memory_space<semaphore_mem>>)
      %dma_wait3A_50 = arith.constant 0 : i32
      %dma_wait3A_51 = arith.constant 0 : i32
      %dma_wait3A_52 = tpu.memref_slice %arg2[%dma_wait3A_50, %dma_wait3A_51] : memref<50000x128xf32, #tpu.memory_space<hbm>> -> memref<50000x128xf32, #tpu.memory_space<hbm>>
      tpu.wait_indirect_dma semaphore(%arg13 : memref<!tpu.dma_semaphore, #tpu.memory_space<semaphore_mem>>) src(%dma_wait3A_52 : memref<50000x128xf32, #tpu.memory_space<hbm>>) dst(%arg9 : memref<200x128xf32, #tpu.memory_space<vmem>>)
      %add3A_53 = arith.constant 0 : i32
      %add3A_54 = arith.addi %add3A_21, %add3A_53 : i32
      %dma_start3A_55 = arith.constant 0 : i32
      %dma_start3A_56 = tpu.memref_slice %arg4[%add3A_54, %dma_start3A_55] : memref<800000x128xf32, #tpu.memory_space<hbm>> -> memref<200x128xf32, #tpu.memory_space<hbm>>
      %dma_start3A_57 = arith.constant 0 : i32
      %dma_start3A_58 = tpu.memref_slice %arg4[%add3A_54, %dma_start3A_57] : memref<800000x128xf32, #tpu.memory_space<hbm>> -> memref<200x128xf32, #tpu.memory_space<hbm>>
      tpu.enqueue_dma source(%arg9 : memref<200x128xf32, #tpu.memory_space<vmem>>) target(%dma_start3A_58 : memref<200x128xf32, #tpu.memory_space<hbm>>) target_semaphore(%arg17 : memref<!tpu.dma_semaphore, #tpu.memory_space<semaphore_mem>>)
      %dma_wait3A_59 = arith.constant 0 : i32
      %dma_wait3A_60 = arith.constant 0 : i32
      %dma_wait3A_61 = tpu.memref_slice %arg2[%dma_wait3A_59, %dma_wait3A_60] : memref<50000x128xf32, #tpu.memory_space<hbm>> -> memref<50000x128xf32, #tpu.memory_space<hbm>>
      tpu.wait_indirect_dma semaphore(%arg14 : memref<!tpu.dma_semaphore, #tpu.memory_space<semaphore_mem>>) src(%dma_wait3A_61 : memref<50000x128xf32, #tpu.memory_space<hbm>>) dst(%arg10 : memref<200x128xf32, #tpu.memory_space<vmem>>)
      %add3A_62 = arith.constant 200 : i32
      %add3A_63 = arith.addi %add3A_21, %add3A_62 : i32
      %dma_start3A_64 = arith.constant 0 : i32
      %dma_start3A_65 = tpu.memref_slice %arg4[%add3A_63, %dma_start3A_64] : memref<800000x128xf32, #tpu.memory_space<hbm>> -> memref<200x128xf32, #tpu.memory_space<hbm>>
      %dma_start3A_66 = arith.constant 0 : i32
      %dma_start3A_67 = tpu.memref_slice %arg4[%add3A_63, %dma_start3A_66] : memref<800000x128xf32, #tpu.memory_space<hbm>> -> memref<200x128xf32, #tpu.memory_space<hbm>>
      tpu.enqueue_dma source(%arg10 : memref<200x128xf32, #tpu.memory_space<vmem>>) target(%dma_start3A_67 : memref<200x128xf32, #tpu.memory_space<hbm>>) target_semaphore(%arg18 : memref<!tpu.dma_semaphore, #tpu.memory_space<semaphore_mem>>)
      %dma_wait3A_68 = arith.constant 0 : i32
      %dma_wait3A_69 = arith.constant 0 : i32
      %dma_wait3A_70 = tpu.memref_slice %arg2[%dma_wait3A_68, %dma_wait3A_69] : memref<50000x128xf32, #tpu.memory_space<hbm>> -> memref<50000x128xf32, #tpu.memory_space<hbm>>
      tpu.wait_indirect_dma semaphore(%arg15 : memref<!tpu.dma_semaphore, #tpu.memory_space<semaphore_mem>>) src(%dma_wait3A_70 : memref<50000x128xf32, #tpu.memory_space<hbm>>) dst(%arg11 : memref<200x128xf32, #tpu.memory_space<vmem>>)
      %add3A_71 = arith.constant 400 : i32
      %add3A_72 = arith.addi %add3A_21, %add3A_71 : i32
      %dma_start3A_73 = arith.constant 0 : i32
      %dma_start3A_74 = tpu.memref_slice %arg4[%add3A_72, %dma_start3A_73] : memref<800000x128xf32, #tpu.memory_space<hbm>> -> memref<200x128xf32, #tpu.memory_space<hbm>>
      %dma_start3A_75 = arith.constant 0 : i32
      %dma_start3A_76 = tpu.memref_slice %arg4[%add3A_72, %dma_start3A_75] : memref<800000x128xf32, #tpu.memory_space<hbm>> -> memref<200x128xf32, #tpu.memory_space<hbm>>
      tpu.enqueue_dma source(%arg11 : memref<200x128xf32, #tpu.memory_space<vmem>>) target(%dma_start3A_76 : memref<200x128xf32, #tpu.memory_space<hbm>>) target_semaphore(%arg19 : memref<!tpu.dma_semaphore, #tpu.memory_space<semaphore_mem>>)
      %dma_wait3A_77 = arith.constant 0 : i32
      %dma_wait3A_78 = arith.constant 0 : i32
      %dma_wait3A_79 = tpu.memref_slice %arg2[%dma_wait3A_77, %dma_wait3A_78] : memref<50000x128xf32, #tpu.memory_space<hbm>> -> memref<50000x128xf32, #tpu.memory_space<hbm>>
      tpu.wait_indirect_dma semaphore(%arg16 : memref<!tpu.dma_semaphore, #tpu.memory_space<semaphore_mem>>) src(%dma_wait3A_79 : memref<50000x128xf32, #tpu.memory_space<hbm>>) dst(%arg12 : memref<200x128xf32, #tpu.memory_space<vmem>>)
      %add3A_80 = arith.constant 600 : i32
      %add3A_81 = arith.addi %add3A_21, %add3A_80 : i32
      %dma_start3A_82 = arith.constant 0 : i32
      %dma_start3A_83 = tpu.memref_slice %arg4[%add3A_81, %dma_start3A_82] : memref<800000x128xf32, #tpu.memory_space<hbm>> -> memref<200x128xf32, #tpu.memory_space<hbm>>
      %dma_start3A_84 = arith.constant 0 : i32
      %dma_start3A_85 = tpu.memref_slice %arg4[%add3A_81, %dma_start3A_84] : memref<800000x128xf32, #tpu.memory_space<hbm>> -> memref<200x128xf32, #tpu.memory_space<hbm>>
      tpu.enqueue_dma source(%arg12 : memref<200x128xf32, #tpu.memory_space<vmem>>) target(%dma_start3A_85 : memref<200x128xf32, #tpu.memory_space<hbm>>) target_semaphore(%arg20 : memref<!tpu.dma_semaphore, #tpu.memory_space<semaphore_mem>>)
      %dma_wait3A_86 = arith.constant 0 : i32
      %dma_wait3A_87 = tpu.memref_slice %arg4[%add3A_54, %dma_wait3A_86] : memref<800000x128xf32, #tpu.memory_space<hbm>> -> memref<200x128xf32, #tpu.memory_space<hbm>>
      %dma_wait3A_88 = arith.constant 0 : i32
      %dma_wait3A_89 = tpu.memref_slice %arg4[%add3A_54, %dma_wait3A_88] : memref<800000x128xf32, #tpu.memory_space<hbm>> -> memref<200x128xf32, #tpu.memory_space<hbm>>
      tpu.wait_dma2 semaphore(%arg17 : memref<!tpu.dma_semaphore, #tpu.memory_space<semaphore_mem>>) src(%arg9 : memref<200x128xf32, #tpu.memory_space<vmem>>) dst(%dma_wait3A_89 : memref<200x128xf32, #tpu.memory_space<hbm>>)
      %dma_wait3A_90 = arith.constant 0 : i32
      %dma_wait3A_91 = tpu.memref_slice %arg4[%add3A_63, %dma_wait3A_90] : memref<800000x128xf32, #tpu.memory_space<hbm>> -> memref<200x128xf32, #tpu.memory_space<hbm>>
      %dma_wait3A_92 = arith.constant 0 : i32
      %dma_wait3A_93 = tpu.memref_slice %arg4[%add3A_63, %dma_wait3A_92] : memref<800000x128xf32, #tpu.memory_space<hbm>> -> memref<200x128xf32, #tpu.memory_space<hbm>>
      tpu.wait_dma2 semaphore(%arg18 : memref<!tpu.dma_semaphore, #tpu.memory_space<semaphore_mem>>) src(%arg10 : memref<200x128xf32, #tpu.memory_space<vmem>>) dst(%dma_wait3A_93 : memref<200x128xf32, #tpu.memory_space<hbm>>)
      %dma_wait3A_94 = arith.constant 0 : i32
      %dma_wait3A_95 = tpu.memref_slice %arg4[%add3A_72, %dma_wait3A_94] : memref<800000x128xf32, #tpu.memory_space<hbm>> -> memref<200x128xf32, #tpu.memory_space<hbm>>
      %dma_wait3A_96 = arith.constant 0 : i32
      %dma_wait3A_97 = tpu.memref_slice %arg4[%add3A_72, %dma_wait3A_96] : memref<800000x128xf32, #tpu.memory_space<hbm>> -> memref<200x128xf32, #tpu.memory_space<hbm>>
      tpu.wait_dma2 semaphore(%arg19 : memref<!tpu.dma_semaphore, #tpu.memory_space<semaphore_mem>>) src(%arg11 : memref<200x128xf32, #tpu.memory_space<vmem>>) dst(%dma_wait3A_97 : memref<200x128xf32, #tpu.memory_space<hbm>>)
      %dma_wait3A_98 = arith.constant 0 : i32
      %dma_wait3A_99 = tpu.memref_slice %arg4[%add3A_81, %dma_wait3A_98] : memref<800000x128xf32, #tpu.memory_space<hbm>> -> memref<200x128xf32, #tpu.memory_space<hbm>>
      %dma_wait3A_100 = arith.constant 0 : i32
      %dma_wait3A_101 = tpu.memref_slice %arg4[%add3A_81, %dma_wait3A_100] : memref<800000x128xf32, #tpu.memory_space<hbm>> -> memref<200x128xf32, #tpu.memory_space<hbm>>
      tpu.wait_dma2 semaphore(%arg20 : memref<!tpu.dma_semaphore, #tpu.memory_space<semaphore_mem>>) src(%arg12 : memref<200x128xf32, #tpu.memory_space<vmem>>) dst(%dma_wait3A_101 : memref<200x128xf32, #tpu.memory_space<hbm>>)
    }
    %scan3A_7 = arith.constant 31 : i32
    %add3A_8 = arith.constant 24800 : i32
    %add3A_9 = arith.addi %mul3A_2, %add3A_8 : i32
    %add3A_10 = arith.constant 0 : i32
    %add3A_11 = arith.addi %add3A_9, %add3A_10 : i32
    %add3A_12 = arith.constant 2400000 : i32
    %add3A_13 = arith.addi %add3A_12, %add3A_11 : i32
    "tpu.region"() ({
      %run_scoped3A = tpu.sem_alloc : memref<!tpu.dma_semaphore, #tpu.memory_space<semaphore_mem>>
      %dma_start3A_18 = tpu.memref_slice %arg3[%add3A_13] : memref<3200000xi32, #tpu.memory_space<hbm>> -> memref<200xi32, #tpu.memory_space<hbm>>
      %dma_start3A_19 = tpu.memref_slice %arg3[%add3A_13] : memref<3200000xi32, #tpu.memory_space<hbm>> -> memref<200xi32, #tpu.memory_space<hbm>>
      tpu.enqueue_dma source(%dma_start3A_19 : memref<200xi32, #tpu.memory_space<hbm>>) target(%arg5 : memref<200xi32, #tpu.memory_space<vmem>>) target_semaphore(%run_scoped3A : memref<!tpu.dma_semaphore, #tpu.memory_space<semaphore_mem>>)
      %dma_wait3A_20 = tpu.memref_slice %arg3[%add3A_13] : memref<3200000xi32, #tpu.memory_space<hbm>> -> memref<200xi32, #tpu.memory_space<hbm>>
      %dma_wait3A_21 = tpu.memref_slice %arg3[%add3A_13] : memref<3200000xi32, #tpu.memory_space<hbm>> -> memref<200xi32, #tpu.memory_space<hbm>>
      tpu.wait_dma2 semaphore(%run_scoped3A : memref<!tpu.dma_semaphore, #tpu.memory_space<semaphore_mem>>) src(%dma_wait3A_21 : memref<200xi32, #tpu.memory_space<hbm>>) dst(%arg5 : memref<200xi32, #tpu.memory_space<vmem>>)
      tpu.yield
    }) : () -> ()
    %dma_start3A = arith.constant 0 : i32
    %dma_start3A_14 = arith.constant 0 : i32
    %dma_start3A_15 = tpu.memref_slice %arg2[%dma_start3A, %dma_start3A_14] : memref<50000x128xf32, #tpu.memory_space<hbm>> -> memref<50000x128xf32, #tpu.memory_space<hbm>>
    tpu.enqueue_indirect_dma source(%dma_start3A_15 : memref<50000x128xf32, #tpu.memory_space<hbm>>) target(%arg9 : memref<200x128xf32, #tpu.memory_space<vmem>>) offsets(%arg5 : memref<200xi32, #tpu.memory_space<vmem>>) semaphore(%arg13 : memref<!tpu.dma_semaphore, #tpu.memory_space<semaphore_mem>>)
    %dma_wait3A = arith.constant 0 : i32
    %dma_wait3A_16 = arith.constant 0 : i32
    %dma_wait3A_17 = tpu.memref_slice %arg2[%dma_wait3A, %dma_wait3A_16] : memref<50000x128xf32, #tpu.memory_space<hbm>> -> memref<50000x128xf32, #tpu.memory_space<hbm>>
    tpu.wait_indirect_dma semaphore(%arg13 : memref<!tpu.dma_semaphore, #tpu.memory_space<semaphore_mem>>) src(%dma_wait3A_17 : memref<50000x128xf32, #tpu.memory_space<hbm>>) dst(%arg9 : memref<200x128xf32, #tpu.memory_space<vmem>>)
    "tpu.region"() ({
      %run_scoped3A = tpu.sem_alloc : memref<!tpu.dma_semaphore, #tpu.memory_space<semaphore_mem>>
      %dma_start3A_18 = arith.constant 0 : i32
      %dma_start3A_19 = tpu.memref_slice %arg4[%add3A_11, %dma_start3A_18] : memref<800000x128xf32, #tpu.memory_space<hbm>> -> memref<200x128xf32, #tpu.memory_space<hbm>>
      %dma_start3A_20 = arith.constant 0 : i32
      %dma_start3A_21 = tpu.memref_slice %arg4[%add3A_11, %dma_start3A_20] : memref<800000x128xf32, #tpu.memory_space<hbm>> -> memref<200x128xf32, #tpu.memory_space<hbm>>
      tpu.enqueue_dma source(%arg9 : memref<200x128xf32, #tpu.memory_space<vmem>>) target(%dma_start3A_21 : memref<200x128xf32, #tpu.memory_space<hbm>>) target_semaphore(%run_scoped3A : memref<!tpu.dma_semaphore, #tpu.memory_space<semaphore_mem>>)
      %dma_wait3A_22 = arith.constant 0 : i32
      %dma_wait3A_23 = tpu.memref_slice %arg4[%add3A_11, %dma_wait3A_22] : memref<800000x128xf32, #tpu.memory_space<hbm>> -> memref<200x128xf32, #tpu.memory_space<hbm>>
      %dma_wait3A_24 = arith.constant 0 : i32
      %dma_wait3A_25 = tpu.memref_slice %arg4[%add3A_11, %dma_wait3A_24] : memref<800000x128xf32, #tpu.memory_space<hbm>> -> memref<200x128xf32, #tpu.memory_space<hbm>>
      tpu.wait_dma2 semaphore(%run_scoped3A : memref<!tpu.dma_semaphore, #tpu.memory_space<semaphore_mem>>) src(%arg9 : memref<200x128xf32, #tpu.memory_space<vmem>>) dst(%dma_wait3A_25 : memref<200x128xf32, #tpu.memory_space<hbm>>)
      tpu.yield
    }) : () -> ()
    return
  }
}

#map = affine_map<(d0, d1) -> (0, 0)>
#map1 = affine_map<(d0, d1) -> (0)>
module attributes {stable_mosaic.version = 14 : i64} {
  func.func @body(%arg0: i32, %arg1: i32, %arg2: memref<50000x128xf32, #tpu.memory_space<hbm>>, %arg3: memref<3200000xi32, #tpu.memory_space<hbm>>, %arg4: memref<800000x128xf32, #tpu.memory_space<hbm>>, %arg5: memref<200xi32, #tpu.memory_space<vmem>>, %arg6: memref<200xi32, #tpu.memory_space<vmem>>, %arg7: memref<200xi32, #tpu.memory_space<vmem>>, %arg8: memref<200xi32, #tpu.memory_space<vmem>>, %arg9: memref<200x128xf32, #tpu.memory_space<vmem>>, %arg10: memref<200x128xf32, #tpu.memory_space<vmem>>, %arg11: memref<200x128xf32, #tpu.memory_space<vmem>>, %arg12: memref<200x128xf32, #tpu.memory_space<vmem>>, %arg13: memref<!tpu.dma_semaphore, #tpu.memory_space<semaphore_mem>>, %arg14: memref<!tpu.dma_semaphore, #tpu.memory_space<semaphore_mem>>, %arg15: memref<!tpu.dma_semaphore, #tpu.memory_space<semaphore_mem>>, %arg16: memref<!tpu.dma_semaphore, #tpu.memory_space<semaphore_mem>>, %arg17: memref<!tpu.dma_semaphore, #tpu.memory_space<semaphore_mem>>, %arg18: memref<!tpu.dma_semaphore, #tpu.memory_space<semaphore_mem>>, %arg19: memref<!tpu.dma_semaphore, #tpu.memory_space<semaphore_mem>>, %arg20: memref<!tpu.dma_semaphore, #tpu.memory_space<semaphore_mem>>) attributes {dimension_semantics = [#tpu.dimension_semantics<core_parallel>, #tpu.dimension_semantics<subcore_parallel>], iteration_bounds = array<i64: 2, 16>, scalar_prefetch = 0 : i64, scratch_operands = 16 : i64, tpu.core_type = #tpu.core_type<sc_vector_subcore>, window_params = [{transform_indices = #map}, {transform_indices = #map1}, {transform_indices = #map}]} {
    %mul3A = arith.constant 2 : i32
    %mul3A_0 = arith.muli %arg1, %mul3A : i32
    %add3A = arith.addi %mul3A_0, %arg0 : i32
    %mul3A_1 = arith.constant 25000 : i32
    %mul3A_2 = arith.muli %add3A, %mul3A_1 : i32
    %scan3A = arith.constant 0 : i32
    %scan3A_3 = arith.constant 0 : i32
    %scan3A_4 = arith.constant 31 : i32
    %scan3A_5 = arith.addi %scan3A_3, %scan3A_4 : i32
    %scan3A_6 = arith.constant 1 : i32
    scf.for %scan3A_18 = %scan3A_3 to %scan3A_5 step %scan3A_6  : i32 {
      %mul3A_19 = arith.constant 800 : i32
      %mul3A_20 = arith.muli %scan3A_18, %mul3A_19 : i32
      %add3A_21 = arith.addi %mul3A_2, %mul3A_20 : i32
      %add3A_22 = arith.constant 1600000 : i32
      %add3A_23 = arith.addi %add3A_22, %add3A_21 : i32
      %add3A_24 = arith.constant 0 : i32
      %add3A_25 = arith.addi %add3A_23, %add3A_24 : i32
      "tpu.region"() ({
        %run_scoped3A = tpu.sem_alloc : memref<!tpu.dma_semaphore, #tpu.memory_space<semaphore_mem>>
        %dma_start3A_102 = tpu.memref_slice %arg3[%add3A_25] : memref<3200000xi32, #tpu.memory_space<hbm>> -> memref<200xi32, #tpu.memory_space<hbm>>
        %dma_start3A_103 = tpu.memref_slice %arg3[%add3A_25] : memref<3200000xi32, #tpu.memory_space<hbm>> -> memref<200xi32, #tpu.memory_space<hbm>>
        tpu.enqueue_dma source(%dma_start3A_103 : memref<200xi32, #tpu.memory_space<hbm>>) target(%arg5 : memref<200xi32, #tpu.memory_space<vmem>>) target_semaphore(%run_scoped3A : memref<!tpu.dma_semaphore, #tpu.memory_space<semaphore_mem>>)
        %dma_wait3A_104 = tpu.memref_slice %arg3[%add3A_25] : memref<3200000xi32, #tpu.memory_space<hbm>> -> memref<200xi32, #tpu.memory_space<hbm>>
        %dma_wait3A_105 = tpu.memref_slice %arg3[%add3A_25] : memref<3200000xi32, #tpu.memory_space<hbm>> -> memref<200xi32, #tpu.memory_space<hbm>>
        tpu.wait_dma2 semaphore(%run_scoped3A : memref<!tpu.dma_semaphore, #tpu.memory_space<semaphore_mem>>) src(%dma_wait3A_105 : memref<200xi32, #tpu.memory_space<hbm>>) dst(%arg5 : memref<200xi32, #tpu.memory_space<vmem>>)
        tpu.yield
      }) : () -> ()
      %dma_start3A_26 = arith.constant 0 : i32
      %dma_start3A_27 = arith.constant 0 : i32
      %dma_start3A_28 = tpu.memref_slice %arg2[%dma_start3A_26, %dma_start3A_27] : memref<50000x128xf32, #tpu.memory_space<hbm>> -> memref<50000x128xf32, #tpu.memory_space<hbm>>
      tpu.enqueue_indirect_dma source(%dma_start3A_28 : memref<50000x128xf32, #tpu.memory_space<hbm>>) target(%arg9 : memref<200x128xf32, #tpu.memory_space<vmem>>) offsets(%arg5 : memref<200xi32, #tpu.memory_space<vmem>>) semaphore(%arg13 : memref<!tpu.dma_semaphore, #tpu.memory_space<semaphore_mem>>)
      %add3A_29 = arith.constant 1600000 : i32
      %add3A_30 = arith.addi %add3A_29, %add3A_21 : i32
      %add3A_31 = arith.constant 200 : i32
      %add3A_32 = arith.addi %add3A_30, %add3A_31 : i32
      "tpu.region"() ({
        %run_scoped3A = tpu.sem_alloc : memref<!tpu.dma_semaphore, #tpu.memory_space<semaphore_mem>>
        %dma_start3A_102 = tpu.memref_slice %arg3[%add3A_32] : memref<3200000xi32, #tpu.memory_space<hbm>> -> memref<200xi32, #tpu.memory_space<hbm>>
        %dma_start3A_103 = tpu.memref_slice %arg3[%add3A_32] : memref<3200000xi32, #tpu.memory_space<hbm>> -> memref<200xi32, #tpu.memory_space<hbm>>
        tpu.enqueue_dma source(%dma_start3A_103 : memref<200xi32, #tpu.memory_space<hbm>>) target(%arg6 : memref<200xi32, #tpu.memory_space<vmem>>) target_semaphore(%run_scoped3A : memref<!tpu.dma_semaphore, #tpu.memory_space<semaphore_mem>>)
        %dma_wait3A_104 = tpu.memref_slice %arg3[%add3A_32] : memref<3200000xi32, #tpu.memory_space<hbm>> -> memref<200xi32, #tpu.memory_space<hbm>>
        %dma_wait3A_105 = tpu.memref_slice %arg3[%add3A_32] : memref<3200000xi32, #tpu.memory_space<hbm>> -> memref<200xi32, #tpu.memory_space<hbm>>
        tpu.wait_dma2 semaphore(%run_scoped3A : memref<!tpu.dma_semaphore, #tpu.memory_space<semaphore_mem>>) src(%dma_wait3A_105 : memref<200xi32, #tpu.memory_space<hbm>>) dst(%arg6 : memref<200xi32, #tpu.memory_space<vmem>>)
        tpu.yield
      }) : () -> ()
      %dma_start3A_33 = arith.constant 0 : i32
      %dma_start3A_34 = arith.constant 0 : i32
      %dma_start3A_35 = tpu.memref_slice %arg2[%dma_start3A_33, %dma_start3A_34] : memref<50000x128xf32, #tpu.memory_space<hbm>> -> memref<50000x128xf32, #tpu.memory_space<hbm>>
      tpu.enqueue_indirect_dma source(%dma_start3A_35 : memref<50000x128xf32, #tpu.memory_space<hbm>>) target(%arg10 : memref<200x128xf32, #tpu.memory_space<vmem>>) offsets(%arg6 : memref<200xi32, #tpu.memory_space<vmem>>) semaphore(%arg14 : memref<!tpu.dma_semaphore, #tpu.memory_space<semaphore_mem>>)
      %add3A_36 = arith.constant 1600000 : i32
      %add3A_37 = arith.addi %add3A_36, %add3A_21 : i32
      %add3A_38 = arith.constant 400 : i32
      %add3A_39 = arith.addi %add3A_37, %add3A_38 : i32
      "tpu.region"() ({
        %run_scoped3A = tpu.sem_alloc : memref<!tpu.dma_semaphore, #tpu.memory_space<semaphore_mem>>
        %dma_start3A_102 = tpu.memref_slice %arg3[%add3A_39] : memref<3200000xi32, #tpu.memory_space<hbm>> -> memref<200xi32, #tpu.memory_space<hbm>>
        %dma_start3A_103 = tpu.memref_slice %arg3[%add3A_39] : memref<3200000xi32, #tpu.memory_space<hbm>> -> memref<200xi32, #tpu.memory_space<hbm>>
        tpu.enqueue_dma source(%dma_start3A_103 : memref<200xi32, #tpu.memory_space<hbm>>) target(%arg7 : memref<200xi32, #tpu.memory_space<vmem>>) target_semaphore(%run_scoped3A : memref<!tpu.dma_semaphore, #tpu.memory_space<semaphore_mem>>)
        %dma_wait3A_104 = tpu.memref_slice %arg3[%add3A_39] : memref<3200000xi32, #tpu.memory_space<hbm>> -> memref<200xi32, #tpu.memory_space<hbm>>
        %dma_wait3A_105 = tpu.memref_slice %arg3[%add3A_39] : memref<3200000xi32, #tpu.memory_space<hbm>> -> memref<200xi32, #tpu.memory_space<hbm>>
        tpu.wait_dma2 semaphore(%run_scoped3A : memref<!tpu.dma_semaphore, #tpu.memory_space<semaphore_mem>>) src(%dma_wait3A_105 : memref<200xi32, #tpu.memory_space<hbm>>) dst(%arg7 : memref<200xi32, #tpu.memory_space<vmem>>)
        tpu.yield
      }) : () -> ()
      %dma_start3A_40 = arith.constant 0 : i32
      %dma_start3A_41 = arith.constant 0 : i32
      %dma_start3A_42 = tpu.memref_slice %arg2[%dma_start3A_40, %dma_start3A_41] : memref<50000x128xf32, #tpu.memory_space<hbm>> -> memref<50000x128xf32, #tpu.memory_space<hbm>>
      tpu.enqueue_indirect_dma source(%dma_start3A_42 : memref<50000x128xf32, #tpu.memory_space<hbm>>) target(%arg11 : memref<200x128xf32, #tpu.memory_space<vmem>>) offsets(%arg7 : memref<200xi32, #tpu.memory_space<vmem>>) semaphore(%arg15 : memref<!tpu.dma_semaphore, #tpu.memory_space<semaphore_mem>>)
      %add3A_43 = arith.constant 1600000 : i32
      %add3A_44 = arith.addi %add3A_43, %add3A_21 : i32
      %add3A_45 = arith.constant 600 : i32
      %add3A_46 = arith.addi %add3A_44, %add3A_45 : i32
      "tpu.region"() ({
        %run_scoped3A = tpu.sem_alloc : memref<!tpu.dma_semaphore, #tpu.memory_space<semaphore_mem>>
        %dma_start3A_102 = tpu.memref_slice %arg3[%add3A_46] : memref<3200000xi32, #tpu.memory_space<hbm>> -> memref<200xi32, #tpu.memory_space<hbm>>
        %dma_start3A_103 = tpu.memref_slice %arg3[%add3A_46] : memref<3200000xi32, #tpu.memory_space<hbm>> -> memref<200xi32, #tpu.memory_space<hbm>>
        tpu.enqueue_dma source(%dma_start3A_103 : memref<200xi32, #tpu.memory_space<hbm>>) target(%arg8 : memref<200xi32, #tpu.memory_space<vmem>>) target_semaphore(%run_scoped3A : memref<!tpu.dma_semaphore, #tpu.memory_space<semaphore_mem>>)
        %dma_wait3A_104 = tpu.memref_slice %arg3[%add3A_46] : memref<3200000xi32, #tpu.memory_space<hbm>> -> memref<200xi32, #tpu.memory_space<hbm>>
        %dma_wait3A_105 = tpu.memref_slice %arg3[%add3A_46] : memref<3200000xi32, #tpu.memory_space<hbm>> -> memref<200xi32, #tpu.memory_space<hbm>>
        tpu.wait_dma2 semaphore(%run_scoped3A : memref<!tpu.dma_semaphore, #tpu.memory_space<semaphore_mem>>) src(%dma_wait3A_105 : memref<200xi32, #tpu.memory_space<hbm>>) dst(%arg8 : memref<200xi32, #tpu.memory_space<vmem>>)
        tpu.yield
      }) : () -> ()
      %dma_start3A_47 = arith.constant 0 : i32
      %dma_start3A_48 = arith.constant 0 : i32
      %dma_start3A_49 = tpu.memref_slice %arg2[%dma_start3A_47, %dma_start3A_48] : memref<50000x128xf32, #tpu.memory_space<hbm>> -> memref<50000x128xf32, #tpu.memory_space<hbm>>
      tpu.enqueue_indirect_dma source(%dma_start3A_49 : memref<50000x128xf32, #tpu.memory_space<hbm>>) target(%arg12 : memref<200x128xf32, #tpu.memory_space<vmem>>) offsets(%arg8 : memref<200xi32, #tpu.memory_space<vmem>>) semaphore(%arg16 : memref<!tpu.dma_semaphore, #tpu.memory_space<semaphore_mem>>)
      %dma_wait3A_50 = arith.constant 0 : i32
      %dma_wait3A_51 = arith.constant 0 : i32
      %dma_wait3A_52 = tpu.memref_slice %arg2[%dma_wait3A_50, %dma_wait3A_51] : memref<50000x128xf32, #tpu.memory_space<hbm>> -> memref<50000x128xf32, #tpu.memory_space<hbm>>
      tpu.wait_indirect_dma semaphore(%arg13 : memref<!tpu.dma_semaphore, #tpu.memory_space<semaphore_mem>>) src(%dma_wait3A_52 : memref<50000x128xf32, #tpu.memory_space<hbm>>) dst(%arg9 : memref<200x128xf32, #tpu.memory_space<vmem>>)
      %add3A_53 = arith.constant 0 : i32
      %add3A_54 = arith.addi %add3A_21, %add3A_53 : i32
      %dma_start3A_55 = arith.constant 0 : i32
      %dma_start3A_56 = tpu.memref_slice %arg4[%add3A_54, %dma_start3A_55] : memref<800000x128xf32, #tpu.memory_space<hbm>> -> memref<200x128xf32, #tpu.memory_space<hbm>>
      %dma_start3A_57 = arith.constant 0 : i32
      %dma_start3A_58 = tpu.memref_slice %arg4[%add3A_54, %dma_start3A_57] : memref<800000x128xf32, #tpu.memory_space<hbm>> -> memref<200x128xf32, #tpu.memory_space<hbm>>
      tpu.enqueue_dma source(%arg9 : memref<200x128xf32, #tpu.memory_space<vmem>>) target(%dma_start3A_58 : memref<200x128xf32, #tpu.memory_space<hbm>>) target_semaphore(%arg17 : memref<!tpu.dma_semaphore, #tpu.memory_space<semaphore_mem>>)
      %dma_wait3A_59 = arith.constant 0 : i32
      %dma_wait3A_60 = arith.constant 0 : i32
      %dma_wait3A_61 = tpu.memref_slice %arg2[%dma_wait3A_59, %dma_wait3A_60] : memref<50000x128xf32, #tpu.memory_space<hbm>> -> memref<50000x128xf32, #tpu.memory_space<hbm>>
      tpu.wait_indirect_dma semaphore(%arg14 : memref<!tpu.dma_semaphore, #tpu.memory_space<semaphore_mem>>) src(%dma_wait3A_61 : memref<50000x128xf32, #tpu.memory_space<hbm>>) dst(%arg10 : memref<200x128xf32, #tpu.memory_space<vmem>>)
      %add3A_62 = arith.constant 200 : i32
      %add3A_63 = arith.addi %add3A_21, %add3A_62 : i32
      %dma_start3A_64 = arith.constant 0 : i32
      %dma_start3A_65 = tpu.memref_slice %arg4[%add3A_63, %dma_start3A_64] : memref<800000x128xf32, #tpu.memory_space<hbm>> -> memref<200x128xf32, #tpu.memory_space<hbm>>
      %dma_start3A_66 = arith.constant 0 : i32
      %dma_start3A_67 = tpu.memref_slice %arg4[%add3A_63, %dma_start3A_66] : memref<800000x128xf32, #tpu.memory_space<hbm>> -> memref<200x128xf32, #tpu.memory_space<hbm>>
      tpu.enqueue_dma source(%arg10 : memref<200x128xf32, #tpu.memory_space<vmem>>) target(%dma_start3A_67 : memref<200x128xf32, #tpu.memory_space<hbm>>) target_semaphore(%arg18 : memref<!tpu.dma_semaphore, #tpu.memory_space<semaphore_mem>>)
      %dma_wait3A_68 = arith.constant 0 : i32
      %dma_wait3A_69 = arith.constant 0 : i32
      %dma_wait3A_70 = tpu.memref_slice %arg2[%dma_wait3A_68, %dma_wait3A_69] : memref<50000x128xf32, #tpu.memory_space<hbm>> -> memref<50000x128xf32, #tpu.memory_space<hbm>>
      tpu.wait_indirect_dma semaphore(%arg15 : memref<!tpu.dma_semaphore, #tpu.memory_space<semaphore_mem>>) src(%dma_wait3A_70 : memref<50000x128xf32, #tpu.memory_space<hbm>>) dst(%arg11 : memref<200x128xf32, #tpu.memory_space<vmem>>)
      %add3A_71 = arith.constant 400 : i32
      %add3A_72 = arith.addi %add3A_21, %add3A_71 : i32
      %dma_start3A_73 = arith.constant 0 : i32
      %dma_start3A_74 = tpu.memref_slice %arg4[%add3A_72, %dma_start3A_73] : memref<800000x128xf32, #tpu.memory_space<hbm>> -> memref<200x128xf32, #tpu.memory_space<hbm>>
      %dma_start3A_75 = arith.constant 0 : i32
      %dma_start3A_76 = tpu.memref_slice %arg4[%add3A_72, %dma_start3A_75] : memref<800000x128xf32, #tpu.memory_space<hbm>> -> memref<200x128xf32, #tpu.memory_space<hbm>>
      tpu.enqueue_dma source(%arg11 : memref<200x128xf32, #tpu.memory_space<vmem>>) target(%dma_start3A_76 : memref<200x128xf32, #tpu.memory_space<hbm>>) target_semaphore(%arg19 : memref<!tpu.dma_semaphore, #tpu.memory_space<semaphore_mem>>)
      %dma_wait3A_77 = arith.constant 0 : i32
      %dma_wait3A_78 = arith.constant 0 : i32
      %dma_wait3A_79 = tpu.memref_slice %arg2[%dma_wait3A_77, %dma_wait3A_78] : memref<50000x128xf32, #tpu.memory_space<hbm>> -> memref<50000x128xf32, #tpu.memory_space<hbm>>
      tpu.wait_indirect_dma semaphore(%arg16 : memref<!tpu.dma_semaphore, #tpu.memory_space<semaphore_mem>>) src(%dma_wait3A_79 : memref<50000x128xf32, #tpu.memory_space<hbm>>) dst(%arg12 : memref<200x128xf32, #tpu.memory_space<vmem>>)
      %add3A_80 = arith.constant 600 : i32
      %add3A_81 = arith.addi %add3A_21, %add3A_80 : i32
      %dma_start3A_82 = arith.constant 0 : i32
      %dma_start3A_83 = tpu.memref_slice %arg4[%add3A_81, %dma_start3A_82] : memref<800000x128xf32, #tpu.memory_space<hbm>> -> memref<200x128xf32, #tpu.memory_space<hbm>>
      %dma_start3A_84 = arith.constant 0 : i32
      %dma_start3A_85 = tpu.memref_slice %arg4[%add3A_81, %dma_start3A_84] : memref<800000x128xf32, #tpu.memory_space<hbm>> -> memref<200x128xf32, #tpu.memory_space<hbm>>
      tpu.enqueue_dma source(%arg12 : memref<200x128xf32, #tpu.memory_space<vmem>>) target(%dma_start3A_85 : memref<200x128xf32, #tpu.memory_space<hbm>>) target_semaphore(%arg20 : memref<!tpu.dma_semaphore, #tpu.memory_space<semaphore_mem>>)
      %dma_wait3A_86 = arith.constant 0 : i32
      %dma_wait3A_87 = tpu.memref_slice %arg4[%add3A_54, %dma_wait3A_86] : memref<800000x128xf32, #tpu.memory_space<hbm>> -> memref<200x128xf32, #tpu.memory_space<hbm>>
      %dma_wait3A_88 = arith.constant 0 : i32
      %dma_wait3A_89 = tpu.memref_slice %arg4[%add3A_54, %dma_wait3A_88] : memref<800000x128xf32, #tpu.memory_space<hbm>> -> memref<200x128xf32, #tpu.memory_space<hbm>>
      tpu.wait_dma2 semaphore(%arg17 : memref<!tpu.dma_semaphore, #tpu.memory_space<semaphore_mem>>) src(%arg9 : memref<200x128xf32, #tpu.memory_space<vmem>>) dst(%dma_wait3A_89 : memref<200x128xf32, #tpu.memory_space<hbm>>)
      %dma_wait3A_90 = arith.constant 0 : i32
      %dma_wait3A_91 = tpu.memref_slice %arg4[%add3A_63, %dma_wait3A_90] : memref<800000x128xf32, #tpu.memory_space<hbm>> -> memref<200x128xf32, #tpu.memory_space<hbm>>
      %dma_wait3A_92 = arith.constant 0 : i32
      %dma_wait3A_93 = tpu.memref_slice %arg4[%add3A_63, %dma_wait3A_92] : memref<800000x128xf32, #tpu.memory_space<hbm>> -> memref<200x128xf32, #tpu.memory_space<hbm>>
      tpu.wait_dma2 semaphore(%arg18 : memref<!tpu.dma_semaphore, #tpu.memory_space<semaphore_mem>>) src(%arg10 : memref<200x128xf32, #tpu.memory_space<vmem>>) dst(%dma_wait3A_93 : memref<200x128xf32, #tpu.memory_space<hbm>>)
      %dma_wait3A_94 = arith.constant 0 : i32
      %dma_wait3A_95 = tpu.memref_slice %arg4[%add3A_72, %dma_wait3A_94] : memref<800000x128xf32, #tpu.memory_space<hbm>> -> memref<200x128xf32, #tpu.memory_space<hbm>>
      %dma_wait3A_96 = arith.constant 0 : i32
      %dma_wait3A_97 = tpu.memref_slice %arg4[%add3A_72, %dma_wait3A_96] : memref<800000x128xf32, #tpu.memory_space<hbm>> -> memref<200x128xf32, #tpu.memory_space<hbm>>
      tpu.wait_dma2 semaphore(%arg19 : memref<!tpu.dma_semaphore, #tpu.memory_space<semaphore_mem>>) src(%arg11 : memref<200x128xf32, #tpu.memory_space<vmem>>) dst(%dma_wait3A_97 : memref<200x128xf32, #tpu.memory_space<hbm>>)
      %dma_wait3A_98 = arith.constant 0 : i32
      %dma_wait3A_99 = tpu.memref_slice %arg4[%add3A_81, %dma_wait3A_98] : memref<800000x128xf32, #tpu.memory_space<hbm>> -> memref<200x128xf32, #tpu.memory_space<hbm>>
      %dma_wait3A_100 = arith.constant 0 : i32
      %dma_wait3A_101 = tpu.memref_slice %arg4[%add3A_81, %dma_wait3A_100] : memref<800000x128xf32, #tpu.memory_space<hbm>> -> memref<200x128xf32, #tpu.memory_space<hbm>>
      tpu.wait_dma2 semaphore(%arg20 : memref<!tpu.dma_semaphore, #tpu.memory_space<semaphore_mem>>) src(%arg12 : memref<200x128xf32, #tpu.memory_space<vmem>>) dst(%dma_wait3A_101 : memref<200x128xf32, #tpu.memory_space<hbm>>)
    }
    %scan3A_7 = arith.constant 31 : i32
    %add3A_8 = arith.constant 24800 : i32
    %add3A_9 = arith.addi %mul3A_2, %add3A_8 : i32
    %add3A_10 = arith.constant 0 : i32
    %add3A_11 = arith.addi %add3A_9, %add3A_10 : i32
    %add3A_12 = arith.constant 1600000 : i32
    %add3A_13 = arith.addi %add3A_12, %add3A_11 : i32
    "tpu.region"() ({
      %run_scoped3A = tpu.sem_alloc : memref<!tpu.dma_semaphore, #tpu.memory_space<semaphore_mem>>
      %dma_start3A_18 = tpu.memref_slice %arg3[%add3A_13] : memref<3200000xi32, #tpu.memory_space<hbm>> -> memref<200xi32, #tpu.memory_space<hbm>>
      %dma_start3A_19 = tpu.memref_slice %arg3[%add3A_13] : memref<3200000xi32, #tpu.memory_space<hbm>> -> memref<200xi32, #tpu.memory_space<hbm>>
      tpu.enqueue_dma source(%dma_start3A_19 : memref<200xi32, #tpu.memory_space<hbm>>) target(%arg5 : memref<200xi32, #tpu.memory_space<vmem>>) target_semaphore(%run_scoped3A : memref<!tpu.dma_semaphore, #tpu.memory_space<semaphore_mem>>)
      %dma_wait3A_20 = tpu.memref_slice %arg3[%add3A_13] : memref<3200000xi32, #tpu.memory_space<hbm>> -> memref<200xi32, #tpu.memory_space<hbm>>
      %dma_wait3A_21 = tpu.memref_slice %arg3[%add3A_13] : memref<3200000xi32, #tpu.memory_space<hbm>> -> memref<200xi32, #tpu.memory_space<hbm>>
      tpu.wait_dma2 semaphore(%run_scoped3A : memref<!tpu.dma_semaphore, #tpu.memory_space<semaphore_mem>>) src(%dma_wait3A_21 : memref<200xi32, #tpu.memory_space<hbm>>) dst(%arg5 : memref<200xi32, #tpu.memory_space<vmem>>)
      tpu.yield
    }) : () -> ()
    %dma_start3A = arith.constant 0 : i32
    %dma_start3A_14 = arith.constant 0 : i32
    %dma_start3A_15 = tpu.memref_slice %arg2[%dma_start3A, %dma_start3A_14] : memref<50000x128xf32, #tpu.memory_space<hbm>> -> memref<50000x128xf32, #tpu.memory_space<hbm>>
    tpu.enqueue_indirect_dma source(%dma_start3A_15 : memref<50000x128xf32, #tpu.memory_space<hbm>>) target(%arg9 : memref<200x128xf32, #tpu.memory_space<vmem>>) offsets(%arg5 : memref<200xi32, #tpu.memory_space<vmem>>) semaphore(%arg13 : memref<!tpu.dma_semaphore, #tpu.memory_space<semaphore_mem>>)
    %dma_wait3A = arith.constant 0 : i32
    %dma_wait3A_16 = arith.constant 0 : i32
    %dma_wait3A_17 = tpu.memref_slice %arg2[%dma_wait3A, %dma_wait3A_16] : memref<50000x128xf32, #tpu.memory_space<hbm>> -> memref<50000x128xf32, #tpu.memory_space<hbm>>
    tpu.wait_indirect_dma semaphore(%arg13 : memref<!tpu.dma_semaphore, #tpu.memory_space<semaphore_mem>>) src(%dma_wait3A_17 : memref<50000x128xf32, #tpu.memory_space<hbm>>) dst(%arg9 : memref<200x128xf32, #tpu.memory_space<vmem>>)
    "tpu.region"() ({
      %run_scoped3A = tpu.sem_alloc : memref<!tpu.dma_semaphore, #tpu.memory_space<semaphore_mem>>
      %dma_start3A_18 = arith.constant 0 : i32
      %dma_start3A_19 = tpu.memref_slice %arg4[%add3A_11, %dma_start3A_18] : memref<800000x128xf32, #tpu.memory_space<hbm>> -> memref<200x128xf32, #tpu.memory_space<hbm>>
      %dma_start3A_20 = arith.constant 0 : i32
      %dma_start3A_21 = tpu.memref_slice %arg4[%add3A_11, %dma_start3A_20] : memref<800000x128xf32, #tpu.memory_space<hbm>> -> memref<200x128xf32, #tpu.memory_space<hbm>>
      tpu.enqueue_dma source(%arg9 : memref<200x128xf32, #tpu.memory_space<vmem>>) target(%dma_start3A_21 : memref<200x128xf32, #tpu.memory_space<hbm>>) target_semaphore(%run_scoped3A : memref<!tpu.dma_semaphore, #tpu.memory_space<semaphore_mem>>)
      %dma_wait3A_22 = arith.constant 0 : i32
      %dma_wait3A_23 = tpu.memref_slice %arg4[%add3A_11, %dma_wait3A_22] : memref<800000x128xf32, #tpu.memory_space<hbm>> -> memref<200x128xf32, #tpu.memory_space<hbm>>
      %dma_wait3A_24 = arith.constant 0 : i32
      %dma_wait3A_25 = tpu.memref_slice %arg4[%add3A_11, %dma_wait3A_24] : memref<800000x128xf32, #tpu.memory_space<hbm>> -> memref<200x128xf32, #tpu.memory_space<hbm>>
      tpu.wait_dma2 semaphore(%run_scoped3A : memref<!tpu.dma_semaphore, #tpu.memory_space<semaphore_mem>>) src(%arg9 : memref<200x128xf32, #tpu.memory_space<vmem>>) dst(%dma_wait3A_25 : memref<200x128xf32, #tpu.memory_space<hbm>>)
      tpu.yield
    }) : () -> ()
    return
  }
}

#map = affine_map<(d0, d1) -> (0, 0)>
#map1 = affine_map<(d0, d1) -> (0)>
module attributes {stable_mosaic.version = 14 : i64} {
  func.func @body(%arg0: i32, %arg1: i32, %arg2: memref<50000x128xf32, #tpu.memory_space<hbm>>, %arg3: memref<3200000xi32, #tpu.memory_space<hbm>>, %arg4: memref<1600000x128xf32, #tpu.memory_space<hbm>>, %arg5: memref<200xi32, #tpu.memory_space<vmem>>, %arg6: memref<200xi32, #tpu.memory_space<vmem>>, %arg7: memref<200xi32, #tpu.memory_space<vmem>>, %arg8: memref<200xi32, #tpu.memory_space<vmem>>, %arg9: memref<200x128xf32, #tpu.memory_space<vmem>>, %arg10: memref<200x128xf32, #tpu.memory_space<vmem>>, %arg11: memref<200x128xf32, #tpu.memory_space<vmem>>, %arg12: memref<200x128xf32, #tpu.memory_space<vmem>>, %arg13: memref<!tpu.dma_semaphore, #tpu.memory_space<semaphore_mem>>, %arg14: memref<!tpu.dma_semaphore, #tpu.memory_space<semaphore_mem>>, %arg15: memref<!tpu.dma_semaphore, #tpu.memory_space<semaphore_mem>>, %arg16: memref<!tpu.dma_semaphore, #tpu.memory_space<semaphore_mem>>, %arg17: memref<!tpu.dma_semaphore, #tpu.memory_space<semaphore_mem>>, %arg18: memref<!tpu.dma_semaphore, #tpu.memory_space<semaphore_mem>>, %arg19: memref<!tpu.dma_semaphore, #tpu.memory_space<semaphore_mem>>, %arg20: memref<!tpu.dma_semaphore, #tpu.memory_space<semaphore_mem>>) attributes {dimension_semantics = [#tpu.dimension_semantics<core_parallel>, #tpu.dimension_semantics<subcore_parallel>], iteration_bounds = array<i64: 2, 16>, scalar_prefetch = 0 : i64, scratch_operands = 16 : i64, tpu.core_type = #tpu.core_type<sc_vector_subcore>, window_params = [{transform_indices = #map}, {transform_indices = #map1}, {transform_indices = #map}]} {
    %mul3A = arith.constant 2 : i32
    %mul3A_0 = arith.muli %arg1, %mul3A : i32
    %add3A = arith.addi %mul3A_0, %arg0 : i32
    %mul3A_1 = arith.constant 50000 : i32
    %mul3A_2 = arith.muli %add3A, %mul3A_1 : i32
    %scan3A = arith.constant 0 : i32
    %scan3A_3 = arith.constant 0 : i32
    %scan3A_4 = arith.constant 62 : i32
    %scan3A_5 = arith.addi %scan3A_3, %scan3A_4 : i32
    %scan3A_6 = arith.constant 1 : i32
    scf.for %scan3A_30 = %scan3A_3 to %scan3A_5 step %scan3A_6  : i32 {
      %mul3A_31 = arith.constant 800 : i32
      %mul3A_32 = arith.muli %scan3A_30, %mul3A_31 : i32
      %add3A_33 = arith.addi %mul3A_2, %mul3A_32 : i32
      %add3A_34 = arith.constant 0 : i32
      %add3A_35 = arith.addi %add3A_34, %add3A_33 : i32
      %add3A_36 = arith.constant 0 : i32
      %add3A_37 = arith.addi %add3A_35, %add3A_36 : i32
      "tpu.region"() ({
        %run_scoped3A = tpu.sem_alloc : memref<!tpu.dma_semaphore, #tpu.memory_space<semaphore_mem>>
        %dma_start3A_114 = tpu.memref_slice %arg3[%add3A_37] : memref<3200000xi32, #tpu.memory_space<hbm>> -> memref<200xi32, #tpu.memory_space<hbm>>
        %dma_start3A_115 = tpu.memref_slice %arg3[%add3A_37] : memref<3200000xi32, #tpu.memory_space<hbm>> -> memref<200xi32, #tpu.memory_space<hbm>>
        tpu.enqueue_dma source(%dma_start3A_115 : memref<200xi32, #tpu.memory_space<hbm>>) target(%arg5 : memref<200xi32, #tpu.memory_space<vmem>>) target_semaphore(%run_scoped3A : memref<!tpu.dma_semaphore, #tpu.memory_space<semaphore_mem>>)
        %dma_wait3A_116 = tpu.memref_slice %arg3[%add3A_37] : memref<3200000xi32, #tpu.memory_space<hbm>> -> memref<200xi32, #tpu.memory_space<hbm>>
        %dma_wait3A_117 = tpu.memref_slice %arg3[%add3A_37] : memref<3200000xi32, #tpu.memory_space<hbm>> -> memref<200xi32, #tpu.memory_space<hbm>>
        tpu.wait_dma2 semaphore(%run_scoped3A : memref<!tpu.dma_semaphore, #tpu.memory_space<semaphore_mem>>) src(%dma_wait3A_117 : memref<200xi32, #tpu.memory_space<hbm>>) dst(%arg5 : memref<200xi32, #tpu.memory_space<vmem>>)
        tpu.yield
      }) : () -> ()
      %dma_start3A_38 = arith.constant 0 : i32
      %dma_start3A_39 = arith.constant 0 : i32
      %dma_start3A_40 = tpu.memref_slice %arg2[%dma_start3A_38, %dma_start3A_39] : memref<50000x128xf32, #tpu.memory_space<hbm>> -> memref<50000x128xf32, #tpu.memory_space<hbm>>
      tpu.enqueue_indirect_dma source(%dma_start3A_40 : memref<50000x128xf32, #tpu.memory_space<hbm>>) target(%arg9 : memref<200x128xf32, #tpu.memory_space<vmem>>) offsets(%arg5 : memref<200xi32, #tpu.memory_space<vmem>>) semaphore(%arg13 : memref<!tpu.dma_semaphore, #tpu.memory_space<semaphore_mem>>)
      %add3A_41 = arith.constant 0 : i32
      %add3A_42 = arith.addi %add3A_41, %add3A_33 : i32
      %add3A_43 = arith.constant 200 : i32
      %add3A_44 = arith.addi %add3A_42, %add3A_43 : i32
      "tpu.region"() ({
        %run_scoped3A = tpu.sem_alloc : memref<!tpu.dma_semaphore, #tpu.memory_space<semaphore_mem>>
        %dma_start3A_114 = tpu.memref_slice %arg3[%add3A_44] : memref<3200000xi32, #tpu.memory_space<hbm>> -> memref<200xi32, #tpu.memory_space<hbm>>
        %dma_start3A_115 = tpu.memref_slice %arg3[%add3A_44] : memref<3200000xi32, #tpu.memory_space<hbm>> -> memref<200xi32, #tpu.memory_space<hbm>>
        tpu.enqueue_dma source(%dma_start3A_115 : memref<200xi32, #tpu.memory_space<hbm>>) target(%arg6 : memref<200xi32, #tpu.memory_space<vmem>>) target_semaphore(%run_scoped3A : memref<!tpu.dma_semaphore, #tpu.memory_space<semaphore_mem>>)
        %dma_wait3A_116 = tpu.memref_slice %arg3[%add3A_44] : memref<3200000xi32, #tpu.memory_space<hbm>> -> memref<200xi32, #tpu.memory_space<hbm>>
        %dma_wait3A_117 = tpu.memref_slice %arg3[%add3A_44] : memref<3200000xi32, #tpu.memory_space<hbm>> -> memref<200xi32, #tpu.memory_space<hbm>>
        tpu.wait_dma2 semaphore(%run_scoped3A : memref<!tpu.dma_semaphore, #tpu.memory_space<semaphore_mem>>) src(%dma_wait3A_117 : memref<200xi32, #tpu.memory_space<hbm>>) dst(%arg6 : memref<200xi32, #tpu.memory_space<vmem>>)
        tpu.yield
      }) : () -> ()
      %dma_start3A_45 = arith.constant 0 : i32
      %dma_start3A_46 = arith.constant 0 : i32
      %dma_start3A_47 = tpu.memref_slice %arg2[%dma_start3A_45, %dma_start3A_46] : memref<50000x128xf32, #tpu.memory_space<hbm>> -> memref<50000x128xf32, #tpu.memory_space<hbm>>
      tpu.enqueue_indirect_dma source(%dma_start3A_47 : memref<50000x128xf32, #tpu.memory_space<hbm>>) target(%arg10 : memref<200x128xf32, #tpu.memory_space<vmem>>) offsets(%arg6 : memref<200xi32, #tpu.memory_space<vmem>>) semaphore(%arg14 : memref<!tpu.dma_semaphore, #tpu.memory_space<semaphore_mem>>)
      %add3A_48 = arith.constant 0 : i32
      %add3A_49 = arith.addi %add3A_48, %add3A_33 : i32
      %add3A_50 = arith.constant 400 : i32
      %add3A_51 = arith.addi %add3A_49, %add3A_50 : i32
      "tpu.region"() ({
        %run_scoped3A = tpu.sem_alloc : memref<!tpu.dma_semaphore, #tpu.memory_space<semaphore_mem>>
        %dma_start3A_114 = tpu.memref_slice %arg3[%add3A_51] : memref<3200000xi32, #tpu.memory_space<hbm>> -> memref<200xi32, #tpu.memory_space<hbm>>
        %dma_start3A_115 = tpu.memref_slice %arg3[%add3A_51] : memref<3200000xi32, #tpu.memory_space<hbm>> -> memref<200xi32, #tpu.memory_space<hbm>>
        tpu.enqueue_dma source(%dma_start3A_115 : memref<200xi32, #tpu.memory_space<hbm>>) target(%arg7 : memref<200xi32, #tpu.memory_space<vmem>>) target_semaphore(%run_scoped3A : memref<!tpu.dma_semaphore, #tpu.memory_space<semaphore_mem>>)
        %dma_wait3A_116 = tpu.memref_slice %arg3[%add3A_51] : memref<3200000xi32, #tpu.memory_space<hbm>> -> memref<200xi32, #tpu.memory_space<hbm>>
        %dma_wait3A_117 = tpu.memref_slice %arg3[%add3A_51] : memref<3200000xi32, #tpu.memory_space<hbm>> -> memref<200xi32, #tpu.memory_space<hbm>>
        tpu.wait_dma2 semaphore(%run_scoped3A : memref<!tpu.dma_semaphore, #tpu.memory_space<semaphore_mem>>) src(%dma_wait3A_117 : memref<200xi32, #tpu.memory_space<hbm>>) dst(%arg7 : memref<200xi32, #tpu.memory_space<vmem>>)
        tpu.yield
      }) : () -> ()
      %dma_start3A_52 = arith.constant 0 : i32
      %dma_start3A_53 = arith.constant 0 : i32
      %dma_start3A_54 = tpu.memref_slice %arg2[%dma_start3A_52, %dma_start3A_53] : memref<50000x128xf32, #tpu.memory_space<hbm>> -> memref<50000x128xf32, #tpu.memory_space<hbm>>
      tpu.enqueue_indirect_dma source(%dma_start3A_54 : memref<50000x128xf32, #tpu.memory_space<hbm>>) target(%arg11 : memref<200x128xf32, #tpu.memory_space<vmem>>) offsets(%arg7 : memref<200xi32, #tpu.memory_space<vmem>>) semaphore(%arg15 : memref<!tpu.dma_semaphore, #tpu.memory_space<semaphore_mem>>)
      %add3A_55 = arith.constant 0 : i32
      %add3A_56 = arith.addi %add3A_55, %add3A_33 : i32
      %add3A_57 = arith.constant 600 : i32
      %add3A_58 = arith.addi %add3A_56, %add3A_57 : i32
      "tpu.region"() ({
        %run_scoped3A = tpu.sem_alloc : memref<!tpu.dma_semaphore, #tpu.memory_space<semaphore_mem>>
        %dma_start3A_114 = tpu.memref_slice %arg3[%add3A_58] : memref<3200000xi32, #tpu.memory_space<hbm>> -> memref<200xi32, #tpu.memory_space<hbm>>
        %dma_start3A_115 = tpu.memref_slice %arg3[%add3A_58] : memref<3200000xi32, #tpu.memory_space<hbm>> -> memref<200xi32, #tpu.memory_space<hbm>>
        tpu.enqueue_dma source(%dma_start3A_115 : memref<200xi32, #tpu.memory_space<hbm>>) target(%arg8 : memref<200xi32, #tpu.memory_space<vmem>>) target_semaphore(%run_scoped3A : memref<!tpu.dma_semaphore, #tpu.memory_space<semaphore_mem>>)
        %dma_wait3A_116 = tpu.memref_slice %arg3[%add3A_58] : memref<3200000xi32, #tpu.memory_space<hbm>> -> memref<200xi32, #tpu.memory_space<hbm>>
        %dma_wait3A_117 = tpu.memref_slice %arg3[%add3A_58] : memref<3200000xi32, #tpu.memory_space<hbm>> -> memref<200xi32, #tpu.memory_space<hbm>>
        tpu.wait_dma2 semaphore(%run_scoped3A : memref<!tpu.dma_semaphore, #tpu.memory_space<semaphore_mem>>) src(%dma_wait3A_117 : memref<200xi32, #tpu.memory_space<hbm>>) dst(%arg8 : memref<200xi32, #tpu.memory_space<vmem>>)
        tpu.yield
      }) : () -> ()
      %dma_start3A_59 = arith.constant 0 : i32
      %dma_start3A_60 = arith.constant 0 : i32
      %dma_start3A_61 = tpu.memref_slice %arg2[%dma_start3A_59, %dma_start3A_60] : memref<50000x128xf32, #tpu.memory_space<hbm>> -> memref<50000x128xf32, #tpu.memory_space<hbm>>
      tpu.enqueue_indirect_dma source(%dma_start3A_61 : memref<50000x128xf32, #tpu.memory_space<hbm>>) target(%arg12 : memref<200x128xf32, #tpu.memory_space<vmem>>) offsets(%arg8 : memref<200xi32, #tpu.memory_space<vmem>>) semaphore(%arg16 : memref<!tpu.dma_semaphore, #tpu.memory_space<semaphore_mem>>)
      %dma_wait3A_62 = arith.constant 0 : i32
      %dma_wait3A_63 = arith.constant 0 : i32
      %dma_wait3A_64 = tpu.memref_slice %arg2[%dma_wait3A_62, %dma_wait3A_63] : memref<50000x128xf32, #tpu.memory_space<hbm>> -> memref<50000x128xf32, #tpu.memory_space<hbm>>
      tpu.wait_indirect_dma semaphore(%arg13 : memref<!tpu.dma_semaphore, #tpu.memory_space<semaphore_mem>>) src(%dma_wait3A_64 : memref<50000x128xf32, #tpu.memory_space<hbm>>) dst(%arg9 : memref<200x128xf32, #tpu.memory_space<vmem>>)
      %add3A_65 = arith.constant 0 : i32
      %add3A_66 = arith.addi %add3A_33, %add3A_65 : i32
      %dma_start3A_67 = arith.constant 0 : i32
      %dma_start3A_68 = tpu.memref_slice %arg4[%add3A_66, %dma_start3A_67] : memref<1600000x128xf32, #tpu.memory_space<hbm>> -> memref<200x128xf32, #tpu.memory_space<hbm>>
      %dma_start3A_69 = arith.constant 0 : i32
      %dma_start3A_70 = tpu.memref_slice %arg4[%add3A_66, %dma_start3A_69] : memref<1600000x128xf32, #tpu.memory_space<hbm>> -> memref<200x128xf32, #tpu.memory_space<hbm>>
      tpu.enqueue_dma source(%arg9 : memref<200x128xf32, #tpu.memory_space<vmem>>) target(%dma_start3A_70 : memref<200x128xf32, #tpu.memory_space<hbm>>) target_semaphore(%arg17 : memref<!tpu.dma_semaphore, #tpu.memory_space<semaphore_mem>>)
      %dma_wait3A_71 = arith.constant 0 : i32
      %dma_wait3A_72 = arith.constant 0 : i32
      %dma_wait3A_73 = tpu.memref_slice %arg2[%dma_wait3A_71, %dma_wait3A_72] : memref<50000x128xf32, #tpu.memory_space<hbm>> -> memref<50000x128xf32, #tpu.memory_space<hbm>>
      tpu.wait_indirect_dma semaphore(%arg14 : memref<!tpu.dma_semaphore, #tpu.memory_space<semaphore_mem>>) src(%dma_wait3A_73 : memref<50000x128xf32, #tpu.memory_space<hbm>>) dst(%arg10 : memref<200x128xf32, #tpu.memory_space<vmem>>)
      %add3A_74 = arith.constant 200 : i32
      %add3A_75 = arith.addi %add3A_33, %add3A_74 : i32
      %dma_start3A_76 = arith.constant 0 : i32
      %dma_start3A_77 = tpu.memref_slice %arg4[%add3A_75, %dma_start3A_76] : memref<1600000x128xf32, #tpu.memory_space<hbm>> -> memref<200x128xf32, #tpu.memory_space<hbm>>
      %dma_start3A_78 = arith.constant 0 : i32
      %dma_start3A_79 = tpu.memref_slice %arg4[%add3A_75, %dma_start3A_78] : memref<1600000x128xf32, #tpu.memory_space<hbm>> -> memref<200x128xf32, #tpu.memory_space<hbm>>
      tpu.enqueue_dma source(%arg10 : memref<200x128xf32, #tpu.memory_space<vmem>>) target(%dma_start3A_79 : memref<200x128xf32, #tpu.memory_space<hbm>>) target_semaphore(%arg18 : memref<!tpu.dma_semaphore, #tpu.memory_space<semaphore_mem>>)
      %dma_wait3A_80 = arith.constant 0 : i32
      %dma_wait3A_81 = arith.constant 0 : i32
      %dma_wait3A_82 = tpu.memref_slice %arg2[%dma_wait3A_80, %dma_wait3A_81] : memref<50000x128xf32, #tpu.memory_space<hbm>> -> memref<50000x128xf32, #tpu.memory_space<hbm>>
      tpu.wait_indirect_dma semaphore(%arg15 : memref<!tpu.dma_semaphore, #tpu.memory_space<semaphore_mem>>) src(%dma_wait3A_82 : memref<50000x128xf32, #tpu.memory_space<hbm>>) dst(%arg11 : memref<200x128xf32, #tpu.memory_space<vmem>>)
      %add3A_83 = arith.constant 400 : i32
      %add3A_84 = arith.addi %add3A_33, %add3A_83 : i32
      %dma_start3A_85 = arith.constant 0 : i32
      %dma_start3A_86 = tpu.memref_slice %arg4[%add3A_84, %dma_start3A_85] : memref<1600000x128xf32, #tpu.memory_space<hbm>> -> memref<200x128xf32, #tpu.memory_space<hbm>>
      %dma_start3A_87 = arith.constant 0 : i32
      %dma_start3A_88 = tpu.memref_slice %arg4[%add3A_84, %dma_start3A_87] : memref<1600000x128xf32, #tpu.memory_space<hbm>> -> memref<200x128xf32, #tpu.memory_space<hbm>>
      tpu.enqueue_dma source(%arg11 : memref<200x128xf32, #tpu.memory_space<vmem>>) target(%dma_start3A_88 : memref<200x128xf32, #tpu.memory_space<hbm>>) target_semaphore(%arg19 : memref<!tpu.dma_semaphore, #tpu.memory_space<semaphore_mem>>)
      %dma_wait3A_89 = arith.constant 0 : i32
      %dma_wait3A_90 = arith.constant 0 : i32
      %dma_wait3A_91 = tpu.memref_slice %arg2[%dma_wait3A_89, %dma_wait3A_90] : memref<50000x128xf32, #tpu.memory_space<hbm>> -> memref<50000x128xf32, #tpu.memory_space<hbm>>
      tpu.wait_indirect_dma semaphore(%arg16 : memref<!tpu.dma_semaphore, #tpu.memory_space<semaphore_mem>>) src(%dma_wait3A_91 : memref<50000x128xf32, #tpu.memory_space<hbm>>) dst(%arg12 : memref<200x128xf32, #tpu.memory_space<vmem>>)
      %add3A_92 = arith.constant 600 : i32
      %add3A_93 = arith.addi %add3A_33, %add3A_92 : i32
      %dma_start3A_94 = arith.constant 0 : i32
      %dma_start3A_95 = tpu.memref_slice %arg4[%add3A_93, %dma_start3A_94] : memref<1600000x128xf32, #tpu.memory_space<hbm>> -> memref<200x128xf32, #tpu.memory_space<hbm>>
      %dma_start3A_96 = arith.constant 0 : i32
      %dma_start3A_97 = tpu.memref_slice %arg4[%add3A_93, %dma_start3A_96] : memref<1600000x128xf32, #tpu.memory_space<hbm>> -> memref<200x128xf32, #tpu.memory_space<hbm>>
      tpu.enqueue_dma source(%arg12 : memref<200x128xf32, #tpu.memory_space<vmem>>) target(%dma_start3A_97 : memref<200x128xf32, #tpu.memory_space<hbm>>) target_semaphore(%arg20 : memref<!tpu.dma_semaphore, #tpu.memory_space<semaphore_mem>>)
      %dma_wait3A_98 = arith.constant 0 : i32
      %dma_wait3A_99 = tpu.memref_slice %arg4[%add3A_66, %dma_wait3A_98] : memref<1600000x128xf32, #tpu.memory_space<hbm>> -> memref<200x128xf32, #tpu.memory_space<hbm>>
      %dma_wait3A_100 = arith.constant 0 : i32
      %dma_wait3A_101 = tpu.memref_slice %arg4[%add3A_66, %dma_wait3A_100] : memref<1600000x128xf32, #tpu.memory_space<hbm>> -> memref<200x128xf32, #tpu.memory_space<hbm>>
      tpu.wait_dma2 semaphore(%arg17 : memref<!tpu.dma_semaphore, #tpu.memory_space<semaphore_mem>>) src(%arg9 : memref<200x128xf32, #tpu.memory_space<vmem>>) dst(%dma_wait3A_101 : memref<200x128xf32, #tpu.memory_space<hbm>>)
      %dma_wait3A_102 = arith.constant 0 : i32
      %dma_wait3A_103 = tpu.memref_slice %arg4[%add3A_75, %dma_wait3A_102] : memref<1600000x128xf32, #tpu.memory_space<hbm>> -> memref<200x128xf32, #tpu.memory_space<hbm>>
      %dma_wait3A_104 = arith.constant 0 : i32
      %dma_wait3A_105 = tpu.memref_slice %arg4[%add3A_75, %dma_wait3A_104] : memref<1600000x128xf32, #tpu.memory_space<hbm>> -> memref<200x128xf32, #tpu.memory_space<hbm>>
      tpu.wait_dma2 semaphore(%arg18 : memref<!tpu.dma_semaphore, #tpu.memory_space<semaphore_mem>>) src(%arg10 : memref<200x128xf32, #tpu.memory_space<vmem>>) dst(%dma_wait3A_105 : memref<200x128xf32, #tpu.memory_space<hbm>>)
      %dma_wait3A_106 = arith.constant 0 : i32
      %dma_wait3A_107 = tpu.memref_slice %arg4[%add3A_84, %dma_wait3A_106] : memref<1600000x128xf32, #tpu.memory_space<hbm>> -> memref<200x128xf32, #tpu.memory_space<hbm>>
      %dma_wait3A_108 = arith.constant 0 : i32
      %dma_wait3A_109 = tpu.memref_slice %arg4[%add3A_84, %dma_wait3A_108] : memref<1600000x128xf32, #tpu.memory_space<hbm>> -> memref<200x128xf32, #tpu.memory_space<hbm>>
      tpu.wait_dma2 semaphore(%arg19 : memref<!tpu.dma_semaphore, #tpu.memory_space<semaphore_mem>>) src(%arg11 : memref<200x128xf32, #tpu.memory_space<vmem>>) dst(%dma_wait3A_109 : memref<200x128xf32, #tpu.memory_space<hbm>>)
      %dma_wait3A_110 = arith.constant 0 : i32
      %dma_wait3A_111 = tpu.memref_slice %arg4[%add3A_93, %dma_wait3A_110] : memref<1600000x128xf32, #tpu.memory_space<hbm>> -> memref<200x128xf32, #tpu.memory_space<hbm>>
      %dma_wait3A_112 = arith.constant 0 : i32
      %dma_wait3A_113 = tpu.memref_slice %arg4[%add3A_93, %dma_wait3A_112] : memref<1600000x128xf32, #tpu.memory_space<hbm>> -> memref<200x128xf32, #tpu.memory_space<hbm>>
      tpu.wait_dma2 semaphore(%arg20 : memref<!tpu.dma_semaphore, #tpu.memory_space<semaphore_mem>>) src(%arg12 : memref<200x128xf32, #tpu.memory_space<vmem>>) dst(%dma_wait3A_113 : memref<200x128xf32, #tpu.memory_space<hbm>>)
    }
    %scan3A_7 = arith.constant 62 : i32
    %add3A_8 = arith.constant 49600 : i32
    %add3A_9 = arith.addi %mul3A_2, %add3A_8 : i32
    %add3A_10 = arith.constant 0 : i32
    %add3A_11 = arith.addi %add3A_9, %add3A_10 : i32
    %add3A_12 = arith.constant 0 : i32
    %add3A_13 = arith.addi %add3A_12, %add3A_11 : i32
    "tpu.region"() ({
      %run_scoped3A = tpu.sem_alloc : memref<!tpu.dma_semaphore, #tpu.memory_space<semaphore_mem>>
      %dma_start3A_30 = tpu.memref_slice %arg3[%add3A_13] : memref<3200000xi32, #tpu.memory_space<hbm>> -> memref<200xi32, #tpu.memory_space<hbm>>
      %dma_start3A_31 = tpu.memref_slice %arg3[%add3A_13] : memref<3200000xi32, #tpu.memory_space<hbm>> -> memref<200xi32, #tpu.memory_space<hbm>>
      tpu.enqueue_dma source(%dma_start3A_31 : memref<200xi32, #tpu.memory_space<hbm>>) target(%arg5 : memref<200xi32, #tpu.memory_space<vmem>>) target_semaphore(%run_scoped3A : memref<!tpu.dma_semaphore, #tpu.memory_space<semaphore_mem>>)
      %dma_wait3A_32 = tpu.memref_slice %arg3[%add3A_13] : memref<3200000xi32, #tpu.memory_space<hbm>> -> memref<200xi32, #tpu.memory_space<hbm>>
      %dma_wait3A_33 = tpu.memref_slice %arg3[%add3A_13] : memref<3200000xi32, #tpu.memory_space<hbm>> -> memref<200xi32, #tpu.memory_space<hbm>>
      tpu.wait_dma2 semaphore(%run_scoped3A : memref<!tpu.dma_semaphore, #tpu.memory_space<semaphore_mem>>) src(%dma_wait3A_33 : memref<200xi32, #tpu.memory_space<hbm>>) dst(%arg5 : memref<200xi32, #tpu.memory_space<vmem>>)
      tpu.yield
    }) : () -> ()
    %dma_start3A = arith.constant 0 : i32
    %dma_start3A_14 = arith.constant 0 : i32
    %dma_start3A_15 = tpu.memref_slice %arg2[%dma_start3A, %dma_start3A_14] : memref<50000x128xf32, #tpu.memory_space<hbm>> -> memref<50000x128xf32, #tpu.memory_space<hbm>>
    tpu.enqueue_indirect_dma source(%dma_start3A_15 : memref<50000x128xf32, #tpu.memory_space<hbm>>) target(%arg9 : memref<200x128xf32, #tpu.memory_space<vmem>>) offsets(%arg5 : memref<200xi32, #tpu.memory_space<vmem>>) semaphore(%arg13 : memref<!tpu.dma_semaphore, #tpu.memory_space<semaphore_mem>>)
    %dma_wait3A = arith.constant 0 : i32
    %dma_wait3A_16 = arith.constant 0 : i32
    %dma_wait3A_17 = tpu.memref_slice %arg2[%dma_wait3A, %dma_wait3A_16] : memref<50000x128xf32, #tpu.memory_space<hbm>> -> memref<50000x128xf32, #tpu.memory_space<hbm>>
    tpu.wait_indirect_dma semaphore(%arg13 : memref<!tpu.dma_semaphore, #tpu.memory_space<semaphore_mem>>) src(%dma_wait3A_17 : memref<50000x128xf32, #tpu.memory_space<hbm>>) dst(%arg9 : memref<200x128xf32, #tpu.memory_space<vmem>>)
    "tpu.region"() ({
      %run_scoped3A = tpu.sem_alloc : memref<!tpu.dma_semaphore, #tpu.memory_space<semaphore_mem>>
      %dma_start3A_30 = arith.constant 0 : i32
      %dma_start3A_31 = tpu.memref_slice %arg4[%add3A_11, %dma_start3A_30] : memref<1600000x128xf32, #tpu.memory_space<hbm>> -> memref<200x128xf32, #tpu.memory_space<hbm>>
      %dma_start3A_32 = arith.constant 0 : i32
      %dma_start3A_33 = tpu.memref_slice %arg4[%add3A_11, %dma_start3A_32] : memref<1600000x128xf32, #tpu.memory_space<hbm>> -> memref<200x128xf32, #tpu.memory_space<hbm>>
      tpu.enqueue_dma source(%arg9 : memref<200x128xf32, #tpu.memory_space<vmem>>) target(%dma_start3A_33 : memref<200x128xf32, #tpu.memory_space<hbm>>) target_semaphore(%run_scoped3A : memref<!tpu.dma_semaphore, #tpu.memory_space<semaphore_mem>>)
      %dma_wait3A_34 = arith.constant 0 : i32
      %dma_wait3A_35 = tpu.memref_slice %arg4[%add3A_11, %dma_wait3A_34] : memref<1600000x128xf32, #tpu.memory_space<hbm>> -> memref<200x128xf32, #tpu.memory_space<hbm>>
      %dma_wait3A_36 = arith.constant 0 : i32
      %dma_wait3A_37 = tpu.memref_slice %arg4[%add3A_11, %dma_wait3A_36] : memref<1600000x128xf32, #tpu.memory_space<hbm>> -> memref<200x128xf32, #tpu.memory_space<hbm>>
      tpu.wait_dma2 semaphore(%run_scoped3A : memref<!tpu.dma_semaphore, #tpu.memory_space<semaphore_mem>>) src(%arg9 : memref<200x128xf32, #tpu.memory_space<vmem>>) dst(%dma_wait3A_37 : memref<200x128xf32, #tpu.memory_space<hbm>>)
      tpu.yield
    }) : () -> ()
    %add3A_18 = arith.constant 49600 : i32
    %add3A_19 = arith.addi %mul3A_2, %add3A_18 : i32
    %add3A_20 = arith.constant 200 : i32
    %add3A_21 = arith.addi %add3A_19, %add3A_20 : i32
    %add3A_22 = arith.constant 0 : i32
    %add3A_23 = arith.addi %add3A_22, %add3A_21 : i32
    "tpu.region"() ({
      %run_scoped3A = tpu.sem_alloc : memref<!tpu.dma_semaphore, #tpu.memory_space<semaphore_mem>>
      %dma_start3A_30 = tpu.memref_slice %arg3[%add3A_23] : memref<3200000xi32, #tpu.memory_space<hbm>> -> memref<200xi32, #tpu.memory_space<hbm>>
      %dma_start3A_31 = tpu.memref_slice %arg3[%add3A_23] : memref<3200000xi32, #tpu.memory_space<hbm>> -> memref<200xi32, #tpu.memory_space<hbm>>
      tpu.enqueue_dma source(%dma_start3A_31 : memref<200xi32, #tpu.memory_space<hbm>>) target(%arg6 : memref<200xi32, #tpu.memory_space<vmem>>) target_semaphore(%run_scoped3A : memref<!tpu.dma_semaphore, #tpu.memory_space<semaphore_mem>>)
      %dma_wait3A_32 = tpu.memref_slice %arg3[%add3A_23] : memref<3200000xi32, #tpu.memory_space<hbm>> -> memref<200xi32, #tpu.memory_space<hbm>>
      %dma_wait3A_33 = tpu.memref_slice %arg3[%add3A_23] : memref<3200000xi32, #tpu.memory_space<hbm>> -> memref<200xi32, #tpu.memory_space<hbm>>
      tpu.wait_dma2 semaphore(%run_scoped3A : memref<!tpu.dma_semaphore, #tpu.memory_space<semaphore_mem>>) src(%dma_wait3A_33 : memref<200xi32, #tpu.memory_space<hbm>>) dst(%arg6 : memref<200xi32, #tpu.memory_space<vmem>>)
      tpu.yield
    }) : () -> ()
    %dma_start3A_24 = arith.constant 0 : i32
    %dma_start3A_25 = arith.constant 0 : i32
    %dma_start3A_26 = tpu.memref_slice %arg2[%dma_start3A_24, %dma_start3A_25] : memref<50000x128xf32, #tpu.memory_space<hbm>> -> memref<50000x128xf32, #tpu.memory_space<hbm>>
    tpu.enqueue_indirect_dma source(%dma_start3A_26 : memref<50000x128xf32, #tpu.memory_space<hbm>>) target(%arg10 : memref<200x128xf32, #tpu.memory_space<vmem>>) offsets(%arg6 : memref<200xi32, #tpu.memory_space<vmem>>) semaphore(%arg14 : memref<!tpu.dma_semaphore, #tpu.memory_space<semaphore_mem>>)
    %dma_wait3A_27 = arith.constant 0 : i32
    %dma_wait3A_28 = arith.constant 0 : i32
    %dma_wait3A_29 = tpu.memref_slice %arg2[%dma_wait3A_27, %dma_wait3A_28] : memref<50000x128xf32, #tpu.memory_space<hbm>> -> memref<50000x128xf32, #tpu.memory_space<hbm>>
    tpu.wait_indirect_dma semaphore(%arg14 : memref<!tpu.dma_semaphore, #tpu.memory_space<semaphore_mem>>) src(%dma_wait3A_29 : memref<50000x128xf32, #tpu.memory_space<hbm>>) dst(%arg10 : memref<200x128xf32, #tpu.memory_space<vmem>>)
    "tpu.region"() ({
      %run_scoped3A = tpu.sem_alloc : memref<!tpu.dma_semaphore, #tpu.memory_space<semaphore_mem>>
      %dma_start3A_30 = arith.constant 0 : i32
      %dma_start3A_31 = tpu.memref_slice %arg4[%add3A_21, %dma_start3A_30] : memref<1600000x128xf32, #tpu.memory_space<hbm>> -> memref<200x128xf32, #tpu.memory_space<hbm>>
      %dma_start3A_32 = arith.constant 0 : i32
      %dma_start3A_33 = tpu.memref_slice %arg4[%add3A_21, %dma_start3A_32] : memref<1600000x128xf32, #tpu.memory_space<hbm>> -> memref<200x128xf32, #tpu.memory_space<hbm>>
      tpu.enqueue_dma source(%arg10 : memref<200x128xf32, #tpu.memory_space<vmem>>) target(%dma_start3A_33 : memref<200x128xf32, #tpu.memory_space<hbm>>) target_semaphore(%run_scoped3A : memref<!tpu.dma_semaphore, #tpu.memory_space<semaphore_mem>>)
      %dma_wait3A_34 = arith.constant 0 : i32
      %dma_wait3A_35 = tpu.memref_slice %arg4[%add3A_21, %dma_wait3A_34] : memref<1600000x128xf32, #tpu.memory_space<hbm>> -> memref<200x128xf32, #tpu.memory_space<hbm>>
      %dma_wait3A_36 = arith.constant 0 : i32
      %dma_wait3A_37 = tpu.memref_slice %arg4[%add3A_21, %dma_wait3A_36] : memref<1600000x128xf32, #tpu.memory_space<hbm>> -> memref<200x128xf32, #tpu.memory_space<hbm>>
      tpu.wait_dma2 semaphore(%run_scoped3A : memref<!tpu.dma_semaphore, #tpu.memory_space<semaphore_mem>>) src(%arg10 : memref<200x128xf32, #tpu.memory_space<vmem>>) dst(%dma_wait3A_37 : memref<200x128xf32, #tpu.memory_space<hbm>>)
      tpu.yield
    }) : () -> ()
    return
  }
}

module attributes {stable_mosaic.version = 14 : i64} {
  func.func @_node_kernel(%arg0: i32, %arg1: memref<2000x39xf32, #tpu.memory_space<vmem>>, %arg2: memref<2000x3xf32, #tpu.memory_space<vmem>>, %arg3: memref<2000x3xf32, #tpu.memory_space<vmem>>, %arg4: memref<39x256xf32, #tpu.memory_space<vmem>>, %arg5: memref<256xf32, #tpu.memory_space<vmem>>, %arg6: memref<256xf32, #tpu.memory_space<vmem>>, %arg7: memref<256xf32, #tpu.memory_space<vmem>>, %arg8: memref<256x64xf32, #tpu.memory_space<vmem>>, %arg9: memref<64xf32, #tpu.memory_space<vmem>>, %arg10: memref<64x128xf32, #tpu.memory_space<vmem>>, %arg11: memref<128xf32, #tpu.memory_space<vmem>>, %arg12: memref<128xf32, #tpu.memory_space<vmem>>, %arg13: memref<128xf32, #tpu.memory_space<vmem>>, %arg14: memref<128x16xf32, #tpu.memory_space<vmem>>, %arg15: memref<16xf32, #tpu.memory_space<vmem>>, %arg16: memref<2000x128xf32, #tpu.memory_space<vmem>>, %arg17: memref<2000x16xf32, #tpu.memory_space<vmem>>) attributes {dimension_semantics = [#tpu.dimension_semantics<arbitrary>], iteration_bounds = array<i64: 25>, scalar_prefetch = 0 : i64, scratch_operands = 0 : i64, tpu.core_type = #tpu.core_type<tc>, window_params = [{transform_indices = @transform_0, window_bounds = array<i64: 2000, 39>}, {transform_indices = @transform_1, window_bounds = array<i64: 2000, 3>}, {transform_indices = @transform_2, window_bounds = array<i64: 2000, 3>}, {pipeline_mode = #tpu.pipeline_mode<synchronous>, transform_indices = @transform_3, window_bounds = array<i64: 39, 256>}, {pipeline_mode = #tpu.pipeline_mode<synchronous>, transform_indices = @transform_4, window_bounds = array<i64: 256>}, {pipeline_mode = #tpu.pipeline_mode<synchronous>, transform_indices = @transform_5, window_bounds = array<i64: 256>}, {pipeline_mode = #tpu.pipeline_mode<synchronous>, transform_indices = @transform_6, window_bounds = array<i64: 256>}, {pipeline_mode = #tpu.pipeline_mode<synchronous>, transform_indices = @transform_7, window_bounds = array<i64: 256, 64>}, {pipeline_mode = #tpu.pipeline_mode<synchronous>, transform_indices = @transform_8, window_bounds = array<i64: 64>}, {pipeline_mode = #tpu.pipeline_mode<synchronous>, transform_indices = @transform_9, window_bounds = array<i64: 64, 128>}, {pipeline_mode = #tpu.pipeline_mode<synchronous>, transform_indices = @transform_10, window_bounds = array<i64: 128>}, {pipeline_mode = #tpu.pipeline_mode<synchronous>, transform_indices = @transform_11, window_bounds = array<i64: 128>}, {pipeline_mode = #tpu.pipeline_mode<synchronous>, transform_indices = @transform_12, window_bounds = array<i64: 128>}, {pipeline_mode = #tpu.pipeline_mode<synchronous>, transform_indices = @transform_13, window_bounds = array<i64: 128, 16>}, {pipeline_mode = #tpu.pipeline_mode<synchronous>, transform_indices = @transform_14, window_bounds = array<i64: 16>}, {transform_indices = @transform_15, window_bounds = array<i64: 2000, 128>}, {transform_indices = @transform_16, window_bounds = array<i64: 2000, 16>}]} {
    %get3A = arith.constant 0 : index
    %get3A_0 = arith.constant 0 : index
    %get3A_1 = vector.load %arg1[%get3A, %get3A_0] : memref<2000x39xf32, #tpu.memory_space<vmem>>, vector<2000x39xf32>
    %get3A_2 = arith.constant 0 : index
    %get3A_3 = arith.constant 0 : index
    %get3A_4 = vector.load %arg4[%get3A_2, %get3A_3] : memref<39x256xf32, #tpu.memory_space<vmem>>, vector<39x256xf32>
    %dot_general3A = arith.constant dense<0.000000e+00> : vector<2000x256xf32>
    %dot_general3A_5 = tpu.matmul %get3A_1, %get3A_4, %dot_general3A {dimension_numbers = #tpu.dot_dimension_numbers<[1], [0], [0], [1], [0, 0, 1, 1], [], []>, precision = #tpu.contract_precision<fp32>, transpose_lhs_hint = false} : vector<2000x39xf32>, vector<39x256xf32>, vector<2000x256xf32> -> vector<2000x256xf32>
    %get3A_6 = arith.constant 0 : index
    %get3A_7 = vector.load %arg5[%get3A_6] : memref<256xf32, #tpu.memory_space<vmem>>, vector<256xf32>
    %broadcast_in_dim3A = vector.shape_cast %get3A_7 : vector<256xf32> to vector<1x256xf32>
    %add3A = vector.broadcast %broadcast_in_dim3A : vector<1x256xf32> to vector<2000x256xf32>
    %add3A_8 = arith.addf %dot_general3A_5, %add3A : vector<2000x256xf32>
    %max3A = arith.constant 0.000000e+00 : f32
    %max3A_9 = vector.broadcast %max3A : f32 to vector<2000x256xf32>
    %max3A_10 = arith.maximumf %add3A_8, %max3A_9 : vector<2000x256xf32>
    %get3A_11 = arith.constant 0 : index
    %get3A_12 = vector.load %arg6[%get3A_11] : memref<256xf32, #tpu.memory_space<vmem>>, vector<256xf32>
    %mul3A = arith.constant 0.999994993 : f32
    %mul3A_13 = vector.broadcast %mul3A : f32 to vector<2000x256xf32>
    %mul3A_14 = arith.mulf %max3A_10, %mul3A_13 : vector<2000x256xf32>
    %broadcast_in_dim3A_15 = vector.shape_cast %get3A_12 : vector<256xf32> to vector<1x256xf32>
    %mul3A_16 = vector.broadcast %broadcast_in_dim3A_15 : vector<1x256xf32> to vector<2000x256xf32>
    %mul3A_17 = arith.mulf %mul3A_16, %mul3A_14 : vector<2000x256xf32>
    %get3A_18 = arith.constant 0 : index
    %get3A_19 = vector.load %arg7[%get3A_18] : memref<256xf32, #tpu.memory_space<vmem>>, vector<256xf32>
    %broadcast_in_dim3A_20 = vector.shape_cast %get3A_19 : vector<256xf32> to vector<1x256xf32>
    %add3A_21 = vector.broadcast %broadcast_in_dim3A_20 : vector<1x256xf32> to vector<2000x256xf32>
    %add3A_22 = arith.addf %mul3A_17, %add3A_21 : vector<2000x256xf32>
    %get3A_23 = arith.constant 0 : index
    %get3A_24 = arith.constant 0 : index
    %get3A_25 = vector.load %arg8[%get3A_23, %get3A_24] : memref<256x64xf32, #tpu.memory_space<vmem>>, vector<256x64xf32>
    %dot_general3A_26 = arith.constant dense<0.000000e+00> : vector<2000x64xf32>
    %dot_general3A_27 = tpu.matmul %add3A_22, %get3A_25, %dot_general3A_26 {dimension_numbers = #tpu.dot_dimension_numbers<[1], [0], [0], [1], [0, 0, 1, 1], [], []>, precision = #tpu.contract_precision<fp32>, transpose_lhs_hint = false} : vector<2000x256xf32>, vector<256x64xf32>, vector<2000x64xf32> -> vector<2000x64xf32>
    %get3A_28 = arith.constant 0 : index
    %get3A_29 = vector.load %arg9[%get3A_28] : memref<64xf32, #tpu.memory_space<vmem>>, vector<64xf32>
    %broadcast_in_dim3A_30 = vector.shape_cast %get3A_29 : vector<64xf32> to vector<1x64xf32>
    %add3A_31 = vector.broadcast %broadcast_in_dim3A_30 : vector<1x64xf32> to vector<2000x64xf32>
    %add3A_32 = arith.addf %dot_general3A_27, %add3A_31 : vector<2000x64xf32>
    %max3A_33 = arith.constant 0.000000e+00 : f32
    %max3A_34 = vector.broadcast %max3A_33 : f32 to vector<2000x64xf32>
    %max3A_35 = arith.maximumf %add3A_32, %max3A_34 : vector<2000x64xf32>
    %get3A_36 = arith.constant 0 : index
    %get3A_37 = arith.constant 0 : index
    %get3A_38 = vector.load %arg10[%get3A_36, %get3A_37] : memref<64x128xf32, #tpu.memory_space<vmem>>, vector<64x128xf32>
    %dot_general3A_39 = arith.constant dense<0.000000e+00> : vector<2000x128xf32>
    %dot_general3A_40 = tpu.matmul %max3A_35, %get3A_38, %dot_general3A_39 {dimension_numbers = #tpu.dot_dimension_numbers<[1], [0], [0], [1], [0, 0, 1, 1], [], []>, precision = #tpu.contract_precision<fp32>, transpose_lhs_hint = false} : vector<2000x64xf32>, vector<64x128xf32>, vector<2000x128xf32> -> vector<2000x128xf32>
    %get3A_41 = arith.constant 0 : index
    %get3A_42 = vector.load %arg11[%get3A_41] : memref<128xf32, #tpu.memory_space<vmem>>, vector<128xf32>
    %broadcast_in_dim3A_43 = vector.shape_cast %get3A_42 : vector<128xf32> to vector<1x128xf32>
    %add3A_44 = vector.broadcast %broadcast_in_dim3A_43 : vector<1x128xf32> to vector<2000x128xf32>
    %add3A_45 = arith.addf %dot_general3A_40, %add3A_44 : vector<2000x128xf32>
    %max3A_46 = arith.constant 0.000000e+00 : f32
    %max3A_47 = vector.broadcast %max3A_46 : f32 to vector<2000x128xf32>
    %max3A_48 = arith.maximumf %add3A_45, %max3A_47 : vector<2000x128xf32>
    %get3A_49 = arith.constant 0 : index
    %get3A_50 = vector.load %arg12[%get3A_49] : memref<128xf32, #tpu.memory_space<vmem>>, vector<128xf32>
    %mul3A_51 = arith.constant 0.999994993 : f32
    %mul3A_52 = vector.broadcast %mul3A_51 : f32 to vector<2000x128xf32>
    %mul3A_53 = arith.mulf %max3A_48, %mul3A_52 : vector<2000x128xf32>
    %broadcast_in_dim3A_54 = vector.shape_cast %get3A_50 : vector<128xf32> to vector<1x128xf32>
    %mul3A_55 = vector.broadcast %broadcast_in_dim3A_54 : vector<1x128xf32> to vector<2000x128xf32>
    %mul3A_56 = arith.mulf %mul3A_55, %mul3A_53 : vector<2000x128xf32>
    %get3A_57 = arith.constant 0 : index
    %get3A_58 = vector.load %arg13[%get3A_57] : memref<128xf32, #tpu.memory_space<vmem>>, vector<128xf32>
    %broadcast_in_dim3A_59 = vector.shape_cast %get3A_58 : vector<128xf32> to vector<1x128xf32>
    %add3A_60 = vector.broadcast %broadcast_in_dim3A_59 : vector<1x128xf32> to vector<2000x128xf32>
    %add3A_61 = arith.addf %mul3A_56, %add3A_60 : vector<2000x128xf32>
    %get3A_62 = arith.constant 0 : index
    %get3A_63 = arith.constant 0 : index
    %get3A_64 = vector.load %arg14[%get3A_62, %get3A_63] : memref<128x16xf32, #tpu.memory_space<vmem>>, vector<128x16xf32>
    %dot_general3A_65 = arith.constant dense<0.000000e+00> : vector<2000x16xf32>
    %dot_general3A_66 = tpu.matmul %add3A_61, %get3A_64, %dot_general3A_65 {dimension_numbers = #tpu.dot_dimension_numbers<[1], [0], [0], [1], [0, 0, 1, 1], [], []>, precision = #tpu.contract_precision<fp32>, transpose_lhs_hint = false} : vector<2000x128xf32>, vector<128x16xf32>, vector<2000x16xf32> -> vector<2000x16xf32>
    %get3A_67 = arith.constant 0 : index
    %get3A_68 = vector.load %arg15[%get3A_67] : memref<16xf32, #tpu.memory_space<vmem>>, vector<16xf32>
    %broadcast_in_dim3A_69 = vector.shape_cast %get3A_68 : vector<16xf32> to vector<1x16xf32>
    %add3A_70 = vector.broadcast %broadcast_in_dim3A_69 : vector<1x16xf32> to vector<2000x16xf32>
    %add3A_71 = arith.addf %dot_general3A_66, %add3A_70 : vector<2000x16xf32>
    %swap3A = arith.constant 0 : index
    %swap3A_72 = arith.constant 0 : index
    %swap3A_73 = vector.load %arg17[%swap3A, %swap3A_72] : memref<2000x16xf32, #tpu.memory_space<vmem>>, vector<2000x16xf32>
    tpu.vector_store %arg17[%swap3A, %swap3A_72], %add3A_71 {strides = array<i32>} : memref<2000x16xf32, #tpu.memory_space<vmem>>, vector<2000x16xf32>,
    %get3A_74 = arith.constant 0 : index
    %get3A_75 = arith.constant 0 : index
    %get3A_76 = vector.load %arg2[%get3A_74, %get3A_75] : memref<2000x3xf32, #tpu.memory_space<vmem>>, vector<2000x3xf32>
    %get3A_77 = arith.constant 0 : index
    %get3A_78 = arith.constant 0 : index
    %get3A_79 = vector.load %arg3[%get3A_77, %get3A_78] : memref<2000x3xf32, #tpu.memory_space<vmem>>, vector<2000x3xf32>
    %mul3A_80 = arith.mulf %get3A_76, %get3A_76 : vector<2000x3xf32>
    %reduce_sum3A = arith.constant dense<0.000000e+00> : vector<2000xf32>
    %reduce_sum3A_81 = vector.multi_reduction <add>, %mul3A_80, %reduce_sum3A [1] : vector<2000x3xf32> to vector<2000xf32>
    %broadcast_in_dim3A_82 = vector.shape_cast %reduce_sum3A_81 : vector<2000xf32> to vector<2000x1xf32>
    %mul3A_83 = arith.mulf %get3A_79, %get3A_79 : vector<2000x3xf32>
    %reduce_sum3A_84 = arith.constant dense<0.000000e+00> : vector<2000xf32>
    %reduce_sum3A_85 = vector.multi_reduction <add>, %mul3A_83, %reduce_sum3A_84 [1] : vector<2000x3xf32> to vector<2000xf32>
    %broadcast_in_dim3A_86 = vector.shape_cast %reduce_sum3A_85 : vector<2000xf32> to vector<2000x1xf32>
    %sqrt3A = math.sqrt %broadcast_in_dim3A_86 : vector<2000x1xf32>
    %max3A_87 = arith.constant 9.99999993E-9 : f32
    %max3A_88 = vector.broadcast %max3A_87 : f32 to vector<2000x1xf32>
    %max3A_89 = arith.maximumf %sqrt3A, %max3A_88 : vector<2000x1xf32>
    %div3A = vector.broadcast %max3A_89 : vector<2000x1xf32> to vector<2000x3xf32>
    %div3A_90 = arith.divf %get3A_79, %div3A : vector<2000x3xf32>
    %broadcast_in_dim3A_91 = arith.constant 0.000000e+00 : f32
    %broadcast_in_dim3A_92 = vector.broadcast %broadcast_in_dim3A_91 : f32 to vector<2000x57xf32>
    %concatenate3A = tpu.concatenate %max3A_35, %get3A_76, %broadcast_in_dim3A_82, %div3A_90, %broadcast_in_dim3A_92 in 1 : vector<2000x64xf32>, vector<2000x3xf32>, vector<2000x1xf32>, vector<2000x3xf32>, vector<2000x57xf32> -> vector<2000x128xf32>
    %swap3A_93 = arith.constant 0 : index
    %swap3A_94 = arith.constant 0 : index
    %swap3A_95 = vector.load %arg16[%swap3A_93, %swap3A_94] : memref<2000x128xf32, #tpu.memory_space<vmem>>, vector<2000x128xf32>
    tpu.vector_store %arg16[%swap3A_93, %swap3A_94], %concatenate3A {strides = array<i32>} : memref<2000x128xf32, #tpu.memory_space<vmem>>, vector<2000x128xf32>,
    return
  }
  func.func @transform_0(%arg0: i32) -> (i32, i32) {
    %c0_i32 = arith.constant 0 : i32
    %c0_i32_0 = arith.constant 0 : i32
    return %arg0, %c0_i32 : i32, i32
  }
  func.func @transform_1(%arg0: i32) -> (i32, i32) {
    %c0_i32 = arith.constant 0 : i32
    %c0_i32_0 = arith.constant 0 : i32
    return %arg0, %c0_i32 : i32, i32
  }
  func.func @transform_2(%arg0: i32) -> (i32, i32) {
    %c0_i32 = arith.constant 0 : i32
    %c0_i32_0 = arith.constant 0 : i32
    return %arg0, %c0_i32 : i32, i32
  }
  func.func @transform_3(%arg0: i32) -> (i32, i32) {
    %c0_i32 = arith.constant 0 : i32
    %c0_i32_0 = arith.constant 0 : i32
    %c0_i32_1 = arith.constant 0 : i32
    return %c0_i32, %c0_i32_0 : i32, i32
  }
  func.func @transform_4(%arg0: i32) -> i32 {
    %c0_i32 = arith.constant 0 : i32
    %c0_i32_0 = arith.constant 0 : i32
    return %c0_i32 : i32
  }
  func.func @transform_5(%arg0: i32) -> i32 {
    %c0_i32 = arith.constant 0 : i32
    %c0_i32_0 = arith.constant 0 : i32
    return %c0_i32 : i32
  }
  func.func @transform_6(%arg0: i32) -> i32 {
    %c0_i32 = arith.constant 0 : i32
    %c0_i32_0 = arith.constant 0 : i32
    return %c0_i32 : i32
  }
  func.func @transform_7(%arg0: i32) -> (i32, i32) {
    %c0_i32 = arith.constant 0 : i32
    %c0_i32_0 = arith.constant 0 : i32
    %c0_i32_1 = arith.constant 0 : i32
    return %c0_i32, %c0_i32_0 : i32, i32
  }
  func.func @transform_8(%arg0: i32) -> i32 {
    %c0_i32 = arith.constant 0 : i32
    %c0_i32_0 = arith.constant 0 : i32
    return %c0_i32 : i32
  }
  func.func @transform_9(%arg0: i32) -> (i32, i32) {
    %c0_i32 = arith.constant 0 : i32
    %c0_i32_0 = arith.constant 0 : i32
    %c0_i32_1 = arith.constant 0 : i32
    return %c0_i32, %c0_i32_0 : i32, i32
  }
  func.func @transform_10(%arg0: i32) -> i32 {
    %c0_i32 = arith.constant 0 : i32
    %c0_i32_0 = arith.constant 0 : i32
    return %c0_i32 : i32
  }
  func.func @transform_11(%arg0: i32) -> i32 {
    %c0_i32 = arith.constant 0 : i32
    %c0_i32_0 = arith.constant 0 : i32
    return %c0_i32 : i32
  }
  func.func @transform_12(%arg0: i32) -> i32 {
    %c0_i32 = arith.constant 0 : i32
    %c0_i32_0 = arith.constant 0 : i32
    return %c0_i32 : i32
  }
  func.func @transform_13(%arg0: i32) -> (i32, i32) {
    %c0_i32 = arith.constant 0 : i32
    %c0_i32_0 = arith.constant 0 : i32
    %c0_i32_1 = arith.constant 0 : i32
    return %c0_i32, %c0_i32_0 : i32, i32
  }
  func.func @transform_14(%arg0: i32) -> i32 {
    %c0_i32 = arith.constant 0 : i32
    %c0_i32_0 = arith.constant 0 : i32
    return %c0_i32 : i32
  }
  func.func @transform_15(%arg0: i32) -> (i32, i32) {
    %c0_i32 = arith.constant 0 : i32
    %c0_i32_0 = arith.constant 0 : i32
    return %arg0, %c0_i32 : i32, i32
  }
  func.func @transform_16(%arg0: i32) -> (i32, i32) {
    %c0_i32 = arith.constant 0 : i32
    %c0_i32_0 = arith.constant 0 : i32
    return %arg0, %c0_i32 : i32, i32
  }
}

module attributes {stable_mosaic.version = 14 : i64} {
  func.func @_pair_head_kernel(%arg0: i32, %arg1: memref<2000x128xf32, #tpu.memory_space<vmem>>, %arg2: memref<2000x128xf32, #tpu.memory_space<vmem>>, %arg3: memref<128x128xbf16, #tpu.memory_space<vmem>>, %arg4: memref<128x128xbf16, #tpu.memory_space<vmem>>, %arg5: memref<128x128xbf16, #tpu.memory_space<vmem>>, %arg6: memref<128x128xbf16, #tpu.memory_space<vmem>>, %arg7: memref<128x128xbf16, #tpu.memory_space<vmem>>, %arg8: memref<128x128xbf16, #tpu.memory_space<vmem>>, %arg9: memref<128xf32, #tpu.memory_space<vmem>>, %arg10: memref<128xf32, #tpu.memory_space<vmem>>, %arg11: memref<128xf32, #tpu.memory_space<vmem>>, %arg12: memref<128x3xbf16, #tpu.memory_space<vmem>>, %arg13: memref<128x3xbf16, #tpu.memory_space<vmem>>, %arg14: memref<3xf32, #tpu.memory_space<vmem>>, %arg15: memref<2000x3xf32, #tpu.memory_space<vmem>>) attributes {dimension_semantics = [#tpu.dimension_semantics<arbitrary>], iteration_bounds = array<i64: 200>, scalar_prefetch = 0 : i64, scratch_operands = 0 : i64, tpu.core_type = #tpu.core_type<tc>, window_params = [{transform_indices = @transform_0, window_bounds = array<i64: 2000, 128>}, {transform_indices = @transform_1, window_bounds = array<i64: 2000, 128>}, {pipeline_mode = #tpu.pipeline_mode<synchronous>, transform_indices = @transform_2, window_bounds = array<i64: 128, 128>}, {pipeline_mode = #tpu.pipeline_mode<synchronous>, transform_indices = @transform_3, window_bounds = array<i64: 128, 128>}, {pipeline_mode = #tpu.pipeline_mode<synchronous>, transform_indices = @transform_4, window_bounds = array<i64: 128, 128>}, {pipeline_mode = #tpu.pipeline_mode<synchronous>, transform_indices = @transform_5, window_bounds = array<i64: 128, 128>}, {pipeline_mode = #tpu.pipeline_mode<synchronous>, transform_indices = @transform_6, window_bounds = array<i64: 128, 128>}, {pipeline_mode = #tpu.pipeline_mode<synchronous>, transform_indices = @transform_7, window_bounds = array<i64: 128, 128>}, {pipeline_mode = #tpu.pipeline_mode<synchronous>, transform_indices = @transform_8, window_bounds = array<i64: 128>}, {pipeline_mode = #tpu.pipeline_mode<synchronous>, transform_indices = @transform_9, window_bounds = array<i64: 128>}, {pipeline_mode = #tpu.pipeline_mode<synchronous>, transform_indices = @transform_10, window_bounds = array<i64: 128>}, {pipeline_mode = #tpu.pipeline_mode<synchronous>, transform_indices = @transform_11, window_bounds = array<i64: 128, 3>}, {pipeline_mode = #tpu.pipeline_mode<synchronous>, transform_indices = @transform_12, window_bounds = array<i64: 128, 3>}, {pipeline_mode = #tpu.pipeline_mode<synchronous>, transform_indices = @transform_13, window_bounds = array<i64: 3>}, {transform_indices = @transform_14, window_bounds = array<i64: 2000, 3>}]} {
    %get3A = arith.constant 0 : index
    %get3A_0 = arith.constant 0 : index
    %get3A_1 = vector.load %arg1[%get3A, %get3A_0] : memref<2000x128xf32, #tpu.memory_space<vmem>>, vector<2000x128xf32>
    %get3A_2 = arith.constant 0 : index
    %get3A_3 = arith.constant 0 : index
    %get3A_4 = vector.load %arg2[%get3A_2, %get3A_3] : memref<2000x128xf32, #tpu.memory_space<vmem>>, vector<2000x128xf32>
    %mul3A = arith.mulf %get3A_1, %get3A_4 : vector<2000x128xf32>
    %convert_element_type3A = arith.truncf %get3A_1 : vector<2000x128xf32> to vector<2000x128xbf16>
    %convert_element_type3A_5 = arith.extf %convert_element_type3A : vector<2000x128xbf16> to vector<2000x128xf32>
    %sub3A = arith.subf %get3A_1, %convert_element_type3A_5 : vector<2000x128xf32>
    %convert_element_type3A_6 = arith.truncf %sub3A : vector<2000x128xf32> to vector<2000x128xbf16>
    %convert_element_type3A_7 = arith.truncf %get3A_4 : vector<2000x128xf32> to vector<2000x128xbf16>
    %convert_element_type3A_8 = arith.extf %convert_element_type3A_7 : vector<2000x128xbf16> to vector<2000x128xf32>
    %sub3A_9 = arith.subf %get3A_4, %convert_element_type3A_8 : vector<2000x128xf32>
    %convert_element_type3A_10 = arith.truncf %sub3A_9 : vector<2000x128xf32> to vector<2000x128xbf16>
    %convert_element_type3A_11 = arith.truncf %mul3A : vector<2000x128xf32> to vector<2000x128xbf16>
    %convert_element_type3A_12 = arith.extf %convert_element_type3A_11 : vector<2000x128xbf16> to vector<2000x128xf32>
    %sub3A_13 = arith.subf %mul3A, %convert_element_type3A_12 : vector<2000x128xf32>
    %convert_element_type3A_14 = arith.truncf %sub3A_13 : vector<2000x128xf32> to vector<2000x128xbf16>
    %get3A_15 = arith.constant 0 : index
    %get3A_16 = arith.constant 0 : index
    %get3A_17 = vector.load %arg3[%get3A_15, %get3A_16] : memref<128x128xbf16, #tpu.memory_space<vmem>>, vector<128x128xbf16>
    %get3A_18 = arith.constant 0 : index
    %get3A_19 = arith.constant 0 : index
    %get3A_20 = vector.load %arg4[%get3A_18, %get3A_19] : memref<128x128xbf16, #tpu.memory_space<vmem>>, vector<128x128xbf16>
    %dot_general3A = arith.constant dense<0.000000e+00> : vector<2000x128xf32>
    %dot_general3A_21 = tpu.matmul %convert_element_type3A, %get3A_17, %dot_general3A {dimension_numbers = #tpu.dot_dimension_numbers<[1], [0], [0], [1], [0, 0, 1, 1], [], []>, transpose_lhs_hint = false} : vector<2000x128xbf16>, vector<128x128xbf16>, vector<2000x128xf32> -> vector<2000x128xf32>
    %dot_general3A_22 = arith.constant dense<0.000000e+00> : vector<2000x128xf32>
    %dot_general3A_23 = tpu.matmul %convert_element_type3A, %get3A_20, %dot_general3A_22 {dimension_numbers = #tpu.dot_dimension_numbers<[1], [0], [0], [1], [0, 0, 1, 1], [], []>, transpose_lhs_hint = false} : vector<2000x128xbf16>, vector<128x128xbf16>, vector<2000x128xf32> -> vector<2000x128xf32>
    %add3A = arith.addf %dot_general3A_21, %dot_general3A_23 : vector<2000x128xf32>
    %dot_general3A_24 = arith.constant dense<0.000000e+00> : vector<2000x128xf32>
    %dot_general3A_25 = tpu.matmul %convert_element_type3A_6, %get3A_17, %dot_general3A_24 {dimension_numbers = #tpu.dot_dimension_numbers<[1], [0], [0], [1], [0, 0, 1, 1], [], []>, transpose_lhs_hint = false} : vector<2000x128xbf16>, vector<128x128xbf16>, vector<2000x128xf32> -> vector<2000x128xf32>
    %add3A_26 = arith.addf %add3A, %dot_general3A_25 : vector<2000x128xf32>
    %get3A_27 = arith.constant 0 : index
    %get3A_28 = arith.constant 0 : index
    %get3A_29 = vector.load %arg5[%get3A_27, %get3A_28] : memref<128x128xbf16, #tpu.memory_space<vmem>>, vector<128x128xbf16>
    %get3A_30 = arith.constant 0 : index
    %get3A_31 = arith.constant 0 : index
    %get3A_32 = vector.load %arg6[%get3A_30, %get3A_31] : memref<128x128xbf16, #tpu.memory_space<vmem>>, vector<128x128xbf16>
    %dot_general3A_33 = arith.constant dense<0.000000e+00> : vector<2000x128xf32>
    %dot_general3A_34 = tpu.matmul %convert_element_type3A_7, %get3A_29, %dot_general3A_33 {dimension_numbers = #tpu.dot_dimension_numbers<[1], [0], [0], [1], [0, 0, 1, 1], [], []>, transpose_lhs_hint = false} : vector<2000x128xbf16>, vector<128x128xbf16>, vector<2000x128xf32> -> vector<2000x128xf32>
    %dot_general3A_35 = arith.constant dense<0.000000e+00> : vector<2000x128xf32>
    %dot_general3A_36 = tpu.matmul %convert_element_type3A_7, %get3A_32, %dot_general3A_35 {dimension_numbers = #tpu.dot_dimension_numbers<[1], [0], [0], [1], [0, 0, 1, 1], [], []>, transpose_lhs_hint = false} : vector<2000x128xbf16>, vector<128x128xbf16>, vector<2000x128xf32> -> vector<2000x128xf32>
    %add3A_37 = arith.addf %dot_general3A_34, %dot_general3A_36 : vector<2000x128xf32>
    %dot_general3A_38 = arith.constant dense<0.000000e+00> : vector<2000x128xf32>
    %dot_general3A_39 = tpu.matmul %convert_element_type3A_10, %get3A_29, %dot_general3A_38 {dimension_numbers = #tpu.dot_dimension_numbers<[1], [0], [0], [1], [0, 0, 1, 1], [], []>, transpose_lhs_hint = false} : vector<2000x128xbf16>, vector<128x128xbf16>, vector<2000x128xf32> -> vector<2000x128xf32>
    %add3A_40 = arith.addf %add3A_37, %dot_general3A_39 : vector<2000x128xf32>
    %add3A_41 = arith.addf %add3A_26, %add3A_40 : vector<2000x128xf32>
    %get3A_42 = arith.constant 0 : index
    %get3A_43 = arith.constant 0 : index
    %get3A_44 = vector.load %arg7[%get3A_42, %get3A_43] : memref<128x128xbf16, #tpu.memory_space<vmem>>, vector<128x128xbf16>
    %get3A_45 = arith.constant 0 : index
    %get3A_46 = arith.constant 0 : index
    %get3A_47 = vector.load %arg8[%get3A_45, %get3A_46] : memref<128x128xbf16, #tpu.memory_space<vmem>>, vector<128x128xbf16>
    %dot_general3A_48 = arith.constant dense<0.000000e+00> : vector<2000x128xf32>
    %dot_general3A_49 = tpu.matmul %convert_element_type3A_11, %get3A_44, %dot_general3A_48 {dimension_numbers = #tpu.dot_dimension_numbers<[1], [0], [0], [1], [0, 0, 1, 1], [], []>, transpose_lhs_hint = false} : vector<2000x128xbf16>, vector<128x128xbf16>, vector<2000x128xf32> -> vector<2000x128xf32>
    %dot_general3A_50 = arith.constant dense<0.000000e+00> : vector<2000x128xf32>
    %dot_general3A_51 = tpu.matmul %convert_element_type3A_11, %get3A_47, %dot_general3A_50 {dimension_numbers = #tpu.dot_dimension_numbers<[1], [0], [0], [1], [0, 0, 1, 1], [], []>, transpose_lhs_hint = false} : vector<2000x128xbf16>, vector<128x128xbf16>, vector<2000x128xf32> -> vector<2000x128xf32>
    %add3A_52 = arith.addf %dot_general3A_49, %dot_general3A_51 : vector<2000x128xf32>
    %dot_general3A_53 = arith.constant dense<0.000000e+00> : vector<2000x128xf32>
    %dot_general3A_54 = tpu.matmul %convert_element_type3A_14, %get3A_44, %dot_general3A_53 {dimension_numbers = #tpu.dot_dimension_numbers<[1], [0], [0], [1], [0, 0, 1, 1], [], []>, transpose_lhs_hint = false} : vector<2000x128xbf16>, vector<128x128xbf16>, vector<2000x128xf32> -> vector<2000x128xf32>
    %add3A_55 = arith.addf %add3A_52, %dot_general3A_54 : vector<2000x128xf32>
    %add3A_56 = arith.addf %add3A_41, %add3A_55 : vector<2000x128xf32>
    %get3A_57 = arith.constant 0 : index
    %get3A_58 = vector.load %arg9[%get3A_57] : memref<128xf32, #tpu.memory_space<vmem>>, vector<128xf32>
    %broadcast_in_dim3A = vector.shape_cast %get3A_58 : vector<128xf32> to vector<1x128xf32>
    %add3A_59 = vector.broadcast %broadcast_in_dim3A : vector<1x128xf32> to vector<2000x128xf32>
    %add3A_60 = arith.addf %add3A_56, %add3A_59 : vector<2000x128xf32>
    %max3A = arith.constant 0.000000e+00 : f32
    %max3A_61 = vector.broadcast %max3A : f32 to vector<2000x128xf32>
    %max3A_62 = arith.maximumf %add3A_60, %max3A_61 : vector<2000x128xf32>
    %get3A_63 = arith.constant 0 : index
    %get3A_64 = vector.load %arg10[%get3A_63] : memref<128xf32, #tpu.memory_space<vmem>>, vector<128xf32>
    %mul3A_65 = arith.constant 0.999994993 : f32
    %mul3A_66 = vector.broadcast %mul3A_65 : f32 to vector<2000x128xf32>
    %mul3A_67 = arith.mulf %max3A_62, %mul3A_66 : vector<2000x128xf32>
    %broadcast_in_dim3A_68 = vector.shape_cast %get3A_64 : vector<128xf32> to vector<1x128xf32>
    %mul3A_69 = vector.broadcast %broadcast_in_dim3A_68 : vector<1x128xf32> to vector<2000x128xf32>
    %mul3A_70 = arith.mulf %mul3A_69, %mul3A_67 : vector<2000x128xf32>
    %get3A_71 = arith.constant 0 : index
    %get3A_72 = vector.load %arg11[%get3A_71] : memref<128xf32, #tpu.memory_space<vmem>>, vector<128xf32>
    %broadcast_in_dim3A_73 = vector.shape_cast %get3A_72 : vector<128xf32> to vector<1x128xf32>
    %add3A_74 = vector.broadcast %broadcast_in_dim3A_73 : vector<1x128xf32> to vector<2000x128xf32>
    %add3A_75 = arith.addf %mul3A_70, %add3A_74 : vector<2000x128xf32>
    %convert_element_type3A_76 = arith.truncf %add3A_75 : vector<2000x128xf32> to vector<2000x128xbf16>
    %convert_element_type3A_77 = arith.extf %convert_element_type3A_76 : vector<2000x128xbf16> to vector<2000x128xf32>
    %sub3A_78 = arith.subf %add3A_75, %convert_element_type3A_77 : vector<2000x128xf32>
    %convert_element_type3A_79 = arith.truncf %sub3A_78 : vector<2000x128xf32> to vector<2000x128xbf16>
    %get3A_80 = arith.constant 0 : index
    %get3A_81 = arith.constant 0 : index
    %get3A_82 = vector.load %arg12[%get3A_80, %get3A_81] : memref<128x3xbf16, #tpu.memory_space<vmem>>, vector<128x3xbf16>
    %get3A_83 = arith.constant 0 : index
    %get3A_84 = arith.constant 0 : index
    %get3A_85 = vector.load %arg13[%get3A_83, %get3A_84] : memref<128x3xbf16, #tpu.memory_space<vmem>>, vector<128x3xbf16>
    %dot_general3A_86 = arith.constant dense<0.000000e+00> : vector<2000x3xf32>
    %dot_general3A_87 = tpu.matmul %convert_element_type3A_76, %get3A_82, %dot_general3A_86 {dimension_numbers = #tpu.dot_dimension_numbers<[1], [0], [0], [1], [0, 0, 1, 1], [], []>, transpose_lhs_hint = false} : vector<2000x128xbf16>, vector<128x3xbf16>, vector<2000x3xf32> -> vector<2000x3xf32>
    %dot_general3A_88 = arith.constant dense<0.000000e+00> : vector<2000x3xf32>
    %dot_general3A_89 = tpu.matmul %convert_element_type3A_76, %get3A_85, %dot_general3A_88 {dimension_numbers = #tpu.dot_dimension_numbers<[1], [0], [0], [1], [0, 0, 1, 1], [], []>, transpose_lhs_hint = false} : vector<2000x128xbf16>, vector<128x3xbf16>, vector<2000x3xf32> -> vector<2000x3xf32>
    %add3A_90 = arith.addf %dot_general3A_87, %dot_general3A_89 : vector<2000x3xf32>
    %dot_general3A_91 = arith.constant dense<0.000000e+00> : vector<2000x3xf32>
    %dot_general3A_92 = tpu.matmul %convert_element_type3A_79, %get3A_82, %dot_general3A_91 {dimension_numbers = #tpu.dot_dimension_numbers<[1], [0], [0], [1], [0, 0, 1, 1], [], []>, transpose_lhs_hint = false} : vector<2000x128xbf16>, vector<128x3xbf16>, vector<2000x3xf32> -> vector<2000x3xf32>
    %add3A_93 = arith.addf %add3A_90, %dot_general3A_92 : vector<2000x3xf32>
    %dot_general3A_94 = arith.constant dense<0.000000e+00> : vector<2000x3xf32>
    %dot_general3A_95 = tpu.matmul %convert_element_type3A_79, %get3A_85, %dot_general3A_94 {dimension_numbers = #tpu.dot_dimension_numbers<[1], [0], [0], [1], [0, 0, 1, 1], [], []>, transpose_lhs_hint = false} : vector<2000x128xbf16>, vector<128x3xbf16>, vector<2000x3xf32> -> vector<2000x3xf32>
    %add3A_96 = arith.addf %add3A_93, %dot_general3A_95 : vector<2000x3xf32>
    %get3A_97 = arith.constant 0 : index
    %get3A_98 = vector.load %arg14[%get3A_97] : memref<3xf32, #tpu.memory_space<vmem>>, vector<3xf32>
    %broadcast_in_dim3A_99 = vector.shape_cast %get3A_98 : vector<3xf32> to vector<1x3xf32>
    %add3A_100 = vector.broadcast %broadcast_in_dim3A_99 : vector<1x3xf32> to vector<2000x3xf32>
    %add3A_101 = arith.addf %add3A_96, %add3A_100 : vector<2000x3xf32>
    %swap3A = arith.constant 0 : index
    %swap3A_102 = arith.constant 0 : index
    %swap3A_103 = vector.load %arg15[%swap3A, %swap3A_102] : memref<2000x3xf32, #tpu.memory_space<vmem>>, vector<2000x3xf32>
    tpu.vector_store %arg15[%swap3A, %swap3A_102], %add3A_101 {strides = array<i32>} : memref<2000x3xf32, #tpu.memory_space<vmem>>, vector<2000x3xf32>,
    return
  }
  func.func @transform_0(%arg0: i32) -> (i32, i32) {
    %add3A = arith.constant 0 : i32
    %add3A_0 = arith.addi %arg0, %add3A : i32
    %c0_i32 = arith.constant 0 : i32
    %c0_i32_1 = arith.constant 0 : i32
    return %add3A_0, %c0_i32 : i32, i32
  }
  func.func @transform_1(%arg0: i32) -> (i32, i32) {
    %add3A = arith.constant 200 : i32
    %add3A_0 = arith.addi %arg0, %add3A : i32
    %c0_i32 = arith.constant 0 : i32
    %c0_i32_1 = arith.constant 0 : i32
    return %add3A_0, %c0_i32 : i32, i32
  }
  func.func @transform_2(%arg0: i32) -> (i32, i32) {
    %c0_i32 = arith.constant 0 : i32
    %c0_i32_0 = arith.constant 0 : i32
    %c0_i32_1 = arith.constant 0 : i32
    return %c0_i32, %c0_i32_0 : i32, i32
  }
  func.func @transform_3(%arg0: i32) -> (i32, i32) {
    %c0_i32 = arith.constant 0 : i32
    %c0_i32_0 = arith.constant 0 : i32
    %c0_i32_1 = arith.constant 0 : i32
    return %c0_i32, %c0_i32_0 : i32, i32
  }
  func.func @transform_4(%arg0: i32) -> (i32, i32) {
    %c0_i32 = arith.constant 0 : i32
    %c0_i32_0 = arith.constant 0 : i32
    %c0_i32_1 = arith.constant 0 : i32
    return %c0_i32, %c0_i32_0 : i32, i32
  }
  func.func @transform_5(%arg0: i32) -> (i32, i32) {
    %c0_i32 = arith.constant 0 : i32
    %c0_i32_0 = arith.constant 0 : i32
    %c0_i32_1 = arith.constant 0 : i32
    return %c0_i32, %c0_i32_0 : i32, i32
  }
  func.func @transform_6(%arg0: i32) -> (i32, i32) {
    %c0_i32 = arith.constant 0 : i32
    %c0_i32_0 = arith.constant 0 : i32
    %c0_i32_1 = arith.constant 0 : i32
    return %c0_i32, %c0_i32_0 : i32, i32
  }
  func.func @transform_7(%arg0: i32) -> (i32, i32) {
    %c0_i32 = arith.constant 0 : i32
    %c0_i32_0 = arith.constant 0 : i32
    %c0_i32_1 = arith.constant 0 : i32
    return %c0_i32, %c0_i32_0 : i32, i32
  }
  func.func @transform_8(%arg0: i32) -> i32 {
    %c0_i32 = arith.constant 0 : i32
    %c0_i32_0 = arith.constant 0 : i32
    return %c0_i32 : i32
  }
  func.func @transform_9(%arg0: i32) -> i32 {
    %c0_i32 = arith.constant 0 : i32
    %c0_i32_0 = arith.constant 0 : i32
    return %c0_i32 : i32
  }
  func.func @transform_10(%arg0: i32) -> i32 {
    %c0_i32 = arith.constant 0 : i32
    %c0_i32_0 = arith.constant 0 : i32
    return %c0_i32 : i32
  }
  func.func @transform_11(%arg0: i32) -> (i32, i32) {
    %c0_i32 = arith.constant 0 : i32
    %c0_i32_0 = arith.constant 0 : i32
    %c0_i32_1 = arith.constant 0 : i32
    return %c0_i32, %c0_i32_0 : i32, i32
  }
  func.func @transform_12(%arg0: i32) -> (i32, i32) {
    %c0_i32 = arith.constant 0 : i32
    %c0_i32_0 = arith.constant 0 : i32
    %c0_i32_1 = arith.constant 0 : i32
    return %c0_i32, %c0_i32_0 : i32, i32
  }
  func.func @transform_13(%arg0: i32) -> i32 {
    %c0_i32 = arith.constant 0 : i32
    %c0_i32_0 = arith.constant 0 : i32
    return %c0_i32 : i32
  }
  func.func @transform_14(%arg0: i32) -> (i32, i32) {
    %c0_i32 = arith.constant 0 : i32
    %c0_i32_0 = arith.constant 0 : i32
    return %arg0, %c0_i32 : i32, i32
  }
}

module attributes {stable_mosaic.version = 14 : i64} {
  func.func @_a2b_head_kernel(%arg0: i32, %arg1: memref<2000x128xf32, #tpu.memory_space<vmem>>, %arg2: memref<2000x128xf32, #tpu.memory_space<vmem>>, %arg3: memref<128x128xbf16, #tpu.memory_space<vmem>>, %arg4: memref<128x128xbf16, #tpu.memory_space<vmem>>, %arg5: memref<128x128xbf16, #tpu.memory_space<vmem>>, %arg6: memref<128x128xbf16, #tpu.memory_space<vmem>>, %arg7: memref<128xf32, #tpu.memory_space<vmem>>, %arg8: memref<128xf32, #tpu.memory_space<vmem>>, %arg9: memref<128xf32, #tpu.memory_space<vmem>>, %arg10: memref<128x6xbf16, #tpu.memory_space<vmem>>, %arg11: memref<128x6xbf16, #tpu.memory_space<vmem>>, %arg12: memref<6xf32, #tpu.memory_space<vmem>>, %arg13: memref<2000x6xf32, #tpu.memory_space<vmem>>) attributes {dimension_semantics = [#tpu.dimension_semantics<arbitrary>], iteration_bounds = array<i64: 200>, scalar_prefetch = 0 : i64, scratch_operands = 0 : i64, tpu.core_type = #tpu.core_type<tc>, window_params = [{transform_indices = @transform_0, window_bounds = array<i64: 2000, 128>}, {transform_indices = @transform_1, window_bounds = array<i64: 2000, 128>}, {pipeline_mode = #tpu.pipeline_mode<synchronous>, transform_indices = @transform_2, window_bounds = array<i64: 128, 128>}, {pipeline_mode = #tpu.pipeline_mode<synchronous>, transform_indices = @transform_3, window_bounds = array<i64: 128, 128>}, {pipeline_mode = #tpu.pipeline_mode<synchronous>, transform_indices = @transform_4, window_bounds = array<i64: 128, 128>}, {pipeline_mode = #tpu.pipeline_mode<synchronous>, transform_indices = @transform_5, window_bounds = array<i64: 128, 128>}, {pipeline_mode = #tpu.pipeline_mode<synchronous>, transform_indices = @transform_6, window_bounds = array<i64: 128>}, {pipeline_mode = #tpu.pipeline_mode<synchronous>, transform_indices = @transform_7, window_bounds = array<i64: 128>}, {pipeline_mode = #tpu.pipeline_mode<synchronous>, transform_indices = @transform_8, window_bounds = array<i64: 128>}, {pipeline_mode = #tpu.pipeline_mode<synchronous>, transform_indices = @transform_9, window_bounds = array<i64: 128, 6>}, {pipeline_mode = #tpu.pipeline_mode<synchronous>, transform_indices = @transform_10, window_bounds = array<i64: 128, 6>}, {pipeline_mode = #tpu.pipeline_mode<synchronous>, transform_indices = @transform_11, window_bounds = array<i64: 6>}, {transform_indices = @transform_12, window_bounds = array<i64: 2000, 6>}]} {
    %get3A = arith.constant 0 : index
    %get3A_0 = arith.constant 0 : index
    %get3A_1 = vector.load %arg1[%get3A, %get3A_0] : memref<2000x128xf32, #tpu.memory_space<vmem>>, vector<2000x128xf32>
    %convert_element_type3A = arith.truncf %get3A_1 : vector<2000x128xf32> to vector<2000x128xbf16>
    %convert_element_type3A_2 = arith.extf %convert_element_type3A : vector<2000x128xbf16> to vector<2000x128xf32>
    %sub3A = arith.subf %get3A_1, %convert_element_type3A_2 : vector<2000x128xf32>
    %convert_element_type3A_3 = arith.truncf %sub3A : vector<2000x128xf32> to vector<2000x128xbf16>
    %get3A_4 = arith.constant 0 : index
    %get3A_5 = arith.constant 0 : index
    %get3A_6 = vector.load %arg2[%get3A_4, %get3A_5] : memref<2000x128xf32, #tpu.memory_space<vmem>>, vector<2000x128xf32>
    %convert_element_type3A_7 = arith.truncf %get3A_6 : vector<2000x128xf32> to vector<2000x128xbf16>
    %convert_element_type3A_8 = arith.extf %convert_element_type3A_7 : vector<2000x128xbf16> to vector<2000x128xf32>
    %sub3A_9 = arith.subf %get3A_6, %convert_element_type3A_8 : vector<2000x128xf32>
    %convert_element_type3A_10 = arith.truncf %sub3A_9 : vector<2000x128xf32> to vector<2000x128xbf16>
    %get3A_11 = arith.constant 0 : index
    %get3A_12 = arith.constant 0 : index
    %get3A_13 = vector.load %arg3[%get3A_11, %get3A_12] : memref<128x128xbf16, #tpu.memory_space<vmem>>, vector<128x128xbf16>
    %get3A_14 = arith.constant 0 : index
    %get3A_15 = arith.constant 0 : index
    %get3A_16 = vector.load %arg4[%get3A_14, %get3A_15] : memref<128x128xbf16, #tpu.memory_space<vmem>>, vector<128x128xbf16>
    %dot_general3A = arith.constant dense<0.000000e+00> : vector<2000x128xf32>
    %dot_general3A_17 = tpu.matmul %convert_element_type3A, %get3A_13, %dot_general3A {dimension_numbers = #tpu.dot_dimension_numbers<[1], [0], [0], [1], [0, 0, 1, 1], [], []>, transpose_lhs_hint = false} : vector<2000x128xbf16>, vector<128x128xbf16>, vector<2000x128xf32> -> vector<2000x128xf32>
    %dot_general3A_18 = arith.constant dense<0.000000e+00> : vector<2000x128xf32>
    %dot_general3A_19 = tpu.matmul %convert_element_type3A, %get3A_16, %dot_general3A_18 {dimension_numbers = #tpu.dot_dimension_numbers<[1], [0], [0], [1], [0, 0, 1, 1], [], []>, transpose_lhs_hint = false} : vector<2000x128xbf16>, vector<128x128xbf16>, vector<2000x128xf32> -> vector<2000x128xf32>
    %add3A = arith.addf %dot_general3A_17, %dot_general3A_19 : vector<2000x128xf32>
    %dot_general3A_20 = arith.constant dense<0.000000e+00> : vector<2000x128xf32>
    %dot_general3A_21 = tpu.matmul %convert_element_type3A_3, %get3A_13, %dot_general3A_20 {dimension_numbers = #tpu.dot_dimension_numbers<[1], [0], [0], [1], [0, 0, 1, 1], [], []>, transpose_lhs_hint = false} : vector<2000x128xbf16>, vector<128x128xbf16>, vector<2000x128xf32> -> vector<2000x128xf32>
    %add3A_22 = arith.addf %add3A, %dot_general3A_21 : vector<2000x128xf32>
    %get3A_23 = arith.constant 0 : index
    %get3A_24 = arith.constant 0 : index
    %get3A_25 = vector.load %arg5[%get3A_23, %get3A_24] : memref<128x128xbf16, #tpu.memory_space<vmem>>, vector<128x128xbf16>
    %get3A_26 = arith.constant 0 : index
    %get3A_27 = arith.constant 0 : index
    %get3A_28 = vector.load %arg6[%get3A_26, %get3A_27] : memref<128x128xbf16, #tpu.memory_space<vmem>>, vector<128x128xbf16>
    %dot_general3A_29 = arith.constant dense<0.000000e+00> : vector<2000x128xf32>
    %dot_general3A_30 = tpu.matmul %convert_element_type3A_7, %get3A_25, %dot_general3A_29 {dimension_numbers = #tpu.dot_dimension_numbers<[1], [0], [0], [1], [0, 0, 1, 1], [], []>, transpose_lhs_hint = false} : vector<2000x128xbf16>, vector<128x128xbf16>, vector<2000x128xf32> -> vector<2000x128xf32>
    %dot_general3A_31 = arith.constant dense<0.000000e+00> : vector<2000x128xf32>
    %dot_general3A_32 = tpu.matmul %convert_element_type3A_7, %get3A_28, %dot_general3A_31 {dimension_numbers = #tpu.dot_dimension_numbers<[1], [0], [0], [1], [0, 0, 1, 1], [], []>, transpose_lhs_hint = false} : vector<2000x128xbf16>, vector<128x128xbf16>, vector<2000x128xf32> -> vector<2000x128xf32>
    %add3A_33 = arith.addf %dot_general3A_30, %dot_general3A_32 : vector<2000x128xf32>
    %dot_general3A_34 = arith.constant dense<0.000000e+00> : vector<2000x128xf32>
    %dot_general3A_35 = tpu.matmul %convert_element_type3A_10, %get3A_25, %dot_general3A_34 {dimension_numbers = #tpu.dot_dimension_numbers<[1], [0], [0], [1], [0, 0, 1, 1], [], []>, transpose_lhs_hint = false} : vector<2000x128xbf16>, vector<128x128xbf16>, vector<2000x128xf32> -> vector<2000x128xf32>
    %add3A_36 = arith.addf %add3A_33, %dot_general3A_35 : vector<2000x128xf32>
    %add3A_37 = arith.addf %add3A_22, %add3A_36 : vector<2000x128xf32>
    %get3A_38 = arith.constant 0 : index
    %get3A_39 = vector.load %arg7[%get3A_38] : memref<128xf32, #tpu.memory_space<vmem>>, vector<128xf32>
    %broadcast_in_dim3A = vector.shape_cast %get3A_39 : vector<128xf32> to vector<1x128xf32>
    %add3A_40 = vector.broadcast %broadcast_in_dim3A : vector<1x128xf32> to vector<2000x128xf32>
    %add3A_41 = arith.addf %add3A_37, %add3A_40 : vector<2000x128xf32>
    %max3A = arith.constant 0.000000e+00 : f32
    %max3A_42 = vector.broadcast %max3A : f32 to vector<2000x128xf32>
    %max3A_43 = arith.maximumf %add3A_41, %max3A_42 : vector<2000x128xf32>
    %get3A_44 = arith.constant 0 : index
    %get3A_45 = vector.load %arg8[%get3A_44] : memref<128xf32, #tpu.memory_space<vmem>>, vector<128xf32>
    %mul3A = arith.constant 0.999994993 : f32
    %mul3A_46 = vector.broadcast %mul3A : f32 to vector<2000x128xf32>
    %mul3A_47 = arith.mulf %max3A_43, %mul3A_46 : vector<2000x128xf32>
    %broadcast_in_dim3A_48 = vector.shape_cast %get3A_45 : vector<128xf32> to vector<1x128xf32>
    %mul3A_49 = vector.broadcast %broadcast_in_dim3A_48 : vector<1x128xf32> to vector<2000x128xf32>
    %mul3A_50 = arith.mulf %mul3A_49, %mul3A_47 : vector<2000x128xf32>
    %get3A_51 = arith.constant 0 : index
    %get3A_52 = vector.load %arg9[%get3A_51] : memref<128xf32, #tpu.memory_space<vmem>>, vector<128xf32>
    %broadcast_in_dim3A_53 = vector.shape_cast %get3A_52 : vector<128xf32> to vector<1x128xf32>
    %add3A_54 = vector.broadcast %broadcast_in_dim3A_53 : vector<1x128xf32> to vector<2000x128xf32>
    %add3A_55 = arith.addf %mul3A_50, %add3A_54 : vector<2000x128xf32>
    %convert_element_type3A_56 = arith.truncf %add3A_55 : vector<2000x128xf32> to vector<2000x128xbf16>
    %convert_element_type3A_57 = arith.extf %convert_element_type3A_56 : vector<2000x128xbf16> to vector<2000x128xf32>
    %sub3A_58 = arith.subf %add3A_55, %convert_element_type3A_57 : vector<2000x128xf32>
    %convert_element_type3A_59 = arith.truncf %sub3A_58 : vector<2000x128xf32> to vector<2000x128xbf16>
    %get3A_60 = arith.constant 0 : index
    %get3A_61 = arith.constant 0 : index
    %get3A_62 = vector.load %arg10[%get3A_60, %get3A_61] : memref<128x6xbf16, #tpu.memory_space<vmem>>, vector<128x6xbf16>
    %get3A_63 = arith.constant 0 : index
    %get3A_64 = arith.constant 0 : index
    %get3A_65 = vector.load %arg11[%get3A_63, %get3A_64] : memref<128x6xbf16, #tpu.memory_space<vmem>>, vector<128x6xbf16>
    %dot_general3A_66 = arith.constant dense<0.000000e+00> : vector<2000x6xf32>
    %dot_general3A_67 = tpu.matmul %convert_element_type3A_56, %get3A_62, %dot_general3A_66 {dimension_numbers = #tpu.dot_dimension_numbers<[1], [0], [0], [1], [0, 0, 1, 1], [], []>, transpose_lhs_hint = false} : vector<2000x128xbf16>, vector<128x6xbf16>, vector<2000x6xf32> -> vector<2000x6xf32>
    %dot_general3A_68 = arith.constant dense<0.000000e+00> : vector<2000x6xf32>
    %dot_general3A_69 = tpu.matmul %convert_element_type3A_56, %get3A_65, %dot_general3A_68 {dimension_numbers = #tpu.dot_dimension_numbers<[1], [0], [0], [1], [0, 0, 1, 1], [], []>, transpose_lhs_hint = false} : vector<2000x128xbf16>, vector<128x6xbf16>, vector<2000x6xf32> -> vector<2000x6xf32>
    %add3A_70 = arith.addf %dot_general3A_67, %dot_general3A_69 : vector<2000x6xf32>
    %dot_general3A_71 = arith.constant dense<0.000000e+00> : vector<2000x6xf32>
    %dot_general3A_72 = tpu.matmul %convert_element_type3A_59, %get3A_62, %dot_general3A_71 {dimension_numbers = #tpu.dot_dimension_numbers<[1], [0], [0], [1], [0, 0, 1, 1], [], []>, transpose_lhs_hint = false} : vector<2000x128xbf16>, vector<128x6xbf16>, vector<2000x6xf32> -> vector<2000x6xf32>
    %add3A_73 = arith.addf %add3A_70, %dot_general3A_72 : vector<2000x6xf32>
    %dot_general3A_74 = arith.constant dense<0.000000e+00> : vector<2000x6xf32>
    %dot_general3A_75 = tpu.matmul %convert_element_type3A_59, %get3A_65, %dot_general3A_74 {dimension_numbers = #tpu.dot_dimension_numbers<[1], [0], [0], [1], [0, 0, 1, 1], [], []>, transpose_lhs_hint = false} : vector<2000x128xbf16>, vector<128x6xbf16>, vector<2000x6xf32> -> vector<2000x6xf32>
    %add3A_76 = arith.addf %add3A_73, %dot_general3A_75 : vector<2000x6xf32>
    %get3A_77 = arith.constant 0 : index
    %get3A_78 = vector.load %arg12[%get3A_77] : memref<6xf32, #tpu.memory_space<vmem>>, vector<6xf32>
    %broadcast_in_dim3A_79 = vector.shape_cast %get3A_78 : vector<6xf32> to vector<1x6xf32>
    %add3A_80 = vector.broadcast %broadcast_in_dim3A_79 : vector<1x6xf32> to vector<2000x6xf32>
    %add3A_81 = arith.addf %add3A_76, %add3A_80 : vector<2000x6xf32>
    %swap3A = arith.constant 0 : index
    %swap3A_82 = arith.constant 0 : index
    %swap3A_83 = vector.load %arg13[%swap3A, %swap3A_82] : memref<2000x6xf32, #tpu.memory_space<vmem>>, vector<2000x6xf32>
    tpu.vector_store %arg13[%swap3A, %swap3A_82], %add3A_81 {strides = array<i32>} : memref<2000x6xf32, #tpu.memory_space<vmem>>, vector<2000x6xf32>,
    return
  }
  func.func @transform_0(%arg0: i32) -> (i32, i32) {
    %c0_i32 = arith.constant 0 : i32
    %c0_i32_0 = arith.constant 0 : i32
    return %arg0, %c0_i32 : i32, i32
  }
  func.func @transform_1(%arg0: i32) -> (i32, i32) {
    %add3A = arith.constant 200 : i32
    %add3A_0 = arith.addi %arg0, %add3A : i32
    %c0_i32 = arith.constant 0 : i32
    %c0_i32_1 = arith.constant 0 : i32
    return %add3A_0, %c0_i32 : i32, i32
  }
  func.func @transform_2(%arg0: i32) -> (i32, i32) {
    %c0_i32 = arith.constant 0 : i32
    %c0_i32_0 = arith.constant 0 : i32
    %c0_i32_1 = arith.constant 0 : i32
    return %c0_i32, %c0_i32_0 : i32, i32
  }
  func.func @transform_3(%arg0: i32) -> (i32, i32) {
    %c0_i32 = arith.constant 0 : i32
    %c0_i32_0 = arith.constant 0 : i32
    %c0_i32_1 = arith.constant 0 : i32
    return %c0_i32, %c0_i32_0 : i32, i32
  }
  func.func @transform_4(%arg0: i32) -> (i32, i32) {
    %c0_i32 = arith.constant 0 : i32
    %c0_i32_0 = arith.constant 0 : i32
    %c0_i32_1 = arith.constant 0 : i32
    return %c0_i32, %c0_i32_0 : i32, i32
  }
  func.func @transform_5(%arg0: i32) -> (i32, i32) {
    %c0_i32 = arith.constant 0 : i32
    %c0_i32_0 = arith.constant 0 : i32
    %c0_i32_1 = arith.constant 0 : i32
    return %c0_i32, %c0_i32_0 : i32, i32
  }
  func.func @transform_6(%arg0: i32) -> i32 {
    %c0_i32 = arith.constant 0 : i32
    %c0_i32_0 = arith.constant 0 : i32
    return %c0_i32 : i32
  }
  func.func @transform_7(%arg0: i32) -> i32 {
    %c0_i32 = arith.constant 0 : i32
    %c0_i32_0 = arith.constant 0 : i32
    return %c0_i32 : i32
  }
  func.func @transform_8(%arg0: i32) -> i32 {
    %c0_i32 = arith.constant 0 : i32
    %c0_i32_0 = arith.constant 0 : i32
    return %c0_i32 : i32
  }
  func.func @transform_9(%arg0: i32) -> (i32, i32) {
    %c0_i32 = arith.constant 0 : i32
    %c0_i32_0 = arith.constant 0 : i32
    %c0_i32_1 = arith.constant 0 : i32
    return %c0_i32, %c0_i32_0 : i32, i32
  }
  func.func @transform_10(%arg0: i32) -> (i32, i32) {
    %c0_i32 = arith.constant 0 : i32
    %c0_i32_0 = arith.constant 0 : i32
    %c0_i32_1 = arith.constant 0 : i32
    return %c0_i32, %c0_i32_0 : i32, i32
  }
  func.func @transform_11(%arg0: i32) -> i32 {
    %c0_i32 = arith.constant 0 : i32
    %c0_i32_0 = arith.constant 0 : i32
    return %c0_i32 : i32
  }
  func.func @transform_12(%arg0: i32) -> (i32, i32) {
    %c0_i32 = arith.constant 0 : i32
    %c0_i32_0 = arith.constant 0 : i32
    return %arg0, %c0_i32 : i32, i32
  }
}

module attributes {stable_mosaic.version = 14 : i64} {
  func.func @_pair_head_kernel(%arg0: i32, %arg1: memref<2000x128xf32, #tpu.memory_space<vmem>>, %arg2: memref<2000x128xf32, #tpu.memory_space<vmem>>, %arg3: memref<128x128xbf16, #tpu.memory_space<vmem>>, %arg4: memref<128x128xbf16, #tpu.memory_space<vmem>>, %arg5: memref<128x128xbf16, #tpu.memory_space<vmem>>, %arg6: memref<128x128xbf16, #tpu.memory_space<vmem>>, %arg7: memref<128x128xbf16, #tpu.memory_space<vmem>>, %arg8: memref<128x128xbf16, #tpu.memory_space<vmem>>, %arg9: memref<128xf32, #tpu.memory_space<vmem>>, %arg10: memref<128xf32, #tpu.memory_space<vmem>>, %arg11: memref<128xf32, #tpu.memory_space<vmem>>, %arg12: memref<128x1xbf16, #tpu.memory_space<vmem>>, %arg13: memref<128x1xbf16, #tpu.memory_space<vmem>>, %arg14: memref<1xf32, #tpu.memory_space<vmem>>, %arg15: memref<2000x1xf32, #tpu.memory_space<vmem>>) attributes {dimension_semantics = [#tpu.dimension_semantics<arbitrary>], iteration_bounds = array<i64: 400>, scalar_prefetch = 0 : i64, scratch_operands = 0 : i64, tpu.core_type = #tpu.core_type<tc>, window_params = [{transform_indices = @transform_0, window_bounds = array<i64: 2000, 128>}, {transform_indices = @transform_1, window_bounds = array<i64: 2000, 128>}, {pipeline_mode = #tpu.pipeline_mode<synchronous>, transform_indices = @transform_2, window_bounds = array<i64: 128, 128>}, {pipeline_mode = #tpu.pipeline_mode<synchronous>, transform_indices = @transform_3, window_bounds = array<i64: 128, 128>}, {pipeline_mode = #tpu.pipeline_mode<synchronous>, transform_indices = @transform_4, window_bounds = array<i64: 128, 128>}, {pipeline_mode = #tpu.pipeline_mode<synchronous>, transform_indices = @transform_5, window_bounds = array<i64: 128, 128>}, {pipeline_mode = #tpu.pipeline_mode<synchronous>, transform_indices = @transform_6, window_bounds = array<i64: 128, 128>}, {pipeline_mode = #tpu.pipeline_mode<synchronous>, transform_indices = @transform_7, window_bounds = array<i64: 128, 128>}, {pipeline_mode = #tpu.pipeline_mode<synchronous>, transform_indices = @transform_8, window_bounds = array<i64: 128>}, {pipeline_mode = #tpu.pipeline_mode<synchronous>, transform_indices = @transform_9, window_bounds = array<i64: 128>}, {pipeline_mode = #tpu.pipeline_mode<synchronous>, transform_indices = @transform_10, window_bounds = array<i64: 128>}, {pipeline_mode = #tpu.pipeline_mode<synchronous>, transform_indices = @transform_11, window_bounds = array<i64: 128, 1>}, {pipeline_mode = #tpu.pipeline_mode<synchronous>, transform_indices = @transform_12, window_bounds = array<i64: 128, 1>}, {pipeline_mode = #tpu.pipeline_mode<synchronous>, transform_indices = @transform_13, window_bounds = array<i64: 1>}, {transform_indices = @transform_14, window_bounds = array<i64: 2000, 1>}]} {
    %get3A = arith.constant 0 : index
    %get3A_0 = arith.constant 0 : index
    %get3A_1 = vector.load %arg1[%get3A, %get3A_0] : memref<2000x128xf32, #tpu.memory_space<vmem>>, vector<2000x128xf32>
    %get3A_2 = arith.constant 0 : index
    %get3A_3 = arith.constant 0 : index
    %get3A_4 = vector.load %arg2[%get3A_2, %get3A_3] : memref<2000x128xf32, #tpu.memory_space<vmem>>, vector<2000x128xf32>
    %mul3A = arith.mulf %get3A_1, %get3A_4 : vector<2000x128xf32>
    %convert_element_type3A = arith.truncf %get3A_1 : vector<2000x128xf32> to vector<2000x128xbf16>
    %convert_element_type3A_5 = arith.extf %convert_element_type3A : vector<2000x128xbf16> to vector<2000x128xf32>
    %sub3A = arith.subf %get3A_1, %convert_element_type3A_5 : vector<2000x128xf32>
    %convert_element_type3A_6 = arith.truncf %sub3A : vector<2000x128xf32> to vector<2000x128xbf16>
    %convert_element_type3A_7 = arith.truncf %get3A_4 : vector<2000x128xf32> to vector<2000x128xbf16>
    %convert_element_type3A_8 = arith.extf %convert_element_type3A_7 : vector<2000x128xbf16> to vector<2000x128xf32>
    %sub3A_9 = arith.subf %get3A_4, %convert_element_type3A_8 : vector<2000x128xf32>
    %convert_element_type3A_10 = arith.truncf %sub3A_9 : vector<2000x128xf32> to vector<2000x128xbf16>
    %convert_element_type3A_11 = arith.truncf %mul3A : vector<2000x128xf32> to vector<2000x128xbf16>
    %convert_element_type3A_12 = arith.extf %convert_element_type3A_11 : vector<2000x128xbf16> to vector<2000x128xf32>
    %sub3A_13 = arith.subf %mul3A, %convert_element_type3A_12 : vector<2000x128xf32>
    %convert_element_type3A_14 = arith.truncf %sub3A_13 : vector<2000x128xf32> to vector<2000x128xbf16>
    %get3A_15 = arith.constant 0 : index
    %get3A_16 = arith.constant 0 : index
    %get3A_17 = vector.load %arg3[%get3A_15, %get3A_16] : memref<128x128xbf16, #tpu.memory_space<vmem>>, vector<128x128xbf16>
    %get3A_18 = arith.constant 0 : index
    %get3A_19 = arith.constant 0 : index
    %get3A_20 = vector.load %arg4[%get3A_18, %get3A_19] : memref<128x128xbf16, #tpu.memory_space<vmem>>, vector<128x128xbf16>
    %dot_general3A = arith.constant dense<0.000000e+00> : vector<2000x128xf32>
    %dot_general3A_21 = tpu.matmul %convert_element_type3A, %get3A_17, %dot_general3A {dimension_numbers = #tpu.dot_dimension_numbers<[1], [0], [0], [1], [0, 0, 1, 1], [], []>, transpose_lhs_hint = false} : vector<2000x128xbf16>, vector<128x128xbf16>, vector<2000x128xf32> -> vector<2000x128xf32>
    %dot_general3A_22 = arith.constant dense<0.000000e+00> : vector<2000x128xf32>
    %dot_general3A_23 = tpu.matmul %convert_element_type3A, %get3A_20, %dot_general3A_22 {dimension_numbers = #tpu.dot_dimension_numbers<[1], [0], [0], [1], [0, 0, 1, 1], [], []>, transpose_lhs_hint = false} : vector<2000x128xbf16>, vector<128x128xbf16>, vector<2000x128xf32> -> vector<2000x128xf32>
    %add3A = arith.addf %dot_general3A_21, %dot_general3A_23 : vector<2000x128xf32>
    %dot_general3A_24 = arith.constant dense<0.000000e+00> : vector<2000x128xf32>
    %dot_general3A_25 = tpu.matmul %convert_element_type3A_6, %get3A_17, %dot_general3A_24 {dimension_numbers = #tpu.dot_dimension_numbers<[1], [0], [0], [1], [0, 0, 1, 1], [], []>, transpose_lhs_hint = false} : vector<2000x128xbf16>, vector<128x128xbf16>, vector<2000x128xf32> -> vector<2000x128xf32>
    %add3A_26 = arith.addf %add3A, %dot_general3A_25 : vector<2000x128xf32>
    %get3A_27 = arith.constant 0 : index
    %get3A_28 = arith.constant 0 : index
    %get3A_29 = vector.load %arg5[%get3A_27, %get3A_28] : memref<128x128xbf16, #tpu.memory_space<vmem>>, vector<128x128xbf16>
    %get3A_30 = arith.constant 0 : index
    %get3A_31 = arith.constant 0 : index
    %get3A_32 = vector.load %arg6[%get3A_30, %get3A_31] : memref<128x128xbf16, #tpu.memory_space<vmem>>, vector<128x128xbf16>
    %dot_general3A_33 = arith.constant dense<0.000000e+00> : vector<2000x128xf32>
    %dot_general3A_34 = tpu.matmul %convert_element_type3A_7, %get3A_29, %dot_general3A_33 {dimension_numbers = #tpu.dot_dimension_numbers<[1], [0], [0], [1], [0, 0, 1, 1], [], []>, transpose_lhs_hint = false} : vector<2000x128xbf16>, vector<128x128xbf16>, vector<2000x128xf32> -> vector<2000x128xf32>
    %dot_general3A_35 = arith.constant dense<0.000000e+00> : vector<2000x128xf32>
    %dot_general3A_36 = tpu.matmul %convert_element_type3A_7, %get3A_32, %dot_general3A_35 {dimension_numbers = #tpu.dot_dimension_numbers<[1], [0], [0], [1], [0, 0, 1, 1], [], []>, transpose_lhs_hint = false} : vector<2000x128xbf16>, vector<128x128xbf16>, vector<2000x128xf32> -> vector<2000x128xf32>
    %add3A_37 = arith.addf %dot_general3A_34, %dot_general3A_36 : vector<2000x128xf32>
    %dot_general3A_38 = arith.constant dense<0.000000e+00> : vector<2000x128xf32>
    %dot_general3A_39 = tpu.matmul %convert_element_type3A_10, %get3A_29, %dot_general3A_38 {dimension_numbers = #tpu.dot_dimension_numbers<[1], [0], [0], [1], [0, 0, 1, 1], [], []>, transpose_lhs_hint = false} : vector<2000x128xbf16>, vector<128x128xbf16>, vector<2000x128xf32> -> vector<2000x128xf32>
    %add3A_40 = arith.addf %add3A_37, %dot_general3A_39 : vector<2000x128xf32>
    %add3A_41 = arith.addf %add3A_26, %add3A_40 : vector<2000x128xf32>
    %get3A_42 = arith.constant 0 : index
    %get3A_43 = arith.constant 0 : index
    %get3A_44 = vector.load %arg7[%get3A_42, %get3A_43] : memref<128x128xbf16, #tpu.memory_space<vmem>>, vector<128x128xbf16>
    %get3A_45 = arith.constant 0 : index
    %get3A_46 = arith.constant 0 : index
    %get3A_47 = vector.load %arg8[%get3A_45, %get3A_46] : memref<128x128xbf16, #tpu.memory_space<vmem>>, vector<128x128xbf16>
    %dot_general3A_48 = arith.constant dense<0.000000e+00> : vector<2000x128xf32>
    %dot_general3A_49 = tpu.matmul %convert_element_type3A_11, %get3A_44, %dot_general3A_48 {dimension_numbers = #tpu.dot_dimension_numbers<[1], [0], [0], [1], [0, 0, 1, 1], [], []>, transpose_lhs_hint = false} : vector<2000x128xbf16>, vector<128x128xbf16>, vector<2000x128xf32> -> vector<2000x128xf32>
    %dot_general3A_50 = arith.constant dense<0.000000e+00> : vector<2000x128xf32>
    %dot_general3A_51 = tpu.matmul %convert_element_type3A_11, %get3A_47, %dot_general3A_50 {dimension_numbers = #tpu.dot_dimension_numbers<[1], [0], [0], [1], [0, 0, 1, 1], [], []>, transpose_lhs_hint = false} : vector<2000x128xbf16>, vector<128x128xbf16>, vector<2000x128xf32> -> vector<2000x128xf32>
    %add3A_52 = arith.addf %dot_general3A_49, %dot_general3A_51 : vector<2000x128xf32>
    %dot_general3A_53 = arith.constant dense<0.000000e+00> : vector<2000x128xf32>
    %dot_general3A_54 = tpu.matmul %convert_element_type3A_14, %get3A_44, %dot_general3A_53 {dimension_numbers = #tpu.dot_dimension_numbers<[1], [0], [0], [1], [0, 0, 1, 1], [], []>, transpose_lhs_hint = false} : vector<2000x128xbf16>, vector<128x128xbf16>, vector<2000x128xf32> -> vector<2000x128xf32>
    %add3A_55 = arith.addf %add3A_52, %dot_general3A_54 : vector<2000x128xf32>
    %add3A_56 = arith.addf %add3A_41, %add3A_55 : vector<2000x128xf32>
    %get3A_57 = arith.constant 0 : index
    %get3A_58 = vector.load %arg9[%get3A_57] : memref<128xf32, #tpu.memory_space<vmem>>, vector<128xf32>
    %broadcast_in_dim3A = vector.shape_cast %get3A_58 : vector<128xf32> to vector<1x128xf32>
    %add3A_59 = vector.broadcast %broadcast_in_dim3A : vector<1x128xf32> to vector<2000x128xf32>
    %add3A_60 = arith.addf %add3A_56, %add3A_59 : vector<2000x128xf32>
    %max3A = arith.constant 0.000000e+00 : f32
    %max3A_61 = vector.broadcast %max3A : f32 to vector<2000x128xf32>
    %max3A_62 = arith.maximumf %add3A_60, %max3A_61 : vector<2000x128xf32>
    %get3A_63 = arith.constant 0 : index
    %get3A_64 = vector.load %arg10[%get3A_63] : memref<128xf32, #tpu.memory_space<vmem>>, vector<128xf32>
    %mul3A_65 = arith.constant 0.999994993 : f32
    %mul3A_66 = vector.broadcast %mul3A_65 : f32 to vector<2000x128xf32>
    %mul3A_67 = arith.mulf %max3A_62, %mul3A_66 : vector<2000x128xf32>
    %broadcast_in_dim3A_68 = vector.shape_cast %get3A_64 : vector<128xf32> to vector<1x128xf32>
    %mul3A_69 = vector.broadcast %broadcast_in_dim3A_68 : vector<1x128xf32> to vector<2000x128xf32>
    %mul3A_70 = arith.mulf %mul3A_69, %mul3A_67 : vector<2000x128xf32>
    %get3A_71 = arith.constant 0 : index
    %get3A_72 = vector.load %arg11[%get3A_71] : memref<128xf32, #tpu.memory_space<vmem>>, vector<128xf32>
    %broadcast_in_dim3A_73 = vector.shape_cast %get3A_72 : vector<128xf32> to vector<1x128xf32>
    %add3A_74 = vector.broadcast %broadcast_in_dim3A_73 : vector<1x128xf32> to vector<2000x128xf32>
    %add3A_75 = arith.addf %mul3A_70, %add3A_74 : vector<2000x128xf32>
    %convert_element_type3A_76 = arith.truncf %add3A_75 : vector<2000x128xf32> to vector<2000x128xbf16>
    %convert_element_type3A_77 = arith.extf %convert_element_type3A_76 : vector<2000x128xbf16> to vector<2000x128xf32>
    %sub3A_78 = arith.subf %add3A_75, %convert_element_type3A_77 : vector<2000x128xf32>
    %convert_element_type3A_79 = arith.truncf %sub3A_78 : vector<2000x128xf32> to vector<2000x128xbf16>
    %get3A_80 = arith.constant 0 : index
    %get3A_81 = arith.constant 0 : index
    %get3A_82 = vector.load %arg12[%get3A_80, %get3A_81] : memref<128x1xbf16, #tpu.memory_space<vmem>>, vector<128x1xbf16>
    %get3A_83 = arith.constant 0 : index
    %get3A_84 = arith.constant 0 : index
    %get3A_85 = vector.load %arg13[%get3A_83, %get3A_84] : memref<128x1xbf16, #tpu.memory_space<vmem>>, vector<128x1xbf16>
    %dot_general3A_86 = arith.constant dense<0.000000e+00> : vector<2000x1xf32>
    %dot_general3A_87 = tpu.matmul %convert_element_type3A_76, %get3A_82, %dot_general3A_86 {dimension_numbers = #tpu.dot_dimension_numbers<[1], [0], [0], [1], [0, 0, 1, 1], [], []>, transpose_lhs_hint = false} : vector<2000x128xbf16>, vector<128x1xbf16>, vector<2000x1xf32> -> vector<2000x1xf32>
    %dot_general3A_88 = arith.constant dense<0.000000e+00> : vector<2000x1xf32>
    %dot_general3A_89 = tpu.matmul %convert_element_type3A_76, %get3A_85, %dot_general3A_88 {dimension_numbers = #tpu.dot_dimension_numbers<[1], [0], [0], [1], [0, 0, 1, 1], [], []>, transpose_lhs_hint = false} : vector<2000x128xbf16>, vector<128x1xbf16>, vector<2000x1xf32> -> vector<2000x1xf32>
    %add3A_90 = arith.addf %dot_general3A_87, %dot_general3A_89 : vector<2000x1xf32>
    %dot_general3A_91 = arith.constant dense<0.000000e+00> : vector<2000x1xf32>
    %dot_general3A_92 = tpu.matmul %convert_element_type3A_79, %get3A_82, %dot_general3A_91 {dimension_numbers = #tpu.dot_dimension_numbers<[1], [0], [0], [1], [0, 0, 1, 1], [], []>, transpose_lhs_hint = false} : vector<2000x128xbf16>, vector<128x1xbf16>, vector<2000x1xf32> -> vector<2000x1xf32>
    %add3A_93 = arith.addf %add3A_90, %dot_general3A_92 : vector<2000x1xf32>
    %dot_general3A_94 = arith.constant dense<0.000000e+00> : vector<2000x1xf32>
    %dot_general3A_95 = tpu.matmul %convert_element_type3A_79, %get3A_85, %dot_general3A_94 {dimension_numbers = #tpu.dot_dimension_numbers<[1], [0], [0], [1], [0, 0, 1, 1], [], []>, transpose_lhs_hint = false} : vector<2000x128xbf16>, vector<128x1xbf16>, vector<2000x1xf32> -> vector<2000x1xf32>
    %add3A_96 = arith.addf %add3A_93, %dot_general3A_95 : vector<2000x1xf32>
    %get3A_97 = arith.constant 0 : index
    %get3A_98 = vector.load %arg14[%get3A_97] : memref<1xf32, #tpu.memory_space<vmem>>, vector<1xf32>
    %broadcast_in_dim3A_99 = vector.shape_cast %get3A_98 : vector<1xf32> to vector<1x1xf32>
    %add3A_100 = vector.broadcast %broadcast_in_dim3A_99 : vector<1x1xf32> to vector<2000x1xf32>
    %add3A_101 = arith.addf %add3A_96, %add3A_100 : vector<2000x1xf32>
    %swap3A = arith.constant 0 : index
    %swap3A_102 = arith.constant 0 : index
    %swap3A_103 = vector.load %arg15[%swap3A, %swap3A_102] : memref<2000x1xf32, #tpu.memory_space<vmem>>, vector<2000x1xf32>
    tpu.vector_store %arg15[%swap3A, %swap3A_102], %add3A_101 {strides = array<i32>} : memref<2000x1xf32, #tpu.memory_space<vmem>>, vector<2000x1xf32>,
    return
  }
  func.func @transform_0(%arg0: i32) -> (i32, i32) {
    %add3A = arith.constant 0 : i32
    %add3A_0 = arith.addi %arg0, %add3A : i32
    %c0_i32 = arith.constant 0 : i32
    %c0_i32_1 = arith.constant 0 : i32
    return %add3A_0, %c0_i32 : i32, i32
  }
  func.func @transform_1(%arg0: i32) -> (i32, i32) {
    %add3A = arith.constant 400 : i32
    %add3A_0 = arith.addi %arg0, %add3A : i32
    %c0_i32 = arith.constant 0 : i32
    %c0_i32_1 = arith.constant 0 : i32
    return %add3A_0, %c0_i32 : i32, i32
  }
  func.func @transform_2(%arg0: i32) -> (i32, i32) {
    %c0_i32 = arith.constant 0 : i32
    %c0_i32_0 = arith.constant 0 : i32
    %c0_i32_1 = arith.constant 0 : i32
    return %c0_i32, %c0_i32_0 : i32, i32
  }
  func.func @transform_3(%arg0: i32) -> (i32, i32) {
    %c0_i32 = arith.constant 0 : i32
    %c0_i32_0 = arith.constant 0 : i32
    %c0_i32_1 = arith.constant 0 : i32
    return %c0_i32, %c0_i32_0 : i32, i32
  }
  func.func @transform_4(%arg0: i32) -> (i32, i32) {
    %c0_i32 = arith.constant 0 : i32
    %c0_i32_0 = arith.constant 0 : i32
    %c0_i32_1 = arith.constant 0 : i32
    return %c0_i32, %c0_i32_0 : i32, i32
  }
  func.func @transform_5(%arg0: i32) -> (i32, i32) {
    %c0_i32 = arith.constant 0 : i32
    %c0_i32_0 = arith.constant 0 : i32
    %c0_i32_1 = arith.constant 0 : i32
    return %c0_i32, %c0_i32_0 : i32, i32
  }
  func.func @transform_6(%arg0: i32) -> (i32, i32) {
    %c0_i32 = arith.constant 0 : i32
    %c0_i32_0 = arith.constant 0 : i32
    %c0_i32_1 = arith.constant 0 : i32
    return %c0_i32, %c0_i32_0 : i32, i32
  }
  func.func @transform_7(%arg0: i32) -> (i32, i32) {
    %c0_i32 = arith.constant 0 : i32
    %c0_i32_0 = arith.constant 0 : i32
    %c0_i32_1 = arith.constant 0 : i32
    return %c0_i32, %c0_i32_0 : i32, i32
  }
  func.func @transform_8(%arg0: i32) -> i32 {
    %c0_i32 = arith.constant 0 : i32
    %c0_i32_0 = arith.constant 0 : i32
    return %c0_i32 : i32
  }
  func.func @transform_9(%arg0: i32) -> i32 {
    %c0_i32 = arith.constant 0 : i32
    %c0_i32_0 = arith.constant 0 : i32
    return %c0_i32 : i32
  }
  func.func @transform_10(%arg0: i32) -> i32 {
    %c0_i32 = arith.constant 0 : i32
    %c0_i32_0 = arith.constant 0 : i32
    return %c0_i32 : i32
  }
  func.func @transform_11(%arg0: i32) -> (i32, i32) {
    %c0_i32 = arith.constant 0 : i32
    %c0_i32_0 = arith.constant 0 : i32
    %c0_i32_1 = arith.constant 0 : i32
    return %c0_i32, %c0_i32_0 : i32, i32
  }
  func.func @transform_12(%arg0: i32) -> (i32, i32) {
    %c0_i32 = arith.constant 0 : i32
    %c0_i32_0 = arith.constant 0 : i32
    %c0_i32_1 = arith.constant 0 : i32
    return %c0_i32, %c0_i32_0 : i32, i32
  }
  func.func @transform_13(%arg0: i32) -> i32 {
    %c0_i32 = arith.constant 0 : i32
    %c0_i32_0 = arith.constant 0 : i32
    return %c0_i32 : i32
  }
  func.func @transform_14(%arg0: i32) -> (i32, i32) {
    %c0_i32 = arith.constant 0 : i32
    %c0_i32_0 = arith.constant 0 : i32
    return %arg0, %c0_i32 : i32, i32
  }
}

</mosaic_0001>

<sc_bundles>
// kernel: kernel.12.cloned.1.call-start
scs
__scs_entry_jumppad:
0x0: {  	(pc) =	sbr.rel $0x88, $3  }
0x1: {  	(tag) =	ssettag $0x0;
	lr =	simm.s32 $0x1  }
0x2: {  	[smem:$0x3F7D] =	sst lr;
	_ =	strace $0xD0000000  }
0x3: {  	_ = 	snop  }
0x4: {  	_ = 	snop  }
0x5: {  	_ = 	snop  }
0x6: {  	_ = 	snop  }
0x7: {  	_ = 	snop  }
__scs_overlays_trampoline_lowered:
0x8: {  	[smem:$0x3F8C] =	sst s0  }
0x9: {  	[smem:$0x3F8D] =	sst s1  }
0xa: {  	[smem:$0x3F8E] =	sst s2  }
0xb: {  	[smem:$0x3F8F] =	sst s3  }
0xc: {  	[smem:$0x3F90] =	sst s4  }
0xd: {  	[smem:$0x3F91] =	sst s5  }
0xe: {  	[smem:$0x3F92] =	sst s6  }
0xf: {  	[smem:$0x3F93] =	sst s7  }
0x10: {  	[smem:$0x3F94] =	sst s8  }
0x11: {  	[smem:$0x3F95] =	sst s9;
	s0 =	simm.s32 @!p0 $0x0  }
0x12: {  	s1 =	sld [smem:$0x3F7B];
	s0 =	simm.s32 @p0 $0x1  }
0x13: {  	[smem:$0x3F96] =	sst s0;
	s0 =	simm.s32 @!p1 $0x0  }
0x14: {  	s2 =	sld [smem:$0x3F7A];
	s0 =	simm.s32 @p1 $0x1  }
0x15: {  	[smem:$0x3F97] =	sst s0;
	s0 =	simm.s32 @!p2 $0x0  }
0x16: {  	s3 =	sld [smem:$0x3FDB];
	s0 =	simm.s32 @p2 $0x1  }
0x17: {  	s4 =	simm.s32 $0x1BF5;
	[smem:$0x3F99] =	sst s0  }
0x18: {  	s0 =	sld [smem:$0x3F7C];
	_ =	swait.ge [sflag:s4], $0x0  }
0x19: {  	s7 =	sld [smem:$0x3F7D]  }
0x1a: {  	s8 =	sadd.s32 $0xFFFFE003, lr  }
0x1b: {  	s9 =	sadd.s32 $0xFFFFFEF7, lr;
	s5 =	simm.s32 $0xFFFFFFFF;
	p2 =	slt.u32 s8, $0xFFFFF086  }
0x1c: {  	p1 =	slt.u32 s9, $0xF7A;
	s5 =	simm.s32 @!p2 $0x0  }
0x1d: {  	s5 =	simm.s32 @p1 $0x1;
	p0 =	seq.s32 s7, s2  }
0x1e: {  	s7 =	smul.u32 @!p0 $0xF7A, s2;
	p2 =	seq.s32 @!p0 s5, $0x0  }
0x1f: {  	s9 =	smul.u32 $0xF7A, s1;
	s8 =	simm.s32 @!p0 $0x1BF5;
	p2 =	por !p2, p0  }
0x20: {  	[sflag:s8] =	ssyncset.s32 @!p0 $0xFFFFF086;
	s6 =	sadd.s32 @!p0 s3, s7;
	s7 =	simm.s32 @!p0 $0x108  }
0x21: {  	s3 =	sadd.s32 s3, s9;
	s6 =	sadd.s32 @!p0 $0x88, s6;
	s7 =	simm.s32 @p2 $0x1082  }
0x22: {  	[simem:s7], [sflag:s8] =	dma.local @!p0 [hbm:s6], $0xF7A  }
0x23: {  	s9 =	sor.u32 $0xD0000000, s2;
	s6 =	simm.s32 $0x108;
	_ =	swait.ge @!p0 [sflag:s8], $0x0  }
0x24: {  	s3 =	sadd.s32 $0x88, s3;
	s6 =	simm.s32 @!p1 $0x1082;
	[sflag:s4] =	ssyncset.s32 $0xFFFFF086  }
0x25: {  	[simem:s6], [sflag:s4] =	dma.local [hbm:s3], $0xF7A  }
0x26: {  	[smem:$0x3F7D] =	sst s1;
	(tag) =	ssettag s2;
	_ =	strace s9  }
0x27: {  	s1 =	sld [smem:$0x3F8D]  }
0x28: {  	s2 =	sld [smem:$0x3F8E]  }
0x29: {  	s4 =	sld [smem:$0x3F90]  }
0x2a: {  	p0 =	seq.s32 s5, $0x0;
	s5 =	sld [smem:$0x3F91]  }
0x2b: {  	s6 =	sld [smem:$0x3F92]  }
0x2c: {  	s7 =	sld [smem:$0x3F93]  }
0x2d: {  	s3 =	simm.s32 $0x108;
	s8 =	sld [smem:$0x3F94]  }
0x2e: {  	s3 =	simm.s32 @!p0 $0x1082;
	s9 =	sld [smem:$0x3F95]  }
0x2f: {  	lr =	sadd.s32 s0, s3;
	s0 =	sld [smem:$0x3F8C]  }
0x30: {  	s3 =	sld [smem:$0x3F8F]  }
0x31: {  	[smem:$0x3F98] =	sst s10  }
0x32: {  	s10 =	sld [smem:$0x3F96];
	_ =	sdelay $0x3  }
0x33: {  	p0 =	seq.s32 s10, $0x1;
	s10 =	sld [smem:$0x3F98];
	_ =	sdelay $0x3  }
0x34: {  	[smem:$0x3F98] =	sst s10  }
0x35: {  	s10 =	sld [smem:$0x3F97];
	_ =	sdelay $0x3  }
0x36: {  	p1 =	seq.s32 s10, $0x1;
	s10 =	sld [smem:$0x3F98];
	_ =	sdelay $0x3  }
0x37: {  	[smem:$0x3F98] =	sst s10  }
0x38: {  	s10 =	sld [smem:$0x3F99]  }
0x39: {  	_ = 	snop;
	(pc) =	sbr.ind lr, $3  }
0x3a: {  	_ = 	snop  }
0x3b: {  	_ = 	snop  }
0x3c: {  	p2 =	seq.s32 s10, $0x1;
	s10 =	sld [smem:$0x3F98]  }
0x3d: {  	_ =	shalt  }
0x3e: {  	_ =	shalt  }
0x3f: {  	_ =	shalt  }
0x40: {  	_ =	shalt  }
0x41: {  	_ =	shalt  }
0x42: {  	_ =	shalt  }
0x43: {  	_ =	shalt  }
0x44: {  	_ =	shalt  }
0x45: {  	_ =	shalt  }
0x46: {  	_ =	shalt  }
0x47: {  	_ =	shalt  }
0x48: {  	_ =	shalt  }
0x49: {  	_ =	shalt  }
0x4a: {  	_ =	shalt  }
0x4b: {  	_ =	shalt  }
0x4c: {  	_ =	shalt  }
0x4d: {  	_ =	shalt  }
0x4e: {  	_ =	shalt  }
0x4f: {  	_ =	shalt  }
0x50: {  	_ =	shalt  }
0x51: {  	_ =	shalt  }
0x52: {  	_ =	shalt  }
0x53: {  	_ =	shalt  }
0x54: {  	_ =	shalt  }
0x55: {  	_ =	shalt  }
0x56: {  	_ =	shalt  }
0x57: {  	_ =	shalt  }
0x58: {  	_ =	shalt  }
0x59: {  	_ =	shalt  }
0x5a: {  	_ =	shalt  }
0x5b: {  	_ =	shalt  }
0x5c: {  	_ =	shalt  }
0x5d: {  	_ =	shalt  }
0x5e: {  	_ =	shalt  }
0x5f: {  	_ =	shalt  }
0x60: {  	_ =	shalt  }
0x61: {  	_ =	shalt  }
0x62: {  	_ =	shalt  }
0x63: {  	_ =	shalt  }
0x64: {  	_ =	shalt  }
0x65: {  	_ =	shalt  }
0x66: {  	_ =	shalt  }
0x67: {  	_ =	shalt  }
0x68: {  	_ =	shalt  }
0x69: {  	_ =	shalt  }
0x6a: {  	_ =	shalt  }
0x6b: {  	_ =	shalt  }
0x6c: {  	_ =	shalt  }
0x6d: {  	_ =	shalt  }
0x6e: {  	_ =	shalt  }
0x6f: {  	_ =	shalt  }
0x70: {  	_ =	shalt  }
0x71: {  	_ =	shalt  }
0x72: {  	_ =	shalt  }
0x73: {  	_ =	shalt  }
0x74: {  	_ =	shalt  }
0x75: {  	_ =	shalt  }
0x76: {  	_ =	shalt  }
0x77: {  	_ =	shalt  }
0x78: {  	_ =	shalt  }
0x79: {  	_ =	shalt  }
0x7a: {  	_ =	shalt  }
0x7b: {  	_ =	shalt  }
0x7c: {  	_ =	shalt  }
0x7d: {  	_ =	shalt  }
0x7e: {  	_ =	shalt  }
0x7f: {  	_ =	shalt  }
0x80: {  	_ =	shalt  }
0x81: {  	_ =	shalt  }
0x82: {  	_ =	shalt  }
0x83: {  	_ =	shalt  }
0x84: {  	_ =	shalt  }
0x85: {  	_ =	shalt  }
0x86: {  	_ =	shalt  }
0x87: {  	_ =	shalt  }
.Lfunc_end0:
.L_simem_size_0:
called_computation.1_lowered:
.L_overlay_start_0:
0x88: {  	s2 =	sld [smem:$0x3FD9]  }
0x89: {  	s3 =	sld [smem:$0x3FFE];
	_ =	sdelay $0x1  }
0x8a: {  	s1 =	srdreg.scid  }
0x8b: {  	s0 =	sand.u32 $0x1, s1  }
0x8c: {  	s16 =	sshll.u32 s0, $0xA;
	s2 =	sadd.s32 s3, s2  }
0x8d: {  	s2 =	sadd.s32 s2, s16  }
0x8e: {  	[smem:$0x3FA4] =	sst s2  }
0x8f: {  	_ = 	snop  }
0x90: {  	(tm) =	ssettm $0x1  }
0x91: {  	s17 =	sld [smem:$0x3FFB];
	_ =	sdelay $0x3  }
0x92: {  	_ =	strace s17  }
0x93: {  	s2 =	sld [smem:$0x3FFC];
	_ =	sdelay $0x3  }
0x94: {  	_ =	strace s2  }
0x95: {  	s2 =	sld [smem:$0x3FFD];
	_ =	sdelay $0x3  }
0x96: {  	_ =	strace s2  }
0x97: {  	_ =	strace $0x8FFFFFFF  }
0x98: {  	s18 =	sld [smem:$0x3FDB];
	_ =	sdelay $0x1  }
0x99: {  	s19 =	simm.s32 $_scs_section_size  }
0x9a: {  	s4 =	simm.s32 $_size__tile_overlayer_lowered;
	s5 =	simm.s32 $_tile_overlayer_lowered  }
0x9b: {  	s22 =	simm.s32 $0x1BFF;
	s21 =	sshll.u32 s5, $0x1;
	s2 =	sadd.s32 s19, s18  }
0x9c: {  	s6 =	simm.s32 $0x0;
	s20 =	sshll.u32 s4, $0x1;
	s4 =	sadd.s32 s21, s2  }
0x9d: {  	[timem:s6], [sflag:s22] =	dma.local [hbm:s4], s20  }
0x9e: {  	_ =	swait.ge [sflag:s22], s20  }
0x9f: {  	s3 =	ssub.s32 $0x0, s20;
	[sflag:s22] =	ssyncset.done $0x0  }
0xa0: {  	[sflag:s22] =	ssyncadd.s32 s3;
	_ =	sdelay $0x1  }
0xa1: {  	s23 =	simm.s32 $0x1B8B  }
0xa2: {  	_ =	swait.ge [sflag:s23], $0x1  }
0xa3: {  	[sflag:s23] =	ssyncset.done $0x0  }
0xa4: {  	s25 =	simm.s32 $0x1B8E;
	s24 =	sld [smem:$0x3FFE];
	[sflag:s23] =	ssyncadd.s32 $0xFFFFFFFF  }
0xa5: {  	s26 =	simm.s32 $execute0_lowered;
	[smem:$0x3FD2] =	sst s25  }
0xa6: {  	s4 =	sshll.u32 s26, $0x1;
	_ =	strace $0x80000046;
	[dreg:$0x1] =	wrdreg $0xFFFFFFFF  }
0xa7: {  	s28 =	simm.s32 $_size_execute0_lowered;
	s2 =	sadd.s32 s2, s4;
	[dreg:$0x0] =	wrdreg $0x0  }
0xa8: {  	s4 =	sshll.u32 s28, $0x1;
	[dreg:$0x2] =	wrdreg s2  }
0xa9: {  	[dreg:$0x3] =	wrdreg s4  }
0xaa: {  	[dreg:$0x4] =	wrdreg $0xC0  }
0xab: {  	_ =	task [dreg:s6], $0x5FFFF  }
0xac: {  	[dreg:$0x1] =	wrdreg $0xFFFFFFFF  }
0xad: {  	[dreg:$0x0] =	wrdreg $0x60  }
0xae: {  	[dreg:$0x2] =	wrdreg s24  }
0xaf: {  	[dreg:$0x3] =	wrdreg $0xA  }
0xb0: {  	_ =	task.clear_ibuf [dreg:s6], $0x4FFFF;
	_ =	strace $0x90000046  }
0xb1: {  	s29 =	simm.s32 $0xA;
	_ =	strace $0x80000048  }
0xb2: {  	_ =	swait.ge [sflag:s29], $0x1  }
0xb3: {  	[sflag:s29] =	ssyncadd.s32 $0xFFFFFFFF  }
0xb4: {  	_ =	strace $0x90000048  }
0xb5: {  	_ =	sfence  }
0xb6: {  	s30 =	sld [smem:$0x0];
	_ =	sdelay $0x2  }
0xb7: {  	s31 =	sshll.u32 s1, $0xD;
	s1 =	sshrl.u32 s1, $0x2  }
0xb8: {  	s3 =	sand.u32 $0x4000, s31;
	s1 =	sadd.s32 s1, s30  }
0xb9: {  	s0 =	sor.u32 s3, s0;
	s1 =	sshll.u32 s1, $0x11  }
0xba: {  	s0 =	sor.u32 s1, s0  }
0xbb: {  	s0 =	sadd.s32 $0x8F2B, s0  }
0xbc: {  	[sflag:s0] =	ssyncadd.remote.s32 $0x1  }
0xbd: {  	_ =	sfence.sel $0xFFFF  }
0xbe: {  	[dreg:$0x0] =	wrdreg $0xFFFFFFFF;
	(pc) =	sbr.abs _section_cstart, $3  }
0xbf: {  	[dreg:$0x1] =	wrdreg $0xFFFFFFFF  }
0xc0: {  	_ =	task.clear_ibuf [dreg:s6], $0x2FFFF;
	_ =	strace $0x9FFFFFFF  }
0xc1: {  	(tm) =	ssettm $0x7FFFFFFF  }
tec
execute0_lowered:
.L_overlay_start_1:
0x0: {  	(tag) =	ssettag $0x1  }
0x1: {  	s0 =	rddreg [dreg:$0x0];
	s2 =	simm.s32 $0x0  }
0x2: {  	s1 =	srdreg.scid;
	s10 =	stileid.u32;
	s11 =	simm.s32 $0x9  }
0x3: {  	s12 =	simm.s32 $0xC8;
	s13 =	simm.s32 $0x400;
	s14 =	simm.s32 $0x100  }
0x4: {  	s15 =	simm.s32 $0x6800;
	s16 =	simm.s32 $0x200;
	s17 =	simm.s32 $0xCC00  }
0x5: {  	s18 =	simm.s32 $0x300;
	s19 =	simm.s32 $0x13000;
	s20 =	simm.s32 $0x1  }
0x6: {  	s28 =	simm.s32 $0x8;
	[smem:$0x7FF] =	sst s2;
	s9 =	smul.u32 $0xC3500, s10  }
0x7: {  	s1 =	sand.u32 $0x1, s1;
	s7 =	sadd.s32 $0x251A00, s0;
	s21 =	smul.u32 $0xC350, s10  }
0x8: {  	s3 =	sshll.u32 s10, $0x1;
	_ =	strace $0x80000047;
	s22 =	smul.u32 $0x61A8, s1  }
0x9: {  	s4 =	sor.u32 s1, s3;
	s6 =	ssub.s32 $0x2, s1;
	s1 =	smul.u32 $0x61A80, s1  }
0xa: {  	s29 =	simm.s32 $0x0;
	s3 =	sadd.s32 $0x376C00, s0;
	s5 =	smul.u32 $0x61A8, s4  }
0xb: {  	s0 =	sadd.s32 $0x43A200, s0;
	s4 =	smul.u32 $0x30D400, s4;
	s8 =	sshrl.u32 s6, $0x1  }
0xc: {  	s6 =	ssub.s32 s6, s8;
	s23 =	sadd.s32 s22, s21;
	s21 =	simm.s32 $0x2  }
0xd: {  	s22 =	simm.s32 $0x3;
	s5 =	sshrl.u32 s5, $0x3;
	s4 =	sshrl.u32 s4, $0x3  }
0xe: {  	s24 =	smax.u32 s6, $0x1;
	s25 =	sadd.s32 $0x186C58, s23;
	s8 =	sadd.s32 $0x186B90, s23  }
0xf: {  	s30 =	sadd.s32 $0x186AC8, s23;
	s5 =	sadd.s32 s7, s5;
	s4 =	sadd.s32 s0, s4  }
0x10: {  	s0 =	sadd.s32 s9, s0;
	[dreg:$0x5] =	wrdreg s24;
	s26 =	sshrl.u32 s25, $0x3  }
0x11: {  	s8 =	sshrl.u32 s8, $0x3;
	s24 =	simm.s32 $0x5;
	s5 =	sadd.s32 $0x3195C, s5  }
0x12: {  	s25 =	simm.s32 $0x6;
	s4 =	sadd.s32 $0x60E00, s4;
	[dreg:$0x3] =	wrdreg s5  }
0x13: {  	s0 =	sadd.s32 s1, s0;
	s1 =	sadd.s32 s26, s7;
	[dreg:$0x4] =	wrdreg s4  }
0x14: {  	s26 =	simm.s32 $0x7;
	[dreg:$0x2] =	wrdreg s0;
	s4 =	sadd.s32 $0x186A00, s23  }
0x15: {  	s0 =	sshrl.u32 s30, $0x3;
	s23 =	simm.s32 $0x4;
	s31 =	sshrl.u32 s4, $0x3  }
0x16: {  	s4 =	sadd.s32 s8, s7;
	s9 =	sadd.s32 s0, s7;
	s10 =	sadd.s32 s31, s7  }
.LBB2_1:
0x17: {  	[tilespmem:s2], [sflag:$0x9] =	stream.linear.gather [hbm4b:s10+s2], $0xC8, $0x38;
	[tilespmem:$0x19400] =	vst v63  }
0x18: {  	_ =	swait.ge [sflag:s11], $0xC8  }
0x19: {  	[sflag:s11] =	ssyncset.done $0x0  }
0x1a: {  	[sflag:s11] =	ssyncadd.s32 $0xFFFFFF38  }
0x1b: {  	[tilespmem:s13], [sflag:$0x1] =	stream.indirect.gather [hbm4b:s3+s12], $0x80, s2, s12, $0xb8;
	[tilespmem:$0x19400] =	vst v63  }
0x1c: {  	_ = 	snop  }
0x1d: {  	[tilespmem:s14], [sflag:$0x9] =	stream.linear.gather [hbm4b:s9+s2], $0xC8, $0x38;
	[tilespmem:$0x19400] =	vst v63  }
0x1e: {  	_ =	swait.ge [sflag:s11], $0xC8  }
0x1f: {  	[sflag:s11] =	ssyncset.done $0x0  }
0x20: {  	[sflag:s11] =	ssyncadd.s32 $0xFFFFFF38  }
0x21: {  	[tilespmem:s15], [sflag:$0x2] =	stream.indirect.gather [hbm4b:s3+s12], $0x80, s14, s12, $0xb8;
	[tilespmem:$0x19400] =	vst v63  }
0x22: {  	_ = 	snop  }
0x23: {  	[tilespmem:s16], [sflag:$0x9] =	stream.linear.gather [hbm4b:s4+s2], $0xC8, $0x38;
	[tilespmem:$0x19400] =	vst v63  }
0x24: {  	_ =	swait.ge [sflag:s11], $0xC8  }
0x25: {  	[sflag:s11] =	ssyncset.done $0x0  }
0x26: {  	[sflag:s11] =	ssyncadd.s32 $0xFFFFFF38  }
0x27: {  	[tilespmem:s17], [sflag:$0x3] =	stream.indirect.gather [hbm4b:s3+s12], $0x80, s16, s12, $0xb8;
	[tilespmem:$0x19400] =	vst v63  }
0x28: {  	_ = 	snop  }
0x29: {  	[tilespmem:s18], [sflag:$0x9] =	stream.linear.gather [hbm4b:s1+s2], $0xC8, $0x38;
	[tilespmem:$0x19400] =	vst v63  }
0x2a: {  	_ =	swait.ge [sflag:s11], $0xC8  }
0x2b: {  	[sflag:s11] =	ssyncset.done $0x0  }
0x2c: {  	[sflag:s11] =	ssyncadd.s32 $0xFFFFFF38  }
0x2d: {  	[tilespmem:s19], [sflag:$0x4] =	stream.indirect.gather [hbm4b:s3+s12], $0x80, s18, s12, $0xb8;
	[tilespmem:$0x19400] =	vst v63  }
0x2e: {  	_ =	swait.ge [sflag:s20], $0x6400  }
0x2f: {  	s0 =	rddreg [dreg:$0x2];
	[sflag:s20] =	ssyncset.done $0x0  }
0x30: {  	[sflag:s20] =	ssyncadd.s32 $0xFFFF9C00;
	s0 =	sadd.s32 $0x0, s0  }
0x31: {  	[hbm4b:s0+s2] =	stream.linear.scatter [tilespmem:s13], [sflag:$0x5], $0x6400, $0x38;
	[tilespmem:$0x19400] =	vst v63  }
0x32: {  	_ =	swait.ge [sflag:s21], $0x6400  }
0x33: {  	[sflag:s21] =	ssyncset.done $0x0  }
0x34: {  	s7 =	sadd.s32 $0xC80, s0;
	[sflag:s21] =	ssyncadd.s32 $0xFFFF9C00  }
0x35: {  	[hbm4b:s7+s2] =	stream.linear.scatter [tilespmem:s15], [sflag:$0x6], $0x6400, $0x38;
	[tilespmem:$0x19400] =	vst v63  }
0x36: {  	_ =	swait.ge [sflag:s22], $0x6400  }
0x37: {  	[sflag:s22] =	ssyncset.done $0x0  }
0x38: {  	s8 =	sadd.s32 $0x1900, s0;
	[sflag:s22] =	ssyncadd.s32 $0xFFFF9C00  }
0x39: {  	[hbm4b:s8+s2] =	stream.linear.scatter [tilespmem:s17], [sflag:$0x7], $0x6400, $0x38;
	[tilespmem:$0x19400] =	vst v63  }
0x3a: {  	_ =	swait.ge [sflag:s23], $0x6400  }
0x3b: {  	[sflag:s23] =	ssyncset.done $0x0  }
0x3c: {  	s0 =	sadd.s32 $0x2580, s0;
	[sflag:s23] =	ssyncadd.s32 $0xFFFF9C00  }
0x3d: {  	[hbm4b:s0+s2] =	stream.linear.scatter [tilespmem:s19], [sflag:$0x8], $0x6400, $0x38;
	[tilespmem:$0x19400] =	vst v63  }
0x3e: {  	_ =	swait.ge [sflag:s24], $0x6400  }
0x3f: {  	[sflag:s24] =	ssyncset.done $0x0  }
0x40: {  	[sflag:s24] =	ssyncadd.s32 $0xFFFF9C00  }
0x41: {  	_ =	swait.ge [sflag:s25], $0x6400  }
0x42: {  	[sflag:s25] =	ssyncset.done $0x0  }
0x43: {  	[sflag:s25] =	ssyncadd.s32 $0xFFFF9C00  }
0x44: {  	_ =	swait.ge [sflag:s26], $0x6400  }
0x45: {  	[sflag:s26] =	ssyncset.done $0x0  }
0x46: {  	s30 =	simm.s32 $0x3200;
	[sflag:s26] =	ssyncadd.s32 $0xFFFF9C00  }
0x47: {  	s31 =	sadd.s32 $0x64, s9;
	s7 =	smov.u32 s1;
	_ =	swait.ge [sflag:s28], $0x6400  }
0x48: {  	s8 =	smov.u32 s4;
	s0 =	sadd.s32 $0x64, s10;
	[sflag:s28] =	ssyncset.done $0x0  }
.LBB2_2:
0x49: {  	[sflag:s28] =	ssyncadd.s32 $0xFFFF9C00  }
0x4a: {  	[tilespmem:s2], [sflag:$0x9] =	stream.linear.gather [hbm4b:s0+s2], $0xC8, $0x38;
	[tilespmem:$0x19400] =	vst v63  }
0x4b: {  	_ =	swait.ge [sflag:s11], $0xC8  }
0x4c: {  	[sflag:s11] =	ssyncset.done $0x0  }
0x4d: {  	[sflag:s11] =	ssyncadd.s32 $0xFFFFFF38  }
0x4e: {  	[tilespmem:s13], [sflag:$0x1] =	stream.indirect.gather [hbm4b:s3+s12], $0x80, s2, s12, $0xb8;
	[tilespmem:$0x19400] =	vst v63  }
0x4f: {  	_ = 	snop  }
0x50: {  	[tilespmem:s14], [sflag:$0x9] =	stream.linear.gather [hbm4b:s31+s2], $0xC8, $0x38;
	[tilespmem:$0x19400] =	vst v63  }
0x51: {  	_ =	swait.ge [sflag:s11], $0xC8  }
0x52: {  	[sflag:s11] =	ssyncset.done $0x0  }
0x53: {  	[sflag:s11] =	ssyncadd.s32 $0xFFFFFF38  }
0x54: {  	[tilespmem:s15], [sflag:$0x2] =	stream.indirect.gather [hbm4b:s3+s12], $0x80, s14, s12, $0xb8;
	[tilespmem:$0x19400] =	vst v63  }
0x55: {  	s8 =	sadd.s32 $0x64, s8  }
0x56: {  	[tilespmem:s16], [sflag:$0x9] =	stream.linear.gather [hbm4b:s8+s2], $0xC8, $0x38;
	[tilespmem:$0x19400] =	vst v63  }
0x57: {  	_ =	swait.ge [sflag:s11], $0xC8  }
0x58: {  	[sflag:s11] =	ssyncset.done $0x0  }
0x59: {  	[sflag:s11] =	ssyncadd.s32 $0xFFFFFF38  }
0x5a: {  	[tilespmem:s17], [sflag:$0x3] =	stream.indirect.gather [hbm4b:s3+s12], $0x80, s16, s12, $0xb8;
	[tilespmem:$0x19400] =	vst v63  }
0x5b: {  	s7 =	sadd.s32 $0x64, s7  }
0x5c: {  	[tilespmem:s18], [sflag:$0x9] =	stream.linear.gather [hbm4b:s7+s2], $0xC8, $0x38;
	[tilespmem:$0x19400] =	vst v63  }
0x5d: {  	_ =	swait.ge [sflag:s11], $0xC8  }
0x5e: {  	[sflag:s11] =	ssyncset.done $0x0  }
0x5f: {  	[sflag:s11] =	ssyncadd.s32 $0xFFFFFF38  }
0x60: {  	[tilespmem:s19], [sflag:$0x4] =	stream.indirect.gather [hbm4b:s3+s12], $0x80, s18, s12, $0xb8;
	[tilespmem:$0x19400] =	vst v63  }
0x61: {  	_ =	swait.ge [sflag:s20], $0x6400  }
0x62: {  	s5 =	smov.u32 s30;
	s6 =	rddreg [dreg:$0x2];
	[sflag:s20] =	ssyncset.done $0x0  }
0x63: {  	[sflag:s20] =	ssyncadd.s32 $0xFFFF9C00;
	s5 =	sadd.s32 s5, s6  }
0x64: {  	[hbm4b:s5+s2] =	stream.linear.scatter [tilespmem:s13], [sflag:$0x5], $0x6400, $0x38;
	[tilespmem:$0x19400] =	vst v63  }
0x65: {  	_ =	swait.ge [sflag:s21], $0x6400  }
0x66: {  	[sflag:s21] =	ssyncset.done $0x0  }
0x67: {  	s6 =	sadd.s32 $0xC80, s5;
	[sflag:s21] =	ssyncadd.s32 $0xFFFF9C00  }
0x68: {  	[hbm4b:s6+s2] =	stream.linear.scatter [tilespmem:s15], [sflag:$0x6], $0x6400, $0x38;
	[tilespmem:$0x19400] =	vst v63  }
0x69: {  	_ =	swait.ge [sflag:s22], $0x6400  }
0x6a: {  	[sflag:s22] =	ssyncset.done $0x0  }
0x6b: {  	s6 =	sadd.s32 $0x1900, s5;
	[sflag:s22] =	ssyncadd.s32 $0xFFFF9C00  }
0x6c: {  	[hbm4b:s6+s2] =	stream.linear.scatter [tilespmem:s17], [sflag:$0x7], $0x6400, $0x38;
	[tilespmem:$0x19400] =	vst v63  }
0x6d: {  	_ =	swait.ge [sflag:s23], $0x6400  }
0x6e: {  	[sflag:s23] =	ssyncset.done $0x0  }
0x6f: {  	s5 =	sadd.s32 $0x2580, s5;
	[sflag:s23] =	ssyncadd.s32 $0xFFFF9C00  }
0x70: {  	[hbm4b:s5+s2] =	stream.linear.scatter [tilespmem:s19], [sflag:$0x8], $0x6400, $0x38;
	[tilespmem:$0x19400] =	vst v63  }
0x71: {  	_ =	swait.ge [sflag:s24], $0x6400  }
0x72: {  	[sflag:s24] =	ssyncset.done $0x0  }
0x73: {  	[sflag:s24] =	ssyncadd.s32 $0xFFFF9C00  }
0x74: {  	_ =	swait.ge [sflag:s25], $0x6400  }
0x75: {  	[sflag:s25] =	ssyncset.done $0x0  }
0x76: {  	p0 =	sne.s32 s30, $0x5DC00;
	[sflag:s25] =	ssyncadd.s32 $0xFFFF9C00  }
.Ltmp0:
0x77: {  	_ =	swait.ge [sflag:s26], $0x6400;
	(pc) =	sbr.rel @p0 .LBB2_2-.Ltmp0, $4  }
0x78: {  	[sflag:s26] =	ssyncset.done $0x0  }
0x79: {  	[sflag:s26] =	ssyncadd.s32 $0xFFFF9C00  }
0x7a: {  	s30 =	sadd.s32 $0x3200, s30;
	_ =	swait.ge [sflag:s28], $0x6400  }
0x7b: {  	s0 =	sadd.s32 $0x64, s0;
	s31 =	sadd.s32 $0x64, s31;
	[sflag:s28] =	ssyncset.done $0x0  }
0x7c: {  	[sflag:s28] =	ssyncadd.s32 $0xFFFF9C00;
	s0 =	rddreg [dreg:$0x3]  }
0x7d: {  	[tilespmem:s2], [sflag:$0x9] =	stream.linear.gather [hbm4b:s0+s2], $0xC8, $0x38;
	[tilespmem:$0x19400] =	vst v63  }
0x7e: {  	_ =	swait.ge [sflag:s11], $0xC8  }
0x7f: {  	[sflag:s11] =	ssyncset.done $0x0  }
0x80: {  	[sflag:s11] =	ssyncadd.s32 $0xFFFFFF38  }
0x81: {  	[tilespmem:s13], [sflag:$0x1] =	stream.indirect.gather [hbm4b:s3+s12], $0x80, s2, s12, $0xb8;
	[tilespmem:$0x19400] =	vst v63  }
0x82: {  	_ =	swait.ge [sflag:s20], $0x6400  }
0x83: {  	[sflag:s20] =	ssyncset.done $0x0  }
0x84: {  	s30 =	rddreg [dreg:$0x4];
	[sflag:s20] =	ssyncadd.s32 $0xFFFF9C00  }
0x85: {  	[hbm4b:s30+s2] =	stream.linear.scatter [tilespmem:s13], [sflag:$0x9], $0x6400, $0x38;
	[tilespmem:$0x19400] =	vst v63  }
0x86: {  	_ =	swait.ge [sflag:s11], $0x6400  }
0x87: {  	s29 =	sadd.s32 $0x1, s29;
	s31 =	rddreg [dreg:$0x5]  }
0x88: {  	p0 =	sne.s32 s29, s31  }
.Ltmp1:
0x89: {  	_ = 	snop;
	(pc) =	sbr.rel @p0 .LBB2_1-.Ltmp1, $3  }
0x8a: {  	_ =	sdelay $0x1  }
0x8b: {  	[sflag:s11] =	ssyncset.done $0x0  }
0x8c: {  	[sflag:s11] =	ssyncadd.s32 $0xFFFF9C00  }
0x8d: {  	_ =	sfence.sel $0x180000  }
0x8e: {  	[bflag:$0x0] =	sbarrier.arrive $0xFFFF  }
0x8f: {  	_ =	strace $0x90000047  }
0x90: {  	s0 =	stileid.u32;
	[bflag:$0x2] =	sbarrier.arrive $0xFFFF  }
0x91: {  	p0 =	sne.s32 s0, $0x0;
	s0 =	rddreg [dreg:$0x1]  }
0x92: {  	s0 =	sadd.s32 @!p0 $0x100000, s0  }
0x93: {  	[sflag:s0] =	ssyncadd.tile.s32 @!p0 $0x1;
	_ =	shalt  }
.Lfunc_end2:
_tile_overlayer_lowered:
.L_overlay_start_2:
0x94: {  	(tag) =	ssettag $0x2  }
0x95: {  	s0 =	rddreg [dreg:$0x0];
	s2 =	stileid.u32  }
0x96: {  	s1 =	rddreg [dreg:$0x1];
	p0 =	sne.s32 s2, $0x0  }
0x97: {  	s3 =	rddreg [dreg:$0x2];
	[bflag:$0x3] =	sbarrier.arrive $0xFFFF;
	s2 =	simm.s32 @!p0 $0x1C09  }
0x98: {  	[timem:s3], [sflag:s2] =	dma.local @!p0 [hbm:s0], s1  }
0x99: {  	s0 =	simm.s32 @!p0 $0x9  }
0x9a: {  	_ =	swait.ge @!p0 [sflag:s0], s1  }
0x9b: {  	s1 =	ssub.s32 @!p0 $0x0, s1;
	[sflag:s0] =	ssyncset.done @!p0 $0x0  }
0x9c: {  	[sflag:s0] =	ssyncadd.s32 @!p0 s1  }
0x9d: {  	[bflag:$0x3] =	sbarrier.arrive $0xFFFF  }
0x9e: {  	_ =	shalt  }

// kernel: kernel.15.cloned.1.call-start
scs
__scs_entry_jumppad:
0x0: {  	(pc) =	sbr.rel $0x88, $3  }
0x1: {  	(tag) =	ssettag $0x0;
	lr =	simm.s32 $0x1  }
0x2: {  	[smem:$0x3F7D] =	sst lr;
	_ =	strace $0xD0000000  }
0x3: {  	_ = 	snop  }
0x4: {  	_ = 	snop  }
0x5: {  	_ = 	snop  }
0x6: {  	_ = 	snop  }
0x7: {  	_ = 	snop  }
__scs_overlays_trampoline_lowered:
0x8: {  	[smem:$0x3F8C] =	sst s0  }
0x9: {  	[smem:$0x3F8D] =	sst s1  }
0xa: {  	[smem:$0x3F8E] =	sst s2  }
0xb: {  	[smem:$0x3F8F] =	sst s3  }
0xc: {  	[smem:$0x3F90] =	sst s4  }
0xd: {  	[smem:$0x3F91] =	sst s5  }
0xe: {  	[smem:$0x3F92] =	sst s6  }
0xf: {  	[smem:$0x3F93] =	sst s7  }
0x10: {  	[smem:$0x3F94] =	sst s8  }
0x11: {  	[smem:$0x3F95] =	sst s9;
	s0 =	simm.s32 @!p0 $0x0  }
0x12: {  	s1 =	sld [smem:$0x3F7B];
	s0 =	simm.s32 @p0 $0x1  }
0x13: {  	[smem:$0x3F96] =	sst s0;
	s0 =	simm.s32 @!p1 $0x0  }
0x14: {  	s2 =	sld [smem:$0x3F7A];
	s0 =	simm.s32 @p1 $0x1  }
0x15: {  	[smem:$0x3F97] =	sst s0;
	s0 =	simm.s32 @!p2 $0x0  }
0x16: {  	s3 =	sld [smem:$0x3FDB];
	s0 =	simm.s32 @p2 $0x1  }
0x17: {  	s4 =	simm.s32 $0x1BF5;
	[smem:$0x3F99] =	sst s0  }
0x18: {  	s0 =	sld [smem:$0x3F7C];
	_ =	swait.ge [sflag:s4], $0x0  }
0x19: {  	s7 =	sld [smem:$0x3F7D]  }
0x1a: {  	s8 =	sadd.s32 $0xFFFFE003, lr  }
0x1b: {  	s9 =	sadd.s32 $0xFFFFFEF7, lr;
	s5 =	simm.s32 $0xFFFFFFFF;
	p2 =	slt.u32 s8, $0xFFFFF086  }
0x1c: {  	p1 =	slt.u32 s9, $0xF7A;
	s5 =	simm.s32 @!p2 $0x0  }
0x1d: {  	s5 =	simm.s32 @p1 $0x1;
	p0 =	seq.s32 s7, s2  }
0x1e: {  	s7 =	smul.u32 @!p0 $0xF7A, s2;
	p2 =	seq.s32 @!p0 s5, $0x0  }
0x1f: {  	s9 =	smul.u32 $0xF7A, s1;
	s8 =	simm.s32 @!p0 $0x1BF5;
	p2 =	por !p2, p0  }
0x20: {  	[sflag:s8] =	ssyncset.s32 @!p0 $0xFFFFF086;
	s6 =	sadd.s32 @!p0 s3, s7;
	s7 =	simm.s32 @!p0 $0x108  }
0x21: {  	s3 =	sadd.s32 s3, s9;
	s6 =	sadd.s32 @!p0 $0x88, s6;
	s7 =	simm.s32 @p2 $0x1082  }
0x22: {  	[simem:s7], [sflag:s8] =	dma.local @!p0 [hbm:s6], $0xF7A  }
0x23: {  	s9 =	sor.u32 $0xD0000000, s2;
	s6 =	simm.s32 $0x108;
	_ =	swait.ge @!p0 [sflag:s8], $0x0  }
0x24: {  	s3 =	sadd.s32 $0x88, s3;
	s6 =	simm.s32 @!p1 $0x1082;
	[sflag:s4] =	ssyncset.s32 $0xFFFFF086  }
0x25: {  	[simem:s6], [sflag:s4] =	dma.local [hbm:s3], $0xF7A  }
0x26: {  	[smem:$0x3F7D] =	sst s1;
	(tag) =	ssettag s2;
	_ =	strace s9  }
0x27: {  	s1 =	sld [smem:$0x3F8D]  }
0x28: {  	s2 =	sld [smem:$0x3F8E]  }
0x29: {  	s4 =	sld [smem:$0x3F90]  }
0x2a: {  	p0 =	seq.s32 s5, $0x0;
	s5 =	sld [smem:$0x3F91]  }
0x2b: {  	s6 =	sld [smem:$0x3F92]  }
0x2c: {  	s7 =	sld [smem:$0x3F93]  }
0x2d: {  	s3 =	simm.s32 $0x108;
	s8 =	sld [smem:$0x3F94]  }
0x2e: {  	s3 =	simm.s32 @!p0 $0x1082;
	s9 =	sld [smem:$0x3F95]  }
0x2f: {  	lr =	sadd.s32 s0, s3;
	s0 =	sld [smem:$0x3F8C]  }
0x30: {  	s3 =	sld [smem:$0x3F8F]  }
0x31: {  	[smem:$0x3F98] =	sst s10  }
0x32: {  	s10 =	sld [smem:$0x3F96];
	_ =	sdelay $0x3  }
0x33: {  	p0 =	seq.s32 s10, $0x1;
	s10 =	sld [smem:$0x3F98];
	_ =	sdelay $0x3  }
0x34: {  	[smem:$0x3F98] =	sst s10  }
0x35: {  	s10 =	sld [smem:$0x3F97];
	_ =	sdelay $0x3  }
0x36: {  	p1 =	seq.s32 s10, $0x1;
	s10 =	sld [smem:$0x3F98];
	_ =	sdelay $0x3  }
0x37: {  	[smem:$0x3F98] =	sst s10  }
0x38: {  	s10 =	sld [smem:$0x3F99]  }
0x39: {  	_ = 	snop;
	(pc) =	sbr.ind lr, $3  }
0x3a: {  	_ = 	snop  }
0x3b: {  	_ = 	snop  }
0x3c: {  	p2 =	seq.s32 s10, $0x1;
	s10 =	sld [smem:$0x3F98]  }
0x3d: {  	_ =	shalt  }
0x3e: {  	_ =	shalt  }
0x3f: {  	_ =	shalt  }
0x40: {  	_ =	shalt  }
0x41: {  	_ =	shalt  }
0x42: {  	_ =	shalt  }
0x43: {  	_ =	shalt  }
0x44: {  	_ =	shalt  }
0x45: {  	_ =	shalt  }
0x46: {  	_ =	shalt  }
0x47: {  	_ =	shalt  }
0x48: {  	_ =	shalt  }
0x49: {  	_ =	shalt  }
0x4a: {  	_ =	shalt  }
0x4b: {  	_ =	shalt  }
0x4c: {  	_ =	shalt  }
0x4d: {  	_ =	shalt  }
0x4e: {  	_ =	shalt  }
0x4f: {  	_ =	shalt  }
0x50: {  	_ =	shalt  }
0x51: {  	_ =	shalt  }
0x52: {  	_ =	shalt  }
0x53: {  	_ =	shalt  }
0x54: {  	_ =	shalt  }
0x55: {  	_ =	shalt  }
0x56: {  	_ =	shalt  }
0x57: {  	_ =	shalt  }
0x58: {  	_ =	shalt  }
0x59: {  	_ =	shalt  }
0x5a: {  	_ =	shalt  }
0x5b: {  	_ =	shalt  }
0x5c: {  	_ =	shalt  }
0x5d: {  	_ =	shalt  }
0x5e: {  	_ =	shalt  }
0x5f: {  	_ =	shalt  }
0x60: {  	_ =	shalt  }
0x61: {  	_ =	shalt  }
0x62: {  	_ =	shalt  }
0x63: {  	_ =	shalt  }
0x64: {  	_ =	shalt  }
0x65: {  	_ =	shalt  }
0x66: {  	_ =	shalt  }
0x67: {  	_ =	shalt  }
0x68: {  	_ =	shalt  }
0x69: {  	_ =	shalt  }
0x6a: {  	_ =	shalt  }
0x6b: {  	_ =	shalt  }
0x6c: {  	_ =	shalt  }
0x6d: {  	_ =	shalt  }
0x6e: {  	_ =	shalt  }
0x6f: {  	_ =	shalt  }
0x70: {  	_ =	shalt  }
0x71: {  	_ =	shalt  }
0x72: {  	_ =	shalt  }
0x73: {  	_ =	shalt  }
0x74: {  	_ =	shalt  }
0x75: {  	_ =	shalt  }
0x76: {  	_ =	shalt  }
0x77: {  	_ =	shalt  }
0x78: {  	_ =	shalt  }
0x79: {  	_ =	shalt  }
0x7a: {  	_ =	shalt  }
0x7b: {  	_ =	shalt  }
0x7c: {  	_ =	shalt  }
0x7d: {  	_ =	shalt  }
0x7e: {  	_ =	shalt  }
0x7f: {  	_ =	shalt  }
0x80: {  	_ =	shalt  }
0x81: {  	_ =	shalt  }
0x82: {  	_ =	shalt  }
0x83: {  	_ =	shalt  }
0x84: {  	_ =	shalt  }
0x85: {  	_ =	shalt  }
0x86: {  	_ =	shalt  }
0x87: {  	_ =	shalt  }
.Lfunc_end0:
.L_simem_size_0:
called_computation.2_lowered:
.L_overlay_start_0:
0x88: {  	s2 =	sld [smem:$0x3FD9]  }
0x89: {  	s3 =	sld [smem:$0x3FFE];
	_ =	sdelay $0x1  }
0x8a: {  	s1 =	srdreg.scid  }
0x8b: {  	s0 =	sand.u32 $0x1, s1  }
0x8c: {  	s17 =	sshll.u32 s0, $0xA;
	s2 =	sadd.s32 s3, s2  }
0x8d: {  	s2 =	sadd.s32 s2, s17  }
0x8e: {  	[smem:$0x3FA4] =	sst s2  }
0x8f: {  	_ = 	snop  }
0x90: {  	(tm) =	ssettm $0x1  }
0x91: {  	s18 =	sld [smem:$0x3FFB];
	_ =	sdelay $0x3  }
0x92: {  	_ =	strace s18  }
0x93: {  	s2 =	sld [smem:$0x3FFC];
	_ =	sdelay $0x3  }
0x94: {  	_ =	strace s2  }
0x95: {  	s2 =	sld [smem:$0x3FFD];
	_ =	sdelay $0x3  }
0x96: {  	_ =	strace s2  }
0x97: {  	_ =	strace $0x8FFFFFFF  }
0x98: {  	s19 =	sld [smem:$0x3FDB];
	_ =	sdelay $0x1  }
0x99: {  	s20 =	simm.s32 $_scs_section_size  }
0x9a: {  	s4 =	simm.s32 $_size__tile_overlayer_lowered;
	s5 =	simm.s32 $_tile_overlayer_lowered  }
0x9b: {  	s6 =	simm.s32 $0x1BFF;
	s21 =	sshll.u32 s5, $0x1;
	s3 =	sadd.s32 s20, s19  }
0x9c: {  	s22 =	simm.s32 $0x0;
	s4 =	sshll.u32 s4, $0x1;
	s5 =	sadd.s32 s21, s3  }
0x9d: {  	[timem:s22], [sflag:s6] =	dma.local [hbm:s5], s4  }
0x9e: {  	_ =	swait.ge [sflag:s6], s4  }
0x9f: {  	s4 =	ssub.s32 $0x0, s4;
	[sflag:s6] =	ssyncset.done $0x0  }
0xa0: {  	[sflag:s6] =	ssyncadd.s32 s4;
	_ =	sdelay $0x1  }
0xa1: {  	s23 =	simm.s32 $0x1B8B  }
0xa2: {  	_ =	swait.ge [sflag:s23], $0x1  }
0xa3: {  	[sflag:s23] =	ssyncset.done $0x0  }
0xa4: {  	[sflag:s23] =	ssyncadd.s32 $0xFFFFFFFF  }
0xa5: {  	s4 =	sld [smem:$0x0]  }
0xa6: {  	s5 =	sand.u32 $0xFFFFFFFE, s1  }
0xa7: {  	p0 =	sne.s32 s1, s5  }
0xa8: {  	s5 =	sshll.u32 @p0 s5, $0xE  }
0xa9: {  	s5 =	sadd.s32 @p0 $0x11B8D, s5;
	s6 =	sshll.u32 @p0 s4, $0x11  }
0xaa: {  	s5 =	sor.u32 @p0 s6, s5  }
0xab: {  	[sflag:s5] =	ssyncadd.remote.s32 @p0 $0x1;
	_ =	sdelay $0x1  }
0xac: {  	s5 =	simm.s32 @p0 $0x1B8D  }
0xad: {  	_ =	swait.eq @p0 [sflag:s5], $0x1  }
0xae: {  	[sflag:s5] =	ssyncadd.s32 @p0 $0xFFFFFFFF  }
0xaf: {  	s6 =	sshll.u32 @!p0 s1, $0xE  }
0xb0: {  	s6 =	sor.u32 @!p0 $0x4000, s6;
	s5 =	simm.s32 @!p0 $0x1B8D  }
0xb1: {  	s4 =	sshll.u32 @!p0 s4, $0x11;
	s6 =	sadd.s32 @!p0 $0x11B8D, s6;
	_ =	swait.eq @!p0 [sflag:s5], $0x1  }
0xb2: {  	s4 =	sor.u32 @!p0 s4, s6;
	[sflag:s5] =	ssyncadd.s32 @!p0 $0xFFFFFFFF  }
0xb3: {  	s25 =	simm.s32 $0x1B8E;
	s24 =	sld [smem:$0x3FFE];
	[sflag:s4] =	ssyncadd.remote.s32 @!p0 $0x1  }
0xb4: {  	s26 =	simm.s32 $execute0_lowered;
	[smem:$0x3FD2] =	sst s25  }
0xb5: {  	s5 =	sshll.u32 s26, $0x1;
	_ =	strace $0x80000049;
	[dreg:$0x1] =	wrdreg $0xFFFFFFFF  }
0xb6: {  	s28 =	simm.s32 $_size_execute0_lowered;
	s3 =	sadd.s32 s3, s5;
	[dreg:$0x0] =	wrdreg $0x0  }
0xb7: {  	s5 =	sshll.u32 s28, $0x1;
	[dreg:$0x2] =	wrdreg s3  }
0xb8: {  	[dreg:$0x3] =	wrdreg s5  }
0xb9: {  	[dreg:$0x4] =	wrdreg $0xC0  }
0xba: {  	_ =	task [dreg:s22], $0x5FFFF  }
0xbb: {  	[dreg:$0x1] =	wrdreg $0xFFFFFFFF  }
0xbc: {  	[dreg:$0x0] =	wrdreg $0x60  }
0xbd: {  	[dreg:$0x2] =	wrdreg s24  }
0xbe: {  	[dreg:$0x3] =	wrdreg $0xB  }
0xbf: {  	_ =	task.clear_ibuf [dreg:s22], $0x4FFFF;
	_ =	strace $0x90000049  }
0xc0: {  	s29 =	simm.s32 $0xB;
	_ =	strace $0x8000004B  }
0xc1: {  	_ =	swait.ge [sflag:s29], $0x1  }
0xc2: {  	[sflag:s29] =	ssyncadd.s32 $0xFFFFFFFF  }
0xc3: {  	_ =	strace $0x9000004B  }
0xc4: {  	_ =	sfence  }
0xc5: {  	s30 =	sld [smem:$0x0];
	_ =	sdelay $0x2  }
0xc6: {  	s31 =	sshll.u32 s1, $0xD;
	s1 =	sshrl.u32 s1, $0x2  }
0xc7: {  	s4 =	sand.u32 $0x4000, s31;
	s1 =	sadd.s32 s1, s30  }
0xc8: {  	s0 =	sor.u32 s4, s0;
	s1 =	sshll.u32 s1, $0x11  }
0xc9: {  	s0 =	sor.u32 s1, s0  }
0xca: {  	s0 =	sadd.s32 $0x8F2B, s0  }
0xcb: {  	[sflag:s0] =	ssyncadd.remote.s32 $0x1  }
0xcc: {  	_ =	sfence.sel $0xFFFF  }
0xcd: {  	[dreg:$0x0] =	wrdreg $0xFFFFFFFF;
	(pc) =	sbr.abs _section_cstart, $3  }
0xce: {  	[dreg:$0x1] =	wrdreg $0xFFFFFFFF  }
0xcf: {  	_ =	task.clear_ibuf [dreg:s22], $0x2FFFF;
	_ =	strace $0x9FFFFFFF  }
0xd0: {  	(tm) =	ssettm $0x7FFFFFFF  }
0xd1: {  	_ =	shalt  }
tec
execute0_lowered:
.L_overlay_start_1:
0x0: {  	(tag) =	ssettag $0x1  }
0x1: {  	s0 =	rddreg [dreg:$0x0];
	s2 =	simm.s32 $0x0  }
0x2: {  	s1 =	srdreg.scid;
	s10 =	stileid.u32;
	s11 =	simm.s32 $0x9  }
0x3: {  	s12 =	simm.s32 $0xC8;
	s13 =	simm.s32 $0x400;
	s14 =	simm.s32 $0x100  }
0x4: {  	s15 =	simm.s32 $0x6800;
	s16 =	simm.s32 $0x200;
	s17 =	simm.s32 $0xCC00  }
0x5: {  	s18 =	simm.s32 $0x300;
	s19 =	simm.s32 $0x13000;
	s20 =	simm.s32 $0x1  }
0x6: {  	s28 =	simm.s32 $0x8;
	[smem:$0x7FF] =	sst s2;
	s9 =	smul.u32 $0xC3500, s10  }
0x7: {  	s1 =	sand.u32 $0x1, s1;
	s7 =	sadd.s32 $0x251A00, s0;
	s21 =	smul.u32 $0xC350, s10  }
0x8: {  	s3 =	sshll.u32 s10, $0x1;
	_ =	strace $0x8000004A;
	s22 =	smul.u32 $0x61A8, s1  }
0x9: {  	s4 =	sor.u32 s1, s3;
	s6 =	ssub.s32 $0x2, s1;
	s1 =	smul.u32 $0x61A80, s1  }
0xa: {  	s29 =	simm.s32 $0x0;
	s3 =	sadd.s32 $0x376C00, s0;
	s5 =	smul.u32 $0x61A8, s4  }
0xb: {  	s0 =	sadd.s32 $0x106F200, s0;
	s4 =	smul.u32 $0x30D400, s4;
	s8 =	sshrl.u32 s6, $0x1  }
0xc: {  	s6 =	ssub.s32 s6, s8;
	s23 =	sadd.s32 s22, s21;
	s21 =	simm.s32 $0x2  }
0xd: {  	s22 =	simm.s32 $0x3;
	s5 =	sshrl.u32 s5, $0x3;
	s4 =	sshrl.u32 s4, $0x3  }
0xe: {  	s24 =	smax.u32 s6, $0x1;
	s25 =	sadd.s32 $0x24A158, s23;
	s8 =	sadd.s32 $0x24A090, s23  }
0xf: {  	s30 =	sadd.s32 $0x249FC8, s23;
	s5 =	sadd.s32 s7, s5;
	s4 =	sadd.s32 s0, s4  }
0x10: {  	s0 =	sadd.s32 s9, s0;
	[dreg:$0x5] =	wrdreg s24;
	s26 =	sshrl.u32 s25, $0x3  }
0x11: {  	s8 =	sshrl.u32 s8, $0x3;
	s24 =	simm.s32 $0x5;
	s5 =	sadd.s32 $0x49FFC, s5  }
0x12: {  	s25 =	simm.s32 $0x6;
	s4 =	sadd.s32 $0x60E00, s4;
	[dreg:$0x3] =	wrdreg s5  }
0x13: {  	s0 =	sadd.s32 s1, s0;
	s1 =	sadd.s32 s26, s7;
	[dreg:$0x4] =	wrdreg s4  }
0x14: {  	s26 =	simm.s32 $0x7;
	[dreg:$0x2] =	wrdreg s0;
	s4 =	sadd.s32 $0x249F00, s23  }
0x15: {  	s0 =	sshrl.u32 s30, $0x3;
	s23 =	simm.s32 $0x4;
	s31 =	sshrl.u32 s4, $0x3  }
0x16: {  	s4 =	sadd.s32 s8, s7;
	s9 =	sadd.s32 s0, s7;
	s10 =	sadd.s32 s31, s7  }
.LBB2_1:
0x17: {  	[tilespmem:s2], [sflag:$0x9] =	stream.linear.gather [hbm4b:s10+s2], $0xC8, $0x38;
	[tilespmem:$0x19400] =	vst v63  }
0x18: {  	_ =	swait.ge [sflag:s11], $0xC8  }
0x19: {  	[sflag:s11] =	ssyncset.done $0x0  }
0x1a: {  	[sflag:s11] =	ssyncadd.s32 $0xFFFFFF38  }
0x1b: {  	[tilespmem:s13], [sflag:$0x1] =	stream.indirect.gather [hbm4b:s3+s12], $0x80, s2, s12, $0xb8;
	[tilespmem:$0x19400] =	vst v63  }
0x1c: {  	_ = 	snop  }
0x1d: {  	[tilespmem:s14], [sflag:$0x9] =	stream.linear.gather [hbm4b:s9+s2], $0xC8, $0x38;
	[tilespmem:$0x19400] =	vst v63  }
0x1e: {  	_ =	swait.ge [sflag:s11], $0xC8  }
0x1f: {  	[sflag:s11] =	ssyncset.done $0x0  }
0x20: {  	[sflag:s11] =	ssyncadd.s32 $0xFFFFFF38  }
0x21: {  	[tilespmem:s15], [sflag:$0x2] =	stream.indirect.gather [hbm4b:s3+s12], $0x80, s14, s12, $0xb8;
	[tilespmem:$0x19400] =	vst v63  }
0x22: {  	_ = 	snop  }
0x23: {  	[tilespmem:s16], [sflag:$0x9] =	stream.linear.gather [hbm4b:s4+s2], $0xC8, $0x38;
	[tilespmem:$0x19400] =	vst v63  }
0x24: {  	_ =	swait.ge [sflag:s11], $0xC8  }
0x25: {  	[sflag:s11] =	ssyncset.done $0x0  }
0x26: {  	[sflag:s11] =	ssyncadd.s32 $0xFFFFFF38  }
0x27: {  	[tilespmem:s17], [sflag:$0x3] =	stream.indirect.gather [hbm4b:s3+s12], $0x80, s16, s12, $0xb8;
	[tilespmem:$0x19400] =	vst v63  }
0x28: {  	_ = 	snop  }
0x29: {  	[tilespmem:s18], [sflag:$0x9] =	stream.linear.gather [hbm4b:s1+s2], $0xC8, $0x38;
	[tilespmem:$0x19400] =	vst v63  }
0x2a: {  	_ =	swait.ge [sflag:s11], $0xC8  }
0x2b: {  	[sflag:s11] =	ssyncset.done $0x0  }
0x2c: {  	[sflag:s11] =	ssyncadd.s32 $0xFFFFFF38  }
0x2d: {  	[tilespmem:s19], [sflag:$0x4] =	stream.indirect.gather [hbm4b:s3+s12], $0x80, s18, s12, $0xb8;
	[tilespmem:$0x19400] =	vst v63  }
0x2e: {  	_ =	swait.ge [sflag:s20], $0x6400  }
0x2f: {  	s0 =	rddreg [dreg:$0x2];
	[sflag:s20] =	ssyncset.done $0x0  }
0x30: {  	[sflag:s20] =	ssyncadd.s32 $0xFFFF9C00;
	s0 =	sadd.s32 $0x0, s0  }
0x31: {  	[hbm4b:s0+s2] =	stream.linear.scatter [tilespmem:s13], [sflag:$0x5], $0x6400, $0x38;
	[tilespmem:$0x19400] =	vst v63  }
0x32: {  	_ =	swait.ge [sflag:s21], $0x6400  }
0x33: {  	[sflag:s21] =	ssyncset.done $0x0  }
0x34: {  	s7 =	sadd.s32 $0xC80, s0;
	[sflag:s21] =	ssyncadd.s32 $0xFFFF9C00  }
0x35: {  	[hbm4b:s7+s2] =	stream.linear.scatter [tilespmem:s15], [sflag:$0x6], $0x6400, $0x38;
	[tilespmem:$0x19400] =	vst v63  }
0x36: {  	_ =	swait.ge [sflag:s22], $0x6400  }
0x37: {  	[sflag:s22] =	ssyncset.done $0x0  }
0x38: {  	s8 =	sadd.s32 $0x1900, s0;
	[sflag:s22] =	ssyncadd.s32 $0xFFFF9C00  }
0x39: {  	[hbm4b:s8+s2] =	stream.linear.scatter [tilespmem:s17], [sflag:$0x7], $0x6400, $0x38;
	[tilespmem:$0x19400] =	vst v63  }
0x3a: {  	_ =	swait.ge [sflag:s23], $0x6400  }
0x3b: {  	[sflag:s23] =	ssyncset.done $0x0  }
0x3c: {  	s0 =	sadd.s32 $0x2580, s0;
	[sflag:s23] =	ssyncadd.s32 $0xFFFF9C00  }
0x3d: {  	[hbm4b:s0+s2] =	stream.linear.scatter [tilespmem:s19], [sflag:$0x8], $0x6400, $0x38;
	[tilespmem:$0x19400] =	vst v63  }
0x3e: {  	_ =	swait.ge [sflag:s24], $0x6400  }
0x3f: {  	[sflag:s24] =	ssyncset.done $0x0  }
0x40: {  	[sflag:s24] =	ssyncadd.s32 $0xFFFF9C00  }
0x41: {  	_ =	swait.ge [sflag:s25], $0x6400  }
0x42: {  	[sflag:s25] =	ssyncset.done $0x0  }
0x43: {  	[sflag:s25] =	ssyncadd.s32 $0xFFFF9C00  }
0x44: {  	_ =	swait.ge [sflag:s26], $0x6400  }
0x45: {  	[sflag:s26] =	ssyncset.done $0x0  }
0x46: {  	s30 =	simm.s32 $0x3200;
	[sflag:s26] =	ssyncadd.s32 $0xFFFF9C00  }
0x47: {  	s31 =	sadd.s32 $0x64, s9;
	s7 =	smov.u32 s1;
	_ =	swait.ge [sflag:s28], $0x6400  }
0x48: {  	s8 =	smov.u32 s4;
	s0 =	sadd.s32 $0x64, s10;
	[sflag:s28] =	ssyncset.done $0x0  }
.LBB2_2:
0x49: {  	[sflag:s28] =	ssyncadd.s32 $0xFFFF9C00  }
0x4a: {  	[tilespmem:s2], [sflag:$0x9] =	stream.linear.gather [hbm4b:s0+s2], $0xC8, $0x38;
	[tilespmem:$0x19400] =	vst v63  }
0x4b: {  	_ =	swait.ge [sflag:s11], $0xC8  }
0x4c: {  	[sflag:s11] =	ssyncset.done $0x0  }
0x4d: {  	[sflag:s11] =	ssyncadd.s32 $0xFFFFFF38  }
0x4e: {  	[tilespmem:s13], [sflag:$0x1] =	stream.indirect.gather [hbm4b:s3+s12], $0x80, s2, s12, $0xb8;
	[tilespmem:$0x19400] =	vst v63  }
0x4f: {  	_ = 	snop  }
0x50: {  	[tilespmem:s14], [sflag:$0x9] =	stream.linear.gather [hbm4b:s31+s2], $0xC8, $0x38;
	[tilespmem:$0x19400] =	vst v63  }
0x51: {  	_ =	swait.ge [sflag:s11], $0xC8  }
0x52: {  	[sflag:s11] =	ssyncset.done $0x0  }
0x53: {  	[sflag:s11] =	ssyncadd.s32 $0xFFFFFF38  }
0x54: {  	[tilespmem:s15], [sflag:$0x2] =	stream.indirect.gather [hbm4b:s3+s12], $0x80, s14, s12, $0xb8;
	[tilespmem:$0x19400] =	vst v63  }
0x55: {  	s8 =	sadd.s32 $0x64, s8  }
0x56: {  	[tilespmem:s16], [sflag:$0x9] =	stream.linear.gather [hbm4b:s8+s2], $0xC8, $0x38;
	[tilespmem:$0x19400] =	vst v63  }
0x57: {  	_ =	swait.ge [sflag:s11], $0xC8  }
0x58: {  	[sflag:s11] =	ssyncset.done $0x0  }
0x59: {  	[sflag:s11] =	ssyncadd.s32 $0xFFFFFF38  }
0x5a: {  	[tilespmem:s17], [sflag:$0x3] =	stream.indirect.gather [hbm4b:s3+s12], $0x80, s16, s12, $0xb8;
	[tilespmem:$0x19400] =	vst v63  }
0x5b: {  	s7 =	sadd.s32 $0x64, s7  }
0x5c: {  	[tilespmem:s18], [sflag:$0x9] =	stream.linear.gather [hbm4b:s7+s2], $0xC8, $0x38;
	[tilespmem:$0x19400] =	vst v63  }
0x5d: {  	_ =	swait.ge [sflag:s11], $0xC8  }
0x5e: {  	[sflag:s11] =	ssyncset.done $0x0  }
0x5f: {  	[sflag:s11] =	ssyncadd.s32 $0xFFFFFF38  }
0x60: {  	[tilespmem:s19], [sflag:$0x4] =	stream.indirect.gather [hbm4b:s3+s12], $0x80, s18, s12, $0xb8;
	[tilespmem:$0x19400] =	vst v63  }
0x61: {  	_ =	swait.ge [sflag:s20], $0x6400  }
0x62: {  	s5 =	smov.u32 s30;
	s6 =	rddreg [dreg:$0x2];
	[sflag:s20] =	ssyncset.done $0x0  }
0x63: {  	[sflag:s20] =	ssyncadd.s32 $0xFFFF9C00;
	s5 =	sadd.s32 s5, s6  }
0x64: {  	[hbm4b:s5+s2] =	stream.linear.scatter [tilespmem:s13], [sflag:$0x5], $0x6400, $0x38;
	[tilespmem:$0x19400] =	vst v63  }
0x65: {  	_ =	swait.ge [sflag:s21], $0x6400  }
0x66: {  	[sflag:s21] =	ssyncset.done $0x0  }
0x67: {  	s6 =	sadd.s32 $0xC80, s5;
	[sflag:s21] =	ssyncadd.s32 $0xFFFF9C00  }
0x68: {  	[hbm4b:s6+s2] =	stream.linear.scatter [tilespmem:s15], [sflag:$0x6], $0x6400, $0x38;
	[tilespmem:$0x19400] =	vst v63  }
0x69: {  	_ =	swait.ge [sflag:s22], $0x6400  }
0x6a: {  	[sflag:s22] =	ssyncset.done $0x0  }
0x6b: {  	s6 =	sadd.s32 $0x1900, s5;
	[sflag:s22] =	ssyncadd.s32 $0xFFFF9C00  }
0x6c: {  	[hbm4b:s6+s2] =	stream.linear.scatter [tilespmem:s17], [sflag:$0x7], $0x6400, $0x38;
	[tilespmem:$0x19400] =	vst v63  }
0x6d: {  	_ =	swait.ge [sflag:s23], $0x6400  }
0x6e: {  	[sflag:s23] =	ssyncset.done $0x0  }
0x6f: {  	s5 =	sadd.s32 $0x2580, s5;
	[sflag:s23] =	ssyncadd.s32 $0xFFFF9C00  }
0x70: {  	[hbm4b:s5+s2] =	stream.linear.scatter [tilespmem:s19], [sflag:$0x8], $0x6400, $0x38;
	[tilespmem:$0x19400] =	vst v63  }
0x71: {  	_ =	swait.ge [sflag:s24], $0x6400  }
0x72: {  	[sflag:s24] =	ssyncset.done $0x0  }
0x73: {  	[sflag:s24] =	ssyncadd.s32 $0xFFFF9C00  }
0x74: {  	_ =	swait.ge [sflag:s25], $0x6400  }
0x75: {  	[sflag:s25] =	ssyncset.done $0x0  }
0x76: {  	p0 =	sne.s32 s30, $0x5DC00;
	[sflag:s25] =	ssyncadd.s32 $0xFFFF9C00  }
.Ltmp0:
0x77: {  	_ =	swait.ge [sflag:s26], $0x6400;
	(pc) =	sbr.rel @p0 .LBB2_2-.Ltmp0, $4  }
0x78: {  	[sflag:s26] =	ssyncset.done $0x0  }
0x79: {  	[sflag:s26] =	ssyncadd.s32 $0xFFFF9C00  }
0x7a: {  	s30 =	sadd.s32 $0x3200, s30;
	_ =	swait.ge [sflag:s28], $0x6400  }
0x7b: {  	s0 =	sadd.s32 $0x64, s0;
	s31 =	sadd.s32 $0x64, s31;
	[sflag:s28] =	ssyncset.done $0x0  }
0x7c: {  	[sflag:s28] =	ssyncadd.s32 $0xFFFF9C00;
	s0 =	rddreg [dreg:$0x3]  }
0x7d: {  	[tilespmem:s2], [sflag:$0x9] =	stream.linear.gather [hbm4b:s0+s2], $0xC8, $0x38;
	[tilespmem:$0x19400] =	vst v63  }
0x7e: {  	_ =	swait.ge [sflag:s11], $0xC8  }
0x7f: {  	[sflag:s11] =	ssyncset.done $0x0  }
0x80: {  	[sflag:s11] =	ssyncadd.s32 $0xFFFFFF38  }
0x81: {  	[tilespmem:s13], [sflag:$0x1] =	stream.indirect.gather [hbm4b:s3+s12], $0x80, s2, s12, $0xb8;
	[tilespmem:$0x19400] =	vst v63  }
0x82: {  	_ =	swait.ge [sflag:s20], $0x6400  }
0x83: {  	[sflag:s20] =	ssyncset.done $0x0  }
0x84: {  	s30 =	rddreg [dreg:$0x4];
	[sflag:s20] =	ssyncadd.s32 $0xFFFF9C00  }
0x85: {  	[hbm4b:s30+s2] =	stream.linear.scatter [tilespmem:s13], [sflag:$0x9], $0x6400, $0x38;
	[tilespmem:$0x19400] =	vst v63  }
0x86: {  	_ =	swait.ge [sflag:s11], $0x6400  }
0x87: {  	s29 =	sadd.s32 $0x1, s29;
	s31 =	rddreg [dreg:$0x5]  }
0x88: {  	p0 =	sne.s32 s29, s31  }
.Ltmp1:
0x89: {  	_ = 	snop;
	(pc) =	sbr.rel @p0 .LBB2_1-.Ltmp1, $3  }
0x8a: {  	_ =	sdelay $0x1  }
0x8b: {  	[sflag:s11] =	ssyncset.done $0x0  }
0x8c: {  	[sflag:s11] =	ssyncadd.s32 $0xFFFF9C00  }
0x8d: {  	_ =	sfence.sel $0x180000  }
0x8e: {  	[bflag:$0x0] =	sbarrier.arrive $0xFFFF  }
0x8f: {  	_ =	strace $0x9000004A  }
0x90: {  	s0 =	stileid.u32;
	[bflag:$0x2] =	sbarrier.arrive $0xFFFF  }
0x91: {  	p0 =	sne.s32 s0, $0x0;
	s0 =	rddreg [dreg:$0x1]  }
0x92: {  	s0 =	sadd.s32 @!p0 $0x100000, s0  }
0x93: {  	[sflag:s0] =	ssyncadd.tile.s32 @!p0 $0x1;
	_ =	shalt  }
.Lfunc_end2:
_tile_overlayer_lowered:
.L_overlay_start_2:
0x94: {  	(tag) =	ssettag $0x2  }
0x95: {  	s0 =	rddreg [dreg:$0x0];
	s2 =	stileid.u32  }
0x96: {  	s1 =	rddreg [dreg:$0x1];
	p0 =	sne.s32 s2, $0x0  }
0x97: {  	s3 =	rddreg [dreg:$0x2];
	[bflag:$0x3] =	sbarrier.arrive $0xFFFF;
	s2 =	simm.s32 @!p0 $0x1C09  }
0x98: {  	[timem:s3], [sflag:s2] =	dma.local @!p0 [hbm:s0], s1  }
0x99: {  	s0 =	simm.s32 @!p0 $0x9  }
0x9a: {  	_ =	swait.ge @!p0 [sflag:s0], s1  }
0x9b: {  	s1 =	ssub.s32 @!p0 $0x0, s1;
	[sflag:s0] =	ssyncset.done @!p0 $0x0  }
0x9c: {  	[sflag:s0] =	ssyncadd.s32 @!p0 s1  }
0x9d: {  	[bflag:$0x3] =	sbarrier.arrive $0xFFFF  }
0x9e: {  	_ =	shalt  }

// kernel: kernel.9.cloned.1.call-start
scs
__scs_entry_jumppad:
0x0: {  	(pc) =	sbr.rel $0x88, $3  }
0x1: {  	(tag) =	ssettag $0x0;
	lr =	simm.s32 $0x1  }
0x2: {  	[smem:$0x3F7D] =	sst lr;
	_ =	strace $0xD0000000  }
0x3: {  	_ = 	snop  }
0x4: {  	_ = 	snop  }
0x5: {  	_ = 	snop  }
0x6: {  	_ = 	snop  }
0x7: {  	_ = 	snop  }
__scs_overlays_trampoline_lowered:
0x8: {  	[smem:$0x3F8C] =	sst s0  }
0x9: {  	[smem:$0x3F8D] =	sst s1  }
0xa: {  	[smem:$0x3F8E] =	sst s2  }
0xb: {  	[smem:$0x3F8F] =	sst s3  }
0xc: {  	[smem:$0x3F90] =	sst s4  }
0xd: {  	[smem:$0x3F91] =	sst s5  }
0xe: {  	[smem:$0x3F92] =	sst s6  }
0xf: {  	[smem:$0x3F93] =	sst s7  }
0x10: {  	[smem:$0x3F94] =	sst s8  }
0x11: {  	[smem:$0x3F95] =	sst s9;
	s0 =	simm.s32 @!p0 $0x0  }
0x12: {  	s1 =	sld [smem:$0x3F7B];
	s0 =	simm.s32 @p0 $0x1  }
0x13: {  	[smem:$0x3F96] =	sst s0;
	s0 =	simm.s32 @!p1 $0x0  }
0x14: {  	s2 =	sld [smem:$0x3F7A];
	s0 =	simm.s32 @p1 $0x1  }
0x15: {  	[smem:$0x3F97] =	sst s0;
	s0 =	simm.s32 @!p2 $0x0  }
0x16: {  	s3 =	sld [smem:$0x3FDB];
	s0 =	simm.s32 @p2 $0x1  }
0x17: {  	s4 =	simm.s32 $0x1BF5;
	[smem:$0x3F99] =	sst s0  }
0x18: {  	s0 =	sld [smem:$0x3F7C];
	_ =	swait.ge [sflag:s4], $0x0  }
0x19: {  	s7 =	sld [smem:$0x3F7D]  }
0x1a: {  	s8 =	sadd.s32 $0xFFFFE003, lr  }
0x1b: {  	s9 =	sadd.s32 $0xFFFFFEF7, lr;
	s5 =	simm.s32 $0xFFFFFFFF;
	p2 =	slt.u32 s8, $0xFFFFF086  }
0x1c: {  	p1 =	slt.u32 s9, $0xF7A;
	s5 =	simm.s32 @!p2 $0x0  }
0x1d: {  	s5 =	simm.s32 @p1 $0x1;
	p0 =	seq.s32 s7, s2  }
0x1e: {  	s7 =	smul.u32 @!p0 $0xF7A, s2;
	p2 =	seq.s32 @!p0 s5, $0x0  }
0x1f: {  	s9 =	smul.u32 $0xF7A, s1;
	s8 =	simm.s32 @!p0 $0x1BF5;
	p2 =	por !p2, p0  }
0x20: {  	[sflag:s8] =	ssyncset.s32 @!p0 $0xFFFFF086;
	s6 =	sadd.s32 @!p0 s3, s7;
	s7 =	simm.s32 @!p0 $0x108  }
0x21: {  	s3 =	sadd.s32 s3, s9;
	s6 =	sadd.s32 @!p0 $0x88, s6;
	s7 =	simm.s32 @p2 $0x1082  }
0x22: {  	[simem:s7], [sflag:s8] =	dma.local @!p0 [hbm:s6], $0xF7A  }
0x23: {  	s9 =	sor.u32 $0xD0000000, s2;
	s6 =	simm.s32 $0x108;
	_ =	swait.ge @!p0 [sflag:s8], $0x0  }
0x24: {  	s3 =	sadd.s32 $0x88, s3;
	s6 =	simm.s32 @!p1 $0x1082;
	[sflag:s4] =	ssyncset.s32 $0xFFFFF086  }
0x25: {  	[simem:s6], [sflag:s4] =	dma.local [hbm:s3], $0xF7A  }
0x26: {  	[smem:$0x3F7D] =	sst s1;
	(tag) =	ssettag s2;
	_ =	strace s9  }
0x27: {  	s1 =	sld [smem:$0x3F8D]  }
0x28: {  	s2 =	sld [smem:$0x3F8E]  }
0x29: {  	s4 =	sld [smem:$0x3F90]  }
0x2a: {  	p0 =	seq.s32 s5, $0x0;
	s5 =	sld [smem:$0x3F91]  }
0x2b: {  	s6 =	sld [smem:$0x3F92]  }
0x2c: {  	s7 =	sld [smem:$0x3F93]  }
0x2d: {  	s3 =	simm.s32 $0x108;
	s8 =	sld [smem:$0x3F94]  }
0x2e: {  	s3 =	simm.s32 @!p0 $0x1082;
	s9 =	sld [smem:$0x3F95]  }
0x2f: {  	lr =	sadd.s32 s0, s3;
	s0 =	sld [smem:$0x3F8C]  }
0x30: {  	s3 =	sld [smem:$0x3F8F]  }
0x31: {  	[smem:$0x3F98] =	sst s10  }
0x32: {  	s10 =	sld [smem:$0x3F96];
	_ =	sdelay $0x3  }
0x33: {  	p0 =	seq.s32 s10, $0x1;
	s10 =	sld [smem:$0x3F98];
	_ =	sdelay $0x3  }
0x34: {  	[smem:$0x3F98] =	sst s10  }
0x35: {  	s10 =	sld [smem:$0x3F97];
	_ =	sdelay $0x3  }
0x36: {  	p1 =	seq.s32 s10, $0x1;
	s10 =	sld [smem:$0x3F98];
	_ =	sdelay $0x3  }
0x37: {  	[smem:$0x3F98] =	sst s10  }
0x38: {  	s10 =	sld [smem:$0x3F99]  }
0x39: {  	_ = 	snop;
	(pc) =	sbr.ind lr, $3  }
0x3a: {  	_ = 	snop  }
0x3b: {  	_ = 	snop  }
0x3c: {  	p2 =	seq.s32 s10, $0x1;
	s10 =	sld [smem:$0x3F98]  }
0x3d: {  	_ =	shalt  }
0x3e: {  	_ =	shalt  }
0x3f: {  	_ =	shalt  }
0x40: {  	_ =	shalt  }
0x41: {  	_ =	shalt  }
0x42: {  	_ =	shalt  }
0x43: {  	_ =	shalt  }
0x44: {  	_ =	shalt  }
0x45: {  	_ =	shalt  }
0x46: {  	_ =	shalt  }
0x47: {  	_ =	shalt  }
0x48: {  	_ =	shalt  }
0x49: {  	_ =	shalt  }
0x4a: {  	_ =	shalt  }
0x4b: {  	_ =	shalt  }
0x4c: {  	_ =	shalt  }
0x4d: {  	_ =	shalt  }
0x4e: {  	_ =	shalt  }
0x4f: {  	_ =	shalt  }
0x50: {  	_ =	shalt  }
0x51: {  	_ =	shalt  }
0x52: {  	_ =	shalt  }
0x53: {  	_ =	shalt  }
0x54: {  	_ =	shalt  }
0x55: {  	_ =	shalt  }
0x56: {  	_ =	shalt  }
0x57: {  	_ =	shalt  }
0x58: {  	_ =	shalt  }
0x59: {  	_ =	shalt  }
0x5a: {  	_ =	shalt  }
0x5b: {  	_ =	shalt  }
0x5c: {  	_ =	shalt  }
0x5d: {  	_ =	shalt  }
0x5e: {  	_ =	shalt  }
0x5f: {  	_ =	shalt  }
0x60: {  	_ =	shalt  }
0x61: {  	_ =	shalt  }
0x62: {  	_ =	shalt  }
0x63: {  	_ =	shalt  }
0x64: {  	_ =	shalt  }
0x65: {  	_ =	shalt  }
0x66: {  	_ =	shalt  }
0x67: {  	_ =	shalt  }
0x68: {  	_ =	shalt  }
0x69: {  	_ =	shalt  }
0x6a: {  	_ =	shalt  }
0x6b: {  	_ =	shalt  }
0x6c: {  	_ =	shalt  }
0x6d: {  	_ =	shalt  }
0x6e: {  	_ =	shalt  }
0x6f: {  	_ =	shalt  }
0x70: {  	_ =	shalt  }
0x71: {  	_ =	shalt  }
0x72: {  	_ =	shalt  }
0x73: {  	_ =	shalt  }
0x74: {  	_ =	shalt  }
0x75: {  	_ =	shalt  }
0x76: {  	_ =	shalt  }
0x77: {  	_ =	shalt  }
0x78: {  	_ =	shalt  }
0x79: {  	_ =	shalt  }
0x7a: {  	_ =	shalt  }
0x7b: {  	_ =	shalt  }
0x7c: {  	_ =	shalt  }
0x7d: {  	_ =	shalt  }
0x7e: {  	_ =	shalt  }
0x7f: {  	_ =	shalt  }
0x80: {  	_ =	shalt  }
0x81: {  	_ =	shalt  }
0x82: {  	_ =	shalt  }
0x83: {  	_ =	shalt  }
0x84: {  	_ =	shalt  }
0x85: {  	_ =	shalt  }
0x86: {  	_ =	shalt  }
0x87: {  	_ =	shalt  }
.Lfunc_end0:
.L_simem_size_0:
called_computation_lowered:
.L_overlay_start_0:
0x88: {  	s2 =	sld [smem:$0x3FD9]  }
0x89: {  	s3 =	sld [smem:$0x3FFE];
	_ =	sdelay $0x1  }
0x8a: {  	s1 =	srdreg.scid  }
0x8b: {  	s0 =	sand.u32 $0x1, s1  }
0x8c: {  	s17 =	sshll.u32 s0, $0xA;
	s2 =	sadd.s32 s3, s2  }
0x8d: {  	s2 =	sadd.s32 s2, s17  }
0x8e: {  	[smem:$0x3FA4] =	sst s2  }
0x8f: {  	_ = 	snop  }
0x90: {  	(tm) =	ssettm $0x1  }
0x91: {  	s18 =	sld [smem:$0x3FFB];
	_ =	sdelay $0x3  }
0x92: {  	_ =	strace s18  }
0x93: {  	s2 =	sld [smem:$0x3FFC];
	_ =	sdelay $0x3  }
0x94: {  	_ =	strace s2  }
0x95: {  	s2 =	sld [smem:$0x3FFD];
	_ =	sdelay $0x3  }
0x96: {  	_ =	strace s2  }
0x97: {  	_ =	strace $0x8FFFFFFF  }
0x98: {  	s19 =	sld [smem:$0x3FDB];
	_ =	sdelay $0x1  }
0x99: {  	s20 =	simm.s32 $_scs_section_size  }
0x9a: {  	s4 =	simm.s32 $_size__tile_overlayer_lowered;
	s5 =	simm.s32 $_tile_overlayer_lowered  }
0x9b: {  	s6 =	simm.s32 $0x1BFF;
	s21 =	sshll.u32 s5, $0x1;
	s3 =	sadd.s32 s20, s19  }
0x9c: {  	s22 =	simm.s32 $0x0;
	s4 =	sshll.u32 s4, $0x1;
	s5 =	sadd.s32 s21, s3  }
0x9d: {  	[timem:s22], [sflag:s6] =	dma.local [hbm:s5], s4  }
0x9e: {  	_ =	swait.ge [sflag:s6], s4  }
0x9f: {  	s4 =	ssub.s32 $0x0, s4;
	[sflag:s6] =	ssyncset.done $0x0  }
0xa0: {  	[sflag:s6] =	ssyncadd.s32 s4;
	_ =	sdelay $0x1  }
0xa1: {  	s23 =	simm.s32 $0x1B8B  }
0xa2: {  	_ =	swait.ge [sflag:s23], $0x1  }
0xa3: {  	[sflag:s23] =	ssyncset.done $0x0  }
0xa4: {  	[sflag:s23] =	ssyncadd.s32 $0xFFFFFFFF  }
0xa5: {  	s4 =	sld [smem:$0x0]  }
0xa6: {  	s5 =	sand.u32 $0xFFFFFFFE, s1  }
0xa7: {  	p0 =	sne.s32 s1, s5  }
0xa8: {  	s5 =	sshll.u32 @p0 s5, $0xE  }
0xa9: {  	s5 =	sadd.s32 @p0 $0x11B8D, s5;
	s6 =	sshll.u32 @p0 s4, $0x11  }
0xaa: {  	s5 =	sor.u32 @p0 s6, s5  }
0xab: {  	[sflag:s5] =	ssyncadd.remote.s32 @p0 $0x1;
	_ =	sdelay $0x1  }
0xac: {  	s5 =	simm.s32 @p0 $0x1B8D  }
0xad: {  	_ =	swait.eq @p0 [sflag:s5], $0x1  }
0xae: {  	[sflag:s5] =	ssyncadd.s32 @p0 $0xFFFFFFFF  }
0xaf: {  	s6 =	sshll.u32 @!p0 s1, $0xE  }
0xb0: {  	s6 =	sor.u32 @!p0 $0x4000, s6;
	s5 =	simm.s32 @!p0 $0x1B8D  }
0xb1: {  	s4 =	sshll.u32 @!p0 s4, $0x11;
	s6 =	sadd.s32 @!p0 $0x11B8D, s6;
	_ =	swait.eq @!p0 [sflag:s5], $0x1  }
0xb2: {  	s4 =	sor.u32 @!p0 s4, s6;
	[sflag:s5] =	ssyncadd.s32 @!p0 $0xFFFFFFFF  }
0xb3: {  	s25 =	simm.s32 $0x1B8E;
	s24 =	sld [smem:$0x3FFE];
	[sflag:s4] =	ssyncadd.remote.s32 @!p0 $0x1  }
0xb4: {  	s26 =	simm.s32 $execute0_lowered;
	[smem:$0x3FD2] =	sst s25  }
0xb5: {  	s5 =	sshll.u32 s26, $0x1;
	_ =	strace $0x8000004C;
	[dreg:$0x1] =	wrdreg $0xFFFFFFFF  }
0xb6: {  	s28 =	simm.s32 $_size_execute0_lowered;
	s3 =	sadd.s32 s3, s5;
	[dreg:$0x0] =	wrdreg $0x0  }
0xb7: {  	s5 =	sshll.u32 s28, $0x1;
	[dreg:$0x2] =	wrdreg s3  }
0xb8: {  	[dreg:$0x3] =	wrdreg s5  }
0xb9: {  	[dreg:$0x4] =	wrdreg $0xC0  }
0xba: {  	_ =	task [dreg:s22], $0x5FFFF  }
0xbb: {  	[dreg:$0x1] =	wrdreg $0xFFFFFFFF  }
0xbc: {  	[dreg:$0x0] =	wrdreg $0x60  }
0xbd: {  	[dreg:$0x2] =	wrdreg s24  }
0xbe: {  	[dreg:$0x3] =	wrdreg $0x9  }
0xbf: {  	_ =	task.clear_ibuf [dreg:s22], $0x4FFFF;
	_ =	strace $0x9000004C  }
0xc0: {  	s29 =	simm.s32 $0x9;
	_ =	strace $0x8000004E  }
0xc1: {  	_ =	swait.ge [sflag:s29], $0x1  }
0xc2: {  	[sflag:s29] =	ssyncadd.s32 $0xFFFFFFFF  }
0xc3: {  	_ =	strace $0x9000004E  }
0xc4: {  	_ =	sfence  }
0xc5: {  	s30 =	sld [smem:$0x0];
	_ =	sdelay $0x2  }
0xc6: {  	s31 =	sshll.u32 s1, $0xD;
	s1 =	sshrl.u32 s1, $0x2  }
0xc7: {  	s4 =	sand.u32 $0x4000, s31;
	s1 =	sadd.s32 s1, s30  }
0xc8: {  	s0 =	sor.u32 s4, s0;
	s1 =	sshll.u32 s1, $0x11  }
0xc9: {  	s0 =	sor.u32 s1, s0  }
0xca: {  	s0 =	sadd.s32 $0x8F2B, s0  }
0xcb: {  	[sflag:s0] =	ssyncadd.remote.s32 $0x1  }
0xcc: {  	_ =	sfence.sel $0xFFFF  }
0xcd: {  	[dreg:$0x0] =	wrdreg $0xFFFFFFFF;
	(pc) =	sbr.abs _section_cstart, $3  }
0xce: {  	[dreg:$0x1] =	wrdreg $0xFFFFFFFF  }
0xcf: {  	_ =	task.clear_ibuf [dreg:s22], $0x2FFFF;
	_ =	strace $0x9FFFFFFF  }
0xd0: {  	(tm) =	ssettm $0x7FFFFFFF  }
0xd1: {  	_ =	shalt  }
tec
execute0_lowered:
.L_overlay_start_1:
0x0: {  	(tag) =	ssettag $0x1  }
0x1: {  	s0 =	rddreg [dreg:$0x0]  }
0x2: {  	s1 =	srdreg.scid;
	s10 =	stileid.u32  }
0x3: {  	s2 =	simm.s32 $0x0;
	s13 =	simm.s32 $0x9;
	s14 =	simm.s32 $0xC8  }
0x4: {  	s15 =	simm.s32 $0x400;
	s16 =	simm.s32 $0x100;
	s28 =	simm.s32 $0x6  }
0x5: {  	s29 =	simm.s32 $0x7;
	s30 =	simm.s32 $0x8;
	s8 =	smul.u32 $0x186A00, s10  }
0x6: {  	s1 =	sand.u32 $0x1, s1;
	s3 =	sshll.u32 s10, $0x1;
	s18 =	smul.u32 $0x186A0, s10  }
0x7: {  	[smem:$0x7FF] =	sst s2;
	s9 =	sadd.s32 $0x251A00, s0;
	s11 =	smul.u32 $0xC350, s1  }
0x8: {  	s3 =	sor.u32 s1, s3;
	s5 =	ssub.s32 $0x2, s1;
	s1 =	smul.u32 $0xC3500, s1  }
0x9: {  	s31 =	simm.s32 $0x0;
	_ =	strace $0x8000004D;
	s4 =	smul.u32 $0xC350, s3  }
0xa: {  	s3 =	sadd.s32 $0x376C00, s0;
	s0 =	sadd.s32 $0x1CA4200, s0;
	s6 =	sshrl.u32 s5, $0x1  }
0xb: {  	s5 =	ssub.s32 s5, s6;
	s8 =	sadd.s32 s8, s0;
	s7 =	sadd.s32 $0xC1C0, s4  }
0xc: {  	s4 =	sadd.s32 $0xC288, s4;
	s21 =	sadd.s32 s1, s8;
	s23 =	smax.u32 s5, $0x1  }
0xd: {  	s17 =	sshrl.u32 s7, $0x3;
	s7 =	sshll.u32 s7, $0x4;
	[dreg:$0x7] =	wrdreg s23  }
0xe: {  	s19 =	sshrl.u32 s4, $0x3;
	s4 =	sshll.u32 s4, $0x4;
	[dreg:$0x2] =	wrdreg s21  }
0xf: {  	s21 =	simm.s32 $0x13000;
	s23 =	simm.s32 $0x2;
	s6 =	sadd.s32 s9, s17  }
0x10: {  	s7 =	sadd.s32 s0, s7;
	s20 =	sadd.s32 s9, s19;
	[dreg:$0x3] =	wrdreg s6  }
0x11: {  	s0 =	sadd.s32 s0, s4;
	s17 =	simm.s32 $0x6800;
	[dreg:$0x4] =	wrdreg s7  }
0x12: {  	s19 =	simm.s32 $0xCC00;
	[dreg:$0x5] =	wrdreg s20;
	s6 =	sadd.s32 s11, s18  }
0x13: {  	[dreg:$0x6] =	wrdreg s0;
	s18 =	simm.s32 $0x200;
	s20 =	simm.s32 $0x300  }
0x14: {  	s22 =	sshrl.u32 s6, $0x3;
	s24 =	sadd.s32 $0x258, s6;
	s25 =	sadd.s32 $0x190, s6  }
0x15: {  	s26 =	sadd.s32 $0xC8, s6;
	s5 =	sadd.s32 s22, s9;
	s0 =	sshrl.u32 s24, $0x3  }
0x16: {  	s1 =	sshrl.u32 s25, $0x3;
	s4 =	sshrl.u32 s26, $0x3;
	s22 =	simm.s32 $0x1  }
0x17: {  	s24 =	simm.s32 $0x3;
	s25 =	simm.s32 $0x4;
	s26 =	simm.s32 $0x5  }
0x18: {  	s6 =	sadd.s32 s0, s9;
	s11 =	sadd.s32 s1, s9;
	s12 =	sadd.s32 s4, s9  }
.LBB2_1:
0x19: {  	[tilespmem:s2], [sflag:$0x9] =	stream.linear.gather [hbm4b:s5+s2], $0xC8, $0x38;
	[tilespmem:$0x19400] =	vst v63  }
0x1a: {  	_ =	swait.ge [sflag:s13], $0xC8  }
0x1b: {  	[sflag:s13] =	ssyncset.done $0x0  }
0x1c: {  	[sflag:s13] =	ssyncadd.s32 $0xFFFFFF38  }
0x1d: {  	[tilespmem:s15], [sflag:$0x1] =	stream.indirect.gather [hbm4b:s3+s14], $0x80, s2, s14, $0xb8;
	[tilespmem:$0x19400] =	vst v63  }
0x1e: {  	_ = 	snop  }
0x1f: {  	[tilespmem:s16], [sflag:$0x9] =	stream.linear.gather [hbm4b:s12+s2], $0xC8, $0x38;
	[tilespmem:$0x19400] =	vst v63  }
0x20: {  	_ =	swait.ge [sflag:s13], $0xC8  }
0x21: {  	[sflag:s13] =	ssyncset.done $0x0  }
0x22: {  	[sflag:s13] =	ssyncadd.s32 $0xFFFFFF38  }
0x23: {  	[tilespmem:s17], [sflag:$0x2] =	stream.indirect.gather [hbm4b:s3+s14], $0x80, s16, s14, $0xb8;
	[tilespmem:$0x19400] =	vst v63  }
0x24: {  	_ = 	snop  }
0x25: {  	[tilespmem:s18], [sflag:$0x9] =	stream.linear.gather [hbm4b:s11+s2], $0xC8, $0x38;
	[tilespmem:$0x19400] =	vst v63  }
0x26: {  	_ =	swait.ge [sflag:s13], $0xC8  }
0x27: {  	[sflag:s13] =	ssyncset.done $0x0  }
0x28: {  	[sflag:s13] =	ssyncadd.s32 $0xFFFFFF38  }
0x29: {  	[tilespmem:s19], [sflag:$0x3] =	stream.indirect.gather [hbm4b:s3+s14], $0x80, s18, s14, $0xb8;
	[tilespmem:$0x19400] =	vst v63  }
0x2a: {  	_ = 	snop  }
0x2b: {  	[tilespmem:s20], [sflag:$0x9] =	stream.linear.gather [hbm4b:s6+s2], $0xC8, $0x38;
	[tilespmem:$0x19400] =	vst v63  }
0x2c: {  	_ =	swait.ge [sflag:s13], $0xC8  }
0x2d: {  	[sflag:s13] =	ssyncset.done $0x0  }
0x2e: {  	[sflag:s13] =	ssyncadd.s32 $0xFFFFFF38  }
0x2f: {  	[tilespmem:s21], [sflag:$0x4] =	stream.indirect.gather [hbm4b:s3+s14], $0x80, s20, s14, $0xb8;
	[tilespmem:$0x19400] =	vst v63  }
0x30: {  	_ =	swait.ge [sflag:s22], $0x6400  }
0x31: {  	s0 =	rddreg [dreg:$0x2];
	[sflag:s22] =	ssyncset.done $0x0  }
0x32: {  	[sflag:s22] =	ssyncadd.s32 $0xFFFF9C00;
	s0 =	sadd.s32 $0x0, s0  }
0x33: {  	[hbm4b:s0+s2] =	stream.linear.scatter [tilespmem:s15], [sflag:$0x5], $0x6400, $0x38;
	[tilespmem:$0x19400] =	vst v63  }
0x34: {  	_ =	swait.ge [sflag:s23], $0x6400  }
0x35: {  	[sflag:s23] =	ssyncset.done $0x0  }
0x36: {  	s1 =	sadd.s32 $0xC80, s0;
	[sflag:s23] =	ssyncadd.s32 $0xFFFF9C00  }
0x37: {  	[hbm4b:s1+s2] =	stream.linear.scatter [tilespmem:s17], [sflag:$0x6], $0x6400, $0x38;
	[tilespmem:$0x19400] =	vst v63  }
0x38: {  	_ =	swait.ge [sflag:s24], $0x6400  }
0x39: {  	[sflag:s24] =	ssyncset.done $0x0  }
0x3a: {  	s10 =	sadd.s32 $0x1900, s0;
	[sflag:s24] =	ssyncadd.s32 $0xFFFF9C00  }
0x3b: {  	[hbm4b:s10+s2] =	stream.linear.scatter [tilespmem:s19], [sflag:$0x7], $0x6400, $0x38;
	[tilespmem:$0x19400] =	vst v63  }
0x3c: {  	_ =	swait.ge [sflag:s25], $0x6400  }
0x3d: {  	[sflag:s25] =	ssyncset.done $0x0  }
0x3e: {  	s0 =	sadd.s32 $0x2580, s0;
	[sflag:s25] =	ssyncadd.s32 $0xFFFF9C00  }
0x3f: {  	[hbm4b:s0+s2] =	stream.linear.scatter [tilespmem:s21], [sflag:$0x8], $0x6400, $0x38;
	[tilespmem:$0x19400] =	vst v63  }
0x40: {  	_ =	swait.ge [sflag:s26], $0x6400  }
0x41: {  	[sflag:s26] =	ssyncset.done $0x0  }
0x42: {  	[sflag:s26] =	ssyncadd.s32 $0xFFFF9C00  }
0x43: {  	_ =	swait.ge [sflag:s28], $0x6400  }
0x44: {  	[sflag:s28] =	ssyncset.done $0x0  }
0x45: {  	[sflag:s28] =	ssyncadd.s32 $0xFFFF9C00  }
0x46: {  	_ =	swait.ge [sflag:s29], $0x6400  }
0x47: {  	[sflag:s29] =	ssyncset.done $0x0  }
0x48: {  	s4 =	sadd.s32 $0x64, s12;
	[sflag:s29] =	ssyncadd.s32 $0xFFFF9C00  }
0x49: {  	s9 =	smov.u32 s5;
	s1 =	sadd.s32 $0x64, s11;
	_ =	swait.ge [sflag:s30], $0x6400  }
0x4a: {  	s10 =	smov.u32 s6;
	s0 =	simm.s32 $0x3200;
	[sflag:s30] =	ssyncset.done $0x0  }
.LBB2_2:
0x4b: {  	[sflag:s30] =	ssyncadd.s32 $0xFFFF9C00;
	s9 =	sadd.s32 $0x64, s9  }
0x4c: {  	[tilespmem:s2], [sflag:$0x9] =	stream.linear.gather [hbm4b:s9+s2], $0xC8, $0x38;
	[tilespmem:$0x19400] =	vst v63  }
0x4d: {  	_ =	swait.ge [sflag:s13], $0xC8  }
0x4e: {  	[sflag:s13] =	ssyncset.done $0x0  }
0x4f: {  	[sflag:s13] =	ssyncadd.s32 $0xFFFFFF38  }
0x50: {  	[tilespmem:s15], [sflag:$0x1] =	stream.indirect.gather [hbm4b:s3+s14], $0x80, s2, s14, $0xb8;
	[tilespmem:$0x19400] =	vst v63  }
0x51: {  	_ = 	snop  }
0x52: {  	[tilespmem:s16], [sflag:$0x9] =	stream.linear.gather [hbm4b:s4+s2], $0xC8, $0x38;
	[tilespmem:$0x19400] =	vst v63  }
0x53: {  	_ =	swait.ge [sflag:s13], $0xC8  }
0x54: {  	[sflag:s13] =	ssyncset.done $0x0  }
0x55: {  	[sflag:s13] =	ssyncadd.s32 $0xFFFFFF38  }
0x56: {  	[tilespmem:s17], [sflag:$0x2] =	stream.indirect.gather [hbm4b:s3+s14], $0x80, s16, s14, $0xb8;
	[tilespmem:$0x19400] =	vst v63  }
0x57: {  	_ = 	snop  }
0x58: {  	[tilespmem:s18], [sflag:$0x9] =	stream.linear.gather [hbm4b:s1+s2], $0xC8, $0x38;
	[tilespmem:$0x19400] =	vst v63  }
0x59: {  	_ =	swait.ge [sflag:s13], $0xC8  }
0x5a: {  	[sflag:s13] =	ssyncset.done $0x0  }
0x5b: {  	[sflag:s13] =	ssyncadd.s32 $0xFFFFFF38  }
0x5c: {  	[tilespmem:s19], [sflag:$0x3] =	stream.indirect.gather [hbm4b:s3+s14], $0x80, s18, s14, $0xb8;
	[tilespmem:$0x19400] =	vst v63  }
0x5d: {  	s10 =	sadd.s32 $0x64, s10  }
0x5e: {  	[tilespmem:s20], [sflag:$0x9] =	stream.linear.gather [hbm4b:s10+s2], $0xC8, $0x38;
	[tilespmem:$0x19400] =	vst v63  }
0x5f: {  	_ =	swait.ge [sflag:s13], $0xC8  }
0x60: {  	[sflag:s13] =	ssyncset.done $0x0  }
0x61: {  	[sflag:s13] =	ssyncadd.s32 $0xFFFFFF38  }
0x62: {  	[tilespmem:s21], [sflag:$0x4] =	stream.indirect.gather [hbm4b:s3+s14], $0x80, s20, s14, $0xb8;
	[tilespmem:$0x19400] =	vst v63  }
0x63: {  	_ =	swait.ge [sflag:s22], $0x6400  }
0x64: {  	s7 =	smov.u32 s0;
	s8 =	rddreg [dreg:$0x2];
	[sflag:s22] =	ssyncset.done $0x0  }
0x65: {  	[sflag:s22] =	ssyncadd.s32 $0xFFFF9C00;
	s7 =	sadd.s32 s7, s8  }
0x66: {  	[hbm4b:s7+s2] =	stream.linear.scatter [tilespmem:s15], [sflag:$0x5], $0x6400, $0x38;
	[tilespmem:$0x19400] =	vst v63  }
0x67: {  	_ =	swait.ge [sflag:s23], $0x6400  }
0x68: {  	[sflag:s23] =	ssyncset.done $0x0  }
0x69: {  	s8 =	sadd.s32 $0xC80, s7;
	[sflag:s23] =	ssyncadd.s32 $0xFFFF9C00  }
0x6a: {  	[hbm4b:s8+s2] =	stream.linear.scatter [tilespmem:s17], [sflag:$0x6], $0x6400, $0x38;
	[tilespmem:$0x19400] =	vst v63  }
0x6b: {  	_ =	swait.ge [sflag:s24], $0x6400  }
0x6c: {  	[sflag:s24] =	ssyncset.done $0x0  }
0x6d: {  	s8 =	sadd.s32 $0x1900, s7;
	[sflag:s24] =	ssyncadd.s32 $0xFFFF9C00  }
0x6e: {  	[hbm4b:s8+s2] =	stream.linear.scatter [tilespmem:s19], [sflag:$0x7], $0x6400, $0x38;
	[tilespmem:$0x19400] =	vst v63  }
0x6f: {  	_ =	swait.ge [sflag:s25], $0x6400  }
0x70: {  	[sflag:s25] =	ssyncset.done $0x0  }
0x71: {  	s7 =	sadd.s32 $0x2580, s7;
	[sflag:s25] =	ssyncadd.s32 $0xFFFF9C00  }
0x72: {  	[hbm4b:s7+s2] =	stream.linear.scatter [tilespmem:s21], [sflag:$0x8], $0x6400, $0x38;
	[tilespmem:$0x19400] =	vst v63  }
0x73: {  	_ =	swait.ge [sflag:s26], $0x6400  }
0x74: {  	[sflag:s26] =	ssyncset.done $0x0  }
0x75: {  	[sflag:s26] =	ssyncadd.s32 $0xFFFF9C00  }
0x76: {  	_ =	swait.ge [sflag:s28], $0x6400  }
0x77: {  	[sflag:s28] =	ssyncset.done $0x0  }
0x78: {  	p0 =	sne.s32 s0, $0xBEA00;
	[sflag:s28] =	ssyncadd.s32 $0xFFFF9C00  }
.Ltmp0:
0x79: {  	_ =	swait.ge [sflag:s29], $0x6400;
	(pc) =	sbr.rel @p0 .LBB2_2-.Ltmp0, $4  }
0x7a: {  	[sflag:s29] =	ssyncset.done $0x0  }
0x7b: {  	[sflag:s29] =	ssyncadd.s32 $0xFFFF9C00  }
0x7c: {  	s0 =	sadd.s32 $0x3200, s0;
	_ =	swait.ge [sflag:s30], $0x6400  }
0x7d: {  	s4 =	sadd.s32 $0x64, s4;
	s1 =	sadd.s32 $0x64, s1;
	[sflag:s30] =	ssyncset.done $0x0  }
0x7e: {  	[sflag:s30] =	ssyncadd.s32 $0xFFFF9C00;
	s0 =	rddreg [dreg:$0x3]  }
0x7f: {  	[tilespmem:s2], [sflag:$0x9] =	stream.linear.gather [hbm4b:s0+s2], $0xC8, $0x38;
	[tilespmem:$0x19400] =	vst v63  }
0x80: {  	_ =	swait.ge [sflag:s13], $0xC8  }
0x81: {  	[sflag:s13] =	ssyncset.done $0x0  }
0x82: {  	[sflag:s13] =	ssyncadd.s32 $0xFFFFFF38  }
0x83: {  	[tilespmem:s15], [sflag:$0x1] =	stream.indirect.gather [hbm4b:s3+s14], $0x80, s2, s14, $0xb8;
	[tilespmem:$0x19400] =	vst v63  }
0x84: {  	_ =	swait.ge [sflag:s22], $0x6400  }
0x85: {  	[sflag:s22] =	ssyncset.done $0x0  }
0x86: {  	s7 =	rddreg [dreg:$0x4];
	[sflag:s22] =	ssyncadd.s32 $0xFFFF9C00  }
0x87: {  	[hbm4b:s7+s2] =	stream.linear.scatter [tilespmem:s15], [sflag:$0x9], $0x6400, $0x38;
	[tilespmem:$0x19400] =	vst v63  }
0x88: {  	_ =	swait.ge [sflag:s13], $0x6400  }
0x89: {  	[sflag:s13] =	ssyncset.done $0x0  }
0x8a: {  	s8 =	rddreg [dreg:$0x5];
	[sflag:s13] =	ssyncadd.s32 $0xFFFF9C00  }
0x8b: {  	[tilespmem:s16], [sflag:$0x9] =	stream.linear.gather [hbm4b:s8+s2], $0xC8, $0x38;
	[tilespmem:$0x19400] =	vst v63  }
0x8c: {  	_ =	swait.ge [sflag:s13], $0xC8  }
0x8d: {  	[sflag:s13] =	ssyncset.done $0x0  }
0x8e: {  	[sflag:s13] =	ssyncadd.s32 $0xFFFFFF38  }
0x8f: {  	[tilespmem:s17], [sflag:$0x2] =	stream.indirect.gather [hbm4b:s3+s14], $0x80, s16, s14, $0xb8;
	[tilespmem:$0x19400] =	vst v63  }
0x90: {  	_ =	swait.ge [sflag:s23], $0x6400  }
0x91: {  	[sflag:s23] =	ssyncset.done $0x0  }
0x92: {  	s9 =	rddreg [dreg:$0x6];
	[sflag:s23] =	ssyncadd.s32 $0xFFFF9C00  }
0x93: {  	[hbm4b:s9+s2] =	stream.linear.scatter [tilespmem:s17], [sflag:$0x9], $0x6400, $0x38;
	[tilespmem:$0x19400] =	vst v63  }
0x94: {  	_ =	swait.ge [sflag:s13], $0x6400  }
0x95: {  	s31 =	sadd.s32 $0x1, s31;
	s10 =	rddreg [dreg:$0x7]  }
0x96: {  	p0 =	sne.s32 s31, s10  }
.Ltmp1:
0x97: {  	_ = 	snop;
	(pc) =	sbr.rel @p0 .LBB2_1-.Ltmp1, $3  }
0x98: {  	_ =	sdelay $0x1  }
0x99: {  	[sflag:s13] =	ssyncset.done $0x0  }
0x9a: {  	[sflag:s13] =	ssyncadd.s32 $0xFFFF9C00  }
0x9b: {  	_ =	sfence.sel $0x180000  }
0x9c: {  	[bflag:$0x0] =	sbarrier.arrive $0xFFFF  }
0x9d: {  	_ =	strace $0x9000004D  }
0x9e: {  	s0 =	stileid.u32;
	[bflag:$0x2] =	sbarrier.arrive $0xFFFF  }
0x9f: {  	p0 =	sne.s32 s0, $0x0;
	s0 =	rddreg [dreg:$0x1]  }
0xa0: {  	s0 =	sadd.s32 @!p0 $0x100000, s0  }
0xa1: {  	[sflag:s0] =	ssyncadd.tile.s32 @!p0 $0x1;
	_ =	shalt  }
.Lfunc_end2:
_tile_overlayer_lowered:
.L_overlay_start_2:
0xa2: {  	(tag) =	ssettag $0x2  }
0xa3: {  	s0 =	rddreg [dreg:$0x0];
	s2 =	stileid.u32  }
0xa4: {  	s1 =	rddreg [dreg:$0x1];
	p0 =	sne.s32 s2, $0x0  }
0xa5: {  	s3 =	rddreg [dreg:$0x2];
	[bflag:$0x3] =	sbarrier.arrive $0xFFFF;
	s2 =	simm.s32 @!p0 $0x1C09  }
0xa6: {  	[timem:s3], [sflag:s2] =	dma.local @!p0 [hbm:s0], s1  }
0xa7: {  	s0 =	simm.s32 @!p0 $0x9  }
0xa8: {  	_ =	swait.ge @!p0 [sflag:s0], s1  }
0xa9: {  	s1 =	ssub.s32 @!p0 $0x0, s1;
	[sflag:s0] =	ssyncset.done @!p0 $0x0  }
0xaa: {  	[sflag:s0] =	ssyncadd.s32 @!p0 s1  }
0xab: {  	[bflag:$0x3] =	sbarrier.arrive $0xFFFF  }
0xac: {  	_ =	shalt  }

</sc_bundles>
